<compile_context>
chip_gen: v7x
topology: tpu7x:2x2x1
jax: 0.10.2.dev20260603
libtpu: 0.0.44.dev20260713+nightly
codegen_flags: <defaults>
</compile_context>

<pallas_src>
import functools

import jax
import jax.numpy as jnp
from jax import lax
from jax.experimental import pallas as pl
from jax.experimental.pallas import tpu as pltpu
from jax.experimental.pallas import tpu_sc as plsc

N = 10000
E = 320000
V = 30522
S = 8
D = 768
H = 128
NG = 128
NCLS = 8

NC = 2
NS = 16
NW = NC * NS
NPAD = 10240
RPT = NPAD // NS
EPW = E // NW
CED = 200
CEM = 100
CET = 128
TOK = NPAD * S



def _proj_body(t_ref, w_ref, o_ref):
    o_ref[...] = jnp.dot(t_ref[...], w_ref[...],
                         preferred_element_type=jnp.float32)


def _proj(tbl, w1):
    bm = 1536
    return pl.pallas_call(
        _proj_body,
        grid=(pl.cdiv(V, bm),),
        in_specs=[pl.BlockSpec((bm, D), lambda i: (i, 0)),
                  pl.BlockSpec((D, H), lambda i: (0, 0))],
        out_specs=pl.BlockSpec((bm, H), lambda i: (i, 0)),
        out_shape=jax.ShapeDtypeStruct((V, H), jnp.float32),
    )(tbl, w1)


def _prep_body(deg_ref, t_ref, dv_ref, o_ref):
    d = deg_ref[0] + deg_ref[1] + 1.0
    dv = lax.rsqrt(jnp.maximum(d, 1.0))
    dv_ref[...] = dv
    o_ref[...] = (t_ref[0] + t_ref[1]) * (dv[:, :1] * (1.0 / S))


def _prep(deg, tokacc):
    bm = 2048
    return pl.pallas_call(
        _prep_body,
        grid=(NPAD // bm,),
        in_specs=[pl.BlockSpec((NC, bm, 16), lambda i: (0, i, 0)),
                  pl.BlockSpec((NC, bm, H), lambda i: (0, i, 0))],
        out_specs=[pl.BlockSpec((bm, 16), lambda i: (i, 0)),
                   pl.BlockSpec((bm, H), lambda i: (i, 0))],
        out_shape=(jax.ShapeDtypeStruct((NPAD, 16), jnp.float32),
                   jax.ShapeDtypeStruct((NPAD, H), jnp.float32)),
    )(deg, tokacc)


def _mm2_body(acc_ref, hws_ref, dv_ref, w2_ref, b1_ref, o_ref):
    dv = dv_ref[:, :1]
    a = acc_ref[0] + acc_ref[1] + hws_ref[...]
    h1 = jnp.maximum(a * dv + b1_ref[...], 0.0)
    o_ref[...] = jnp.dot(h1, w2_ref[...],
                         preferred_element_type=jnp.float32) * dv


def _mm2(parts, hws, dinv16, w2, b1r):
    bm = 2048
    return pl.pallas_call(
        _mm2_body,
        grid=(NPAD // bm,),
        in_specs=[pl.BlockSpec((NC, bm, H), lambda i: (0, i, 0)),
                  pl.BlockSpec((bm, H), lambda i: (i, 0)),
                  pl.BlockSpec((bm, 16), lambda i: (i, 0)),
                  pl.BlockSpec((H, H), lambda i: (0, 0)),
                  pl.BlockSpec((1, H), lambda i: (0, 0))],
        out_specs=pl.BlockSpec((bm, H), lambda i: (i, 0)),
        out_shape=jax.ShapeDtypeStruct((NPAD, H), jnp.float32),
    )(parts, hws, dinv16, w2, b1r)


def _pool_body(acc_ref, hws_ref, dv_ref, b_ref, b2_ref, wfc_ref, bfc_ref,
               o_ref, g_ref, cnt_ref):
    k = pl.program_id(0)

    @pl.when(k == 0)
    def _():
        g_ref[...] = jnp.zeros_like(g_ref)
        cnt_ref[...] = jnp.zeros_like(cnt_ref)

    ids = b_ref[...]
    eq = (ids[None, :] == lax.broadcasted_iota(jnp.int32, (NG, ids.shape[0]),
                                               0)).astype(jnp.float32)
    h = (acc_ref[0] + acc_ref[1] + hws_ref[...]) * dv_ref[:, :1]
    g_ref[...] += jnp.dot(eq, h, preferred_element_type=jnp.float32)
    cnt_ref[...] += jnp.sum(eq, axis=1, keepdims=True)

    @pl.when(k == pl.num_programs(0) - 1)
    def _():
        cnt = cnt_ref[...]
        g = (g_ref[...] / jnp.maximum(cnt, 1.0)
             + b2_ref[...] * (cnt > 0.0).astype(jnp.float32))
        o_ref[...] = jnp.dot(g, wfc_ref[...],
                             preferred_element_type=jnp.float32) + bfc_ref[...]


def _pool(parts, hws, dinv16, batp, b2r, wfc, bfcr):
    bk = 2048
    return pl.pallas_call(
        _pool_body,
        grid=(NPAD // bk,),
        in_specs=[pl.BlockSpec((NC, bk, H), lambda i: (0, i, 0)),
                  pl.BlockSpec((bk, H), lambda i: (i, 0)),
                  pl.BlockSpec((bk, 16), lambda i: (i, 0)),
                  pl.BlockSpec((bk,), lambda i: (i,)),
                  pl.BlockSpec((1, H), lambda i: (0, 0)),
                  pl.BlockSpec((H, NCLS), lambda i: (0, 0)),
                  pl.BlockSpec((1, NCLS), lambda i: (0, 0))],
        out_specs=pl.BlockSpec((NG, NCLS), lambda i: (0, 0)),
        out_shape=jax.ShapeDtypeStruct((NG, NCLS), jnp.float32),
        scratch_shapes=[pltpu.VMEM((NG, H), jnp.float32),
                        pltpu.VMEM((NG, 1), jnp.float32)],
    )(parts, hws, dinv16, batp, b2r, wfc, bfcr)



@functools.cache
def _sc_kernels():
    mesh = plsc.VectorSubcoreMesh(core_axis_name="c", subcore_axis_name="s",
                                  num_cores=NC, num_subcores=NS)

    ndch = EPW // CED

    @functools.partial(
        pl.kernel,
        compiler_params=pltpu.CompilerParams(use_tc_tiling_on_sc=False),
        out_type=jax.ShapeDtypeStruct((NC, NPAD, 16), jnp.float32),
        mesh=mesh,
        scratch_types=[
            pltpu.VMEM((ndch, CED), jnp.int32),
            pltpu.VMEM((CED, 16), jnp.float32),
            pltpu.VMEM((RPT, 16), jnp.float32),
            pltpu.VMEM_SHARED((NPAD, 16), jnp.float32),
            pltpu.SemaphoreType.DMA,
        ],
    )
    def _deg(dst2_hbm, out_hbm, di_v, ones_v, zb_v, acc_sh, semd):
        c = lax.axis_index("c")
        s = lax.axis_index("s")
        wid = s * NC + c

        pltpu.sync_copy(dst2_hbm.at[pl.ds(wid * ndch, ndch)], di_v)

        @pl.loop(0, CED)
        def _fill(r):
            ones_v[r] = jnp.ones((16,), jnp.float32)

        @pl.loop(0, RPT)
        def _zero(r):
            zb_v[r] = jnp.zeros((16,), jnp.float32)

        pltpu.sync_copy(zb_v, acc_sh.at[pl.ds(s * RPT, RPT)])
        plsc.subcore_barrier()

        @pl.loop(0, ndch)
        def _chunk(i):
            pltpu.async_copy(ones_v, acc_sh.at[di_v.at[i]], semd, add=True)

        @pl.loop(0, ndch)
        def _drain(i):
            pltpu.make_async_copy(ones_v, acc_sh.at[di_v.at[i]], semd).wait()

        plsc.subcore_barrier()
        pltpu.sync_copy(acc_sh.at[pl.ds(s * RPT, RPT)],
                        out_hbm.at[c, pl.ds(s * RPT, RPT)])

    def _make_scat(tot, ce, name):
        nch = tot // NW // ce
        assert tot % (NW * ce) == 0 and nch % 2 == 0
        zsegs = []
        off = 0
        while off < RPT:
            step = min(ce, RPT - off)
            zsegs.append((off, step))
            off += step

        @functools.partial(
            pl.kernel,
            compiler_params=pltpu.CompilerParams(use_tc_tiling_on_sc=False),
            out_type=jax.ShapeDtypeStruct((NC, NPAD, H), jnp.float32),
            mesh=mesh,
            scratch_types=[
                pltpu.VMEM((nch, ce), jnp.int32),
                pltpu.VMEM((nch, ce), jnp.int32),
                pltpu.VMEM((ce, H), jnp.float32),
                pltpu.VMEM((ce, H), jnp.float32),
                pltpu.VMEM_SHARED((NPAD, H), jnp.float32),
                pltpu.SemaphoreType.DMA,
                pltpu.SemaphoreType.DMA,
            ],
            name=name,
        )
        def _scat(tbl_hbm, si2_hbm, di2_hbm, out_hbm, si_v, di_v,
                  rows0_v, rows1_v, acc_sh, sem0, sem1):
            c = lax.axis_index("c")
            s = lax.axis_index("s")
            wid = s * NC + c

            pltpu.sync_copy(si2_hbm.at[pl.ds(wid * nch, nch)], si_v)
            pltpu.sync_copy(di2_hbm.at[pl.ds(wid * nch, nch)], di_v)

            @pl.loop(0, ce)
            def _z(r):
                for k in range(H // 16):
                    rows0_v[r, pl.ds(16 * k, 16)] = jnp.zeros((16,),
                                                              jnp.float32)

            for off, step in zsegs:
                pltpu.sync_copy(rows0_v.at[pl.ds(0, step)],
                                acc_sh.at[pl.ds(s * RPT + off, step)])
            plsc.subcore_barrier()

            pltpu.async_copy(tbl_hbm.at[si_v.at[0]], rows0_v, sem0)
            pltpu.async_copy(tbl_hbm.at[si_v.at[1]], rows1_v, sem1)

            @pl.loop(0, nch // 2)
            def _chunk(i2):
                i = i2 * 2
                pltpu.make_async_copy(tbl_hbm.at[si_v.at[i]], rows0_v,
                                      sem0).wait()
                pltpu.sync_copy(rows0_v, acc_sh.at[di_v.at[i]], add=True)

                @pl.when(i + 2 < nch)
                def _():
                    pltpu.async_copy(tbl_hbm.at[si_v.at[i + 2]], rows0_v, sem0)

                pltpu.make_async_copy(tbl_hbm.at[si_v.at[i + 1]], rows1_v,
                                      sem1).wait()
                pltpu.sync_copy(rows1_v, acc_sh.at[di_v.at[i + 1]], add=True)

                @pl.when(i + 3 < nch)
                def _():
                    pltpu.async_copy(tbl_hbm.at[si_v.at[i + 3]], rows1_v, sem1)

            plsc.subcore_barrier()
            pltpu.sync_copy(acc_sh.at[pl.ds(s * RPT, RPT)],
                            out_hbm.at[c, pl.ds(s * RPT, RPT)])

        return _scat

    return (_deg, _make_scat(TOK, CET, "sc_tok_scatter"),
            _make_scat(E, CEM, "sc_msg_scatter"))



def kernel(x, edge_index, batch, emb_table, W1, b1, W2, b2, Wfc, bfc):
    x = x.astype(jnp.int32)
    ei = edge_index.astype(jnp.int32)
    bat = batch.astype(jnp.int32)

    ntch = TOK // CET
    xf2 = jnp.pad(x, ((0, NPAD - N), (0, 0))).T.reshape(ntch // NW, NW, CET)
    xf2 = xf2.swapaxes(0, 1).reshape(ntch, CET)
    nrep2 = (jnp.arange(TOK, dtype=jnp.int32) % NPAD).reshape(
        ntch // NW, NW, CET).swapaxes(0, 1).reshape(ntch, CET)
    src2 = ei[0].reshape(E // CEM, CEM)
    dst2 = ei[1].reshape(E // CEM, CEM)
    batp = jnp.pad(bat, (0, NPAD - N), constant_values=-1)

    _deg, _scat_tok, _scat_msg = _sc_kernels()
    p = _proj(emb_table, W1)
    deg = _deg(ei[1].reshape(E // CED, CED))
    tokacc = _scat_tok(p, xf2, nrep2)
    dinv16, hw1s = _prep(deg, tokacc)
    parts1 = _scat_msg(hw1s, src2, dst2)
    hw2s = _mm2(parts1, hw1s, dinv16, W2, b1.reshape(1, H))
    parts2 = _scat_msg(hw2s, src2, dst2)
    return _pool(parts2, hw2s, dinv16, batp, b2.reshape(1, H), Wfc,
                 bfc.reshape(1, NCLS))

# --- scband reference (transcript-rebuilt; emitter-appended) ---
"""Pipeline reference for scband-srlgcn-56418690400424 (READ-ONLY COPY).

The authoritative reference and input builder live on the scoring server;
editing this copy changes nothing except your own understanding.
"""

import jax, jax.numpy as jnp
import numpy as np

N_NODES = 10000
N_EDGES = 320000
VOCAB = 30522
SEQ_LEN = 8
BERT_DIM = 768
HIDDEN = 128
NUM_CLASSES = 8
NUM_GRAPHS = 128


def setup_inputs(seed: int = 0) -> dict:
    key = jax.random.key(seed)
    ks = jax.random.split(key, 10)
    x = jax.random.randint(ks[0], (N_NODES, SEQ_LEN), 0, VOCAB, dtype=jnp.int64)
    edge_index = jax.random.randint(ks[1], (2, N_EDGES), 0, N_NODES, dtype=jnp.int64)
    batch = jnp.sort(jax.random.randint(ks[2], (N_NODES,), 0, NUM_GRAPHS, dtype=jnp.int64))
    emb_table = jax.random.normal(ks[3], (VOCAB, BERT_DIM), dtype=jnp.float32) * 0.02
    W1 = jax.random.normal(ks[4], (BERT_DIM, HIDDEN), dtype=jnp.float32) * (1.0 / np.sqrt(BERT_DIM))
    b1 = jnp.zeros((HIDDEN,), dtype=jnp.float32)
    W2 = jax.random.normal(ks[5], (HIDDEN, HIDDEN), dtype=jnp.float32) * (1.0 / np.sqrt(HIDDEN))
    b2 = jnp.zeros((HIDDEN,), dtype=jnp.float32)
    Wfc = jax.random.normal(ks[6], (HIDDEN, NUM_CLASSES), dtype=jnp.float32) * (1.0 / np.sqrt(HIDDEN))
    bfc = jnp.zeros((NUM_CLASSES,), dtype=jnp.float32)
    return {"x": x, "edge_index": edge_index, "batch": batch, "emb_table": emb_table,
            "W1": W1, "b1": b1, "W2": W2, "b2": b2, "Wfc": Wfc, "bfc": bfc}


def gcn_conv(h, edge_index, W, b, num_nodes):
    # GCNConv: symmetric normalization with self-loops; out = A_hat @ (h W) + b
    hw = h @ W
    src = edge_index[0]
    dst = edge_index[1]
    loop = jnp.arange(num_nodes, dtype=src.dtype)
    src = jnp.concatenate([src, loop])
    dst = jnp.concatenate([dst, loop])
    ones = jnp.ones(src.shape[0], dtype=hw.dtype)
    deg = jnp.zeros((num_nodes,), dtype=hw.dtype).at[dst].add(ones)
    dinv = 1.0 / jnp.sqrt(jnp.maximum(deg, 1.0))
    norm = dinv[src] * dinv[dst]
    msg = hw[src] * norm[:, None]
    out = jnp.zeros((num_nodes, hw.shape[1]), dtype=hw.dtype).at[dst].add(msg)
    return out + b


def global_mean_pool(h, batch, num_graphs):
    sums = jax.ops.segment_sum(h, batch, num_segments=num_graphs)
    counts = jax.ops.segment_sum(jnp.ones((h.shape[0],), dtype=h.dtype), batch, num_segments=num_graphs)
    return sums / jnp.maximum(counts, 1.0)[:, None]


def reference(x, edge_index, batch, emb_table, W1, b1, W2, b2, Wfc, bfc):
    # BERT encoder approximated as token-embedding lookup + mean pool over tokens
    # (detached / no_grad in the original); keeps the gather-dominated pattern.
    emb = jnp.take(emb_table, x, axis=0).mean(axis=1)  # [N, 768]
    emb = jax.lax.stop_gradient(emb)
    h = jax.nn.relu(gcn_conv(emb, edge_index, W1, b1, N_NODES))
    # dropout p=0.3 is identity in eval mode
    h = gcn_conv(h, edge_index, W2, b2, N_NODES)
    g = global_mean_pool(h, batch, NUM_GRAPHS)
    return g @ Wfc + bfc

if __name__ == "__main__":
    import jax
    _d = setup_inputs()
    print(jax.jit(kernel)(*tuple(_d.values())))

</pallas_src>

<mosaic_0001>
#map = affine_map<(d0, d1) -> (0, 0)>
#map1 = affine_map<(d0, d1) -> (0, 0, 0)>
module attributes {stable_mosaic.version = 14 : i64} {
  func.func @_deg(%arg0: i32, %arg1: i32, %arg2: memref<1600x200xi32, #tpu.memory_space<hbm>>, %arg3: memref<2x10240x16xf32, #tpu.memory_space<hbm>>, %arg4: memref<50x200xi32, #tpu.memory_space<vmem>>, %arg5: memref<200x16xf32, #tpu.memory_space<vmem>>, %arg6: memref<640x16xf32, #tpu.memory_space<vmem>>, %arg7: memref<10240x16xf32, #tpu.memory_space<vmem_shared>>, %arg8: memref<!tpu.dma_semaphore, #tpu.memory_space<semaphore_mem>>) attributes {dimension_semantics = [#tpu.dimension_semantics<core_parallel>, #tpu.dimension_semantics<subcore_parallel>], iteration_bounds = array<i64: 2, 16>, scalar_prefetch = 0 : i64, scratch_operands = 5 : i64, tpu.core_type = #tpu.core_type<sc_vector_subcore>, window_params = [{transform_indices = #map}, {transform_indices = #map1}]} {
    %mul3A = arith.constant 2 : i32
    %mul3A_0 = arith.muli %arg1, %mul3A : i32
    %add3A = arith.addi %mul3A_0, %arg0 : i32
    %mul3A_1 = arith.constant 50 : i32
    %mul3A_2 = arith.muli %add3A, %mul3A_1 : i32
    "tpu.region"() ({
      %run_scoped3A = tpu.sem_alloc : memref<!tpu.dma_semaphore, #tpu.memory_space<semaphore_mem>>
      %dma_start3A = arith.constant 0 : i32
      %dma_start3A_29 = tpu.memref_slice %arg2[%mul3A_2, %dma_start3A] : memref<1600x200xi32, #tpu.memory_space<hbm>> -> memref<50x200xi32, #tpu.memory_space<hbm>>
      %dma_start3A_30 = arith.constant 0 : i32
      %dma_start3A_31 = tpu.memref_slice %arg2[%mul3A_2, %dma_start3A_30] : memref<1600x200xi32, #tpu.memory_space<hbm>> -> memref<50x200xi32, #tpu.memory_space<hbm>>
      tpu.enqueue_dma source(%dma_start3A_31 : memref<50x200xi32, #tpu.memory_space<hbm>>) target(%arg4 : memref<50x200xi32, #tpu.memory_space<vmem>>) target_semaphore(%run_scoped3A : memref<!tpu.dma_semaphore, #tpu.memory_space<semaphore_mem>>)
      %dma_wait3A = arith.constant 0 : i32
      %dma_wait3A_32 = tpu.memref_slice %arg2[%mul3A_2, %dma_wait3A] : memref<1600x200xi32, #tpu.memory_space<hbm>> -> memref<50x200xi32, #tpu.memory_space<hbm>>
      %dma_wait3A_33 = arith.constant 0 : i32
      %dma_wait3A_34 = tpu.memref_slice %arg2[%mul3A_2, %dma_wait3A_33] : memref<1600x200xi32, #tpu.memory_space<hbm>> -> memref<50x200xi32, #tpu.memory_space<hbm>>
      tpu.wait_dma2 semaphore(%run_scoped3A : memref<!tpu.dma_semaphore, #tpu.memory_space<semaphore_mem>>) src(%dma_wait3A_34 : memref<50x200xi32, #tpu.memory_space<hbm>>) dst(%arg4 : memref<50x200xi32, #tpu.memory_space<vmem>>)
      tpu.yield
    }) : () -> ()
    %scan3A = arith.constant 0 : i32
    %scan3A_3 = arith.constant 200 : i32
    %scan3A_4 = arith.addi %scan3A, %scan3A_3 : i32
    %scan3A_5 = arith.constant 1 : i32
    scf.for %scan3A_29 = %scan3A to %scan3A_4 step %scan3A_5  : i32 {
      %mul3A_30 = arith.constant 1 : i32
      %mul3A_31 = arith.muli %scan3A_29, %mul3A_30 : i32
      %add3A_32 = arith.constant 0 : i32
      %add3A_33 = arith.addi %add3A_32, %mul3A_31 : i32
      %broadcast_in_dim3A = arith.constant 1.000000e+00 : f32
      %broadcast_in_dim3A_34 = vector.broadcast %broadcast_in_dim3A : f32 to vector<16xf32>
      %swap3A = arith.index_cast %add3A_33 : i32 to index
      %swap3A_35 = arith.constant 0 : index
      %swap3A_36 = tpu.vector_load %arg5[%swap3A, %swap3A_35] {strides = array<i32>} : memref<200x16xf32, #tpu.memory_space<vmem>>, vector<1x16xf32>,
      %swap3A_37 = vector.shape_cast %swap3A_36 : vector<1x16xf32> to vector<16xf32>
      %swap3A_38 = vector.shape_cast %broadcast_in_dim3A_34 : vector<16xf32> to vector<1x16xf32>
      tpu.vector_store %arg5[%swap3A, %swap3A_35], %swap3A_38 {strides = array<i32>} : memref<200x16xf32, #tpu.memory_space<vmem>>, vector<1x16xf32>,
    }
    %scan3A_6 = arith.constant 200 : i32
    %scan3A_7 = arith.constant 0 : i32
    %scan3A_8 = arith.constant 640 : i32
    %scan3A_9 = arith.addi %scan3A_7, %scan3A_8 : i32
    %scan3A_10 = arith.constant 1 : i32
    scf.for %scan3A_29 = %scan3A_7 to %scan3A_9 step %scan3A_10  : i32 {
      %mul3A_30 = arith.constant 1 : i32
      %mul3A_31 = arith.muli %scan3A_29, %mul3A_30 : i32
      %add3A_32 = arith.constant 0 : i32
      %add3A_33 = arith.addi %add3A_32, %mul3A_31 : i32
      %broadcast_in_dim3A = arith.constant 0.000000e+00 : f32
      %broadcast_in_dim3A_34 = vector.broadcast %broadcast_in_dim3A : f32 to vector<16xf32>
      %swap3A = arith.index_cast %add3A_33 : i32 to index
      %swap3A_35 = arith.constant 0 : index
      %swap3A_36 = tpu.vector_load %arg6[%swap3A, %swap3A_35] {strides = array<i32>} : memref<640x16xf32, #tpu.memory_space<vmem>>, vector<1x16xf32>,
      %swap3A_37 = vector.shape_cast %swap3A_36 : vector<1x16xf32> to vector<16xf32>
      %swap3A_38 = vector.shape_cast %broadcast_in_dim3A_34 : vector<16xf32> to vector<1x16xf32>
      tpu.vector_store %arg6[%swap3A, %swap3A_35], %swap3A_38 {strides = array<i32>} : memref<640x16xf32, #tpu.memory_space<vmem>>, vector<1x16xf32>,
    }
    %scan3A_11 = arith.constant 640 : i32
    %mul3A_12 = arith.constant 640 : i32
    %mul3A_13 = arith.muli %arg1, %mul3A_12 : i32
    "tpu.region"() ({
      %run_scoped3A = tpu.sem_alloc : memref<!tpu.dma_semaphore, #tpu.memory_space<semaphore_mem>>
      %dma_start3A = arith.constant 0 : i32
      %dma_start3A_29 = tpu.memref_slice %arg7[%mul3A_13, %dma_start3A] : memref<10240x16xf32, #tpu.memory_space<vmem_shared>> -> memref<640x16xf32, #tpu.memory_space<vmem_shared>>
      %dma_start3A_30 = arith.constant 0 : i32
      %dma_start3A_31 = tpu.memref_slice %arg7[%mul3A_13, %dma_start3A_30] : memref<10240x16xf32, #tpu.memory_space<vmem_shared>> -> memref<640x16xf32, #tpu.memory_space<vmem_shared>>
      tpu.enqueue_dma source(%arg6 : memref<640x16xf32, #tpu.memory_space<vmem>>) target(%dma_start3A_31 : memref<640x16xf32, #tpu.memory_space<vmem_shared>>) target_semaphore(%run_scoped3A : memref<!tpu.dma_semaphore, #tpu.memory_space<semaphore_mem>>)
      %dma_wait3A = arith.constant 0 : i32
      %dma_wait3A_32 = tpu.memref_slice %arg7[%mul3A_13, %dma_wait3A] : memref<10240x16xf32, #tpu.memory_space<vmem_shared>> -> memref<640x16xf32, #tpu.memory_space<vmem_shared>>
      %dma_wait3A_33 = arith.constant 0 : i32
      %dma_wait3A_34 = tpu.memref_slice %arg7[%mul3A_13, %dma_wait3A_33] : memref<10240x16xf32, #tpu.memory_space<vmem_shared>> -> memref<640x16xf32, #tpu.memory_space<vmem_shared>>
      tpu.wait_dma2 semaphore(%run_scoped3A : memref<!tpu.dma_semaphore, #tpu.memory_space<semaphore_mem>>) src(%arg6 : memref<640x16xf32, #tpu.memory_space<vmem>>) dst(%dma_wait3A_34 : memref<640x16xf32, #tpu.memory_space<vmem_shared>>)
      tpu.yield
    }) : () -> ()
    %barrier3A = arith.constant 0 : index
    tpu.barrier barrier_id(%barrier3A)
    %scan3A_14 = arith.constant 0 : i32
    %scan3A_15 = arith.constant 50 : i32
    %scan3A_16 = arith.addi %scan3A_14, %scan3A_15 : i32
    %scan3A_17 = arith.constant 1 : i32
    scf.for %scan3A_29 = %scan3A_14 to %scan3A_16 step %scan3A_17  : i32 {
      %mul3A_30 = arith.constant 1 : i32
      %mul3A_31 = arith.muli %scan3A_29, %mul3A_30 : i32
      %add3A_32 = arith.constant 0 : i32
      %add3A_33 = arith.addi %add3A_32, %mul3A_31 : i32
      %dma_start3A = arith.constant 0 : i32
      %dma_start3A_34 = tpu.memref_slice %arg4[%add3A_33, %dma_start3A] : memref<50x200xi32, #tpu.memory_space<vmem>> -> memref<1x200xi32, #tpu.memory_space<vmem>>
      %dma_start3A_35 = tpu.memref_squeeze %dma_start3A_34 : memref<1x200xi32, #tpu.memory_space<vmem>> -> memref<200xi32, #tpu.memory_space<vmem>>
      %dma_start3A_36 = arith.constant 0 : i32
      %dma_start3A_37 = arith.constant 0 : i32
      %dma_start3A_38 = tpu.memref_slice %arg7[%dma_start3A_36, %dma_start3A_37] : memref<10240x16xf32, #tpu.memory_space<vmem_shared>> -> memref<10240x16xf32, #tpu.memory_space<vmem_shared>>
      tpu.enqueue_indirect_dma source(%arg5 : memref<200x16xf32, #tpu.memory_space<vmem>>) target(%dma_start3A_38 : memref<10240x16xf32, #tpu.memory_space<vmem_shared>>) offsets(%dma_start3A_35 : memref<200xi32, #tpu.memory_space<vmem>>) semaphore(%arg8 : memref<!tpu.dma_semaphore, #tpu.memory_space<semaphore_mem>>) {add = true}
    }
    %scan3A_18 = arith.constant 50 : i32
    %scan3A_19 = arith.constant 0 : i32
    %scan3A_20 = arith.constant 50 : i32
    %scan3A_21 = arith.addi %scan3A_19, %scan3A_20 : i32
    %scan3A_22 = arith.constant 1 : i32
    scf.for %scan3A_29 = %scan3A_19 to %scan3A_21 step %scan3A_22  : i32 {
      %mul3A_30 = arith.constant 1 : i32
      %mul3A_31 = arith.muli %scan3A_29, %mul3A_30 : i32
      %add3A_32 = arith.constant 0 : i32
      %add3A_33 = arith.addi %add3A_32, %mul3A_31 : i32
      %dma_wait3A = arith.constant 0 : i32
      %dma_wait3A_34 = tpu.memref_slice %arg4[%add3A_33, %dma_wait3A] : memref<50x200xi32, #tpu.memory_space<vmem>> -> memref<1x200xi32, #tpu.memory_space<vmem>>
      %dma_wait3A_35 = tpu.memref_squeeze %dma_wait3A_34 : memref<1x200xi32, #tpu.memory_space<vmem>> -> memref<200xi32, #tpu.memory_space<vmem>>
      %dma_wait3A_36 = arith.constant 0 : i32
      %dma_wait3A_37 = arith.constant 0 : i32
      %dma_wait3A_38 = tpu.memref_slice %arg7[%dma_wait3A_36, %dma_wait3A_37] : memref<10240x16xf32, #tpu.memory_space<vmem_shared>> -> memref<10240x16xf32, #tpu.memory_space<vmem_shared>>
      tpu.wait_indirect_dma semaphore(%arg8 : memref<!tpu.dma_semaphore, #tpu.memory_space<semaphore_mem>>) src(%arg5 : memref<200x16xf32, #tpu.memory_space<vmem>>) dst(%dma_wait3A_38 : memref<10240x16xf32, #tpu.memory_space<vmem_shared>>)
    }
    %scan3A_23 = arith.constant 50 : i32
    %barrier3A_24 = arith.constant 0 : index
    tpu.barrier barrier_id(%barrier3A_24)
    %mul3A_25 = arith.constant 640 : i32
    %mul3A_26 = arith.muli %arg1, %mul3A_25 : i32
    %mul3A_27 = arith.constant 640 : i32
    %mul3A_28 = arith.muli %arg1, %mul3A_27 : i32
    "tpu.region"() ({
      %run_scoped3A = tpu.sem_alloc : memref<!tpu.dma_semaphore, #tpu.memory_space<semaphore_mem>>
      %dma_start3A = arith.constant 0 : i32
      %dma_start3A_29 = tpu.memref_slice %arg3[%arg0, %mul3A_28, %dma_start3A] : memref<2x10240x16xf32, #tpu.memory_space<hbm>> -> memref<1x640x16xf32, #tpu.memory_space<hbm>>
      %dma_start3A_30 = tpu.memref_squeeze %dma_start3A_29 : memref<1x640x16xf32, #tpu.memory_space<hbm>> -> memref<640x16xf32, #tpu.memory_space<hbm>>
      %dma_start3A_31 = arith.constant 0 : i32
      %dma_start3A_32 = tpu.memref_slice %arg7[%mul3A_26, %dma_start3A_31] : memref<10240x16xf32, #tpu.memory_space<vmem_shared>> -> memref<640x16xf32, #tpu.memory_space<vmem_shared>>
      tpu.enqueue_dma source(%dma_start3A_32 : memref<640x16xf32, #tpu.memory_space<vmem_shared>>) target(%dma_start3A_30 : memref<640x16xf32, #tpu.memory_space<hbm>>) target_semaphore(%run_scoped3A : memref<!tpu.dma_semaphore, #tpu.memory_space<semaphore_mem>>)
      %dma_wait3A = arith.constant 0 : i32
      %dma_wait3A_33 = tpu.memref_slice %arg3[%arg0, %mul3A_28, %dma_wait3A] : memref<2x10240x16xf32, #tpu.memory_space<hbm>> -> memref<1x640x16xf32, #tpu.memory_space<hbm>>
      %dma_wait3A_34 = tpu.memref_squeeze %dma_wait3A_33 : memref<1x640x16xf32, #tpu.memory_space<hbm>> -> memref<640x16xf32, #tpu.memory_space<hbm>>
      %dma_wait3A_35 = arith.constant 0 : i32
      %dma_wait3A_36 = tpu.memref_slice %arg7[%mul3A_26, %dma_wait3A_35] : memref<10240x16xf32, #tpu.memory_space<vmem_shared>> -> memref<640x16xf32, #tpu.memory_space<vmem_shared>>
      tpu.wait_dma2 semaphore(%run_scoped3A : memref<!tpu.dma_semaphore, #tpu.memory_space<semaphore_mem>>) src(%dma_wait3A_36 : memref<640x16xf32, #tpu.memory_space<vmem_shared>>) dst(%dma_wait3A_34 : memref<640x16xf32, #tpu.memory_space<hbm>>)
      tpu.yield
    }) : () -> ()
    return
  }
}

#map = affine_map<(d0, d1) -> (0, 0)>
#map1 = affine_map<(d0, d1) -> (0, 0, 0)>
module attributes {stable_mosaic.version = 14 : i64} {
  func.func @sc_tok_scatter(%arg0: i32, %arg1: i32, %arg2: memref<30522x128xf32, #tpu.memory_space<hbm>>, %arg3: memref<640x128xi32, #tpu.memory_space<hbm>>, %arg4: memref<640x128xi32, #tpu.memory_space<hbm>>, %arg5: memref<2x10240x128xf32, #tpu.memory_space<hbm>>, %arg6: memref<20x128xi32, #tpu.memory_space<vmem>>, %arg7: memref<20x128xi32, #tpu.memory_space<vmem>>, %arg8: memref<128x128xf32, #tpu.memory_space<vmem>>, %arg9: memref<128x128xf32, #tpu.memory_space<vmem>>, %arg10: memref<10240x128xf32, #tpu.memory_space<vmem_shared>>, %arg11: memref<!tpu.dma_semaphore, #tpu.memory_space<semaphore_mem>>, %arg12: memref<!tpu.dma_semaphore, #tpu.memory_space<semaphore_mem>>) attributes {dimension_semantics = [#tpu.dimension_semantics<core_parallel>, #tpu.dimension_semantics<subcore_parallel>], iteration_bounds = array<i64: 2, 16>, scalar_prefetch = 0 : i64, scratch_operands = 7 : i64, tpu.core_type = #tpu.core_type<sc_vector_subcore>, window_params = [{transform_indices = #map}, {transform_indices = #map}, {transform_indices = #map}, {transform_indices = #map1}]} {
    %mul3A = arith.constant 2 : i32
    %mul3A_0 = arith.muli %arg1, %mul3A : i32
    %add3A = arith.addi %mul3A_0, %arg0 : i32
    %mul3A_1 = arith.constant 20 : i32
    %mul3A_2 = arith.muli %add3A, %mul3A_1 : i32
    "tpu.region"() ({
      %run_scoped3A = tpu.sem_alloc : memref<!tpu.dma_semaphore, #tpu.memory_space<semaphore_mem>>
      %dma_start3A_52 = arith.constant 0 : i32
      %dma_start3A_53 = tpu.memref_slice %arg3[%mul3A_2, %dma_start3A_52] : memref<640x128xi32, #tpu.memory_space<hbm>> -> memref<20x128xi32, #tpu.memory_space<hbm>>
      %dma_start3A_54 = arith.constant 0 : i32
      %dma_start3A_55 = tpu.memref_slice %arg3[%mul3A_2, %dma_start3A_54] : memref<640x128xi32, #tpu.memory_space<hbm>> -> memref<20x128xi32, #tpu.memory_space<hbm>>
      tpu.enqueue_dma source(%dma_start3A_55 : memref<20x128xi32, #tpu.memory_space<hbm>>) target(%arg6 : memref<20x128xi32, #tpu.memory_space<vmem>>) target_semaphore(%run_scoped3A : memref<!tpu.dma_semaphore, #tpu.memory_space<semaphore_mem>>)
      %dma_wait3A = arith.constant 0 : i32
      %dma_wait3A_56 = tpu.memref_slice %arg3[%mul3A_2, %dma_wait3A] : memref<640x128xi32, #tpu.memory_space<hbm>> -> memref<20x128xi32, #tpu.memory_space<hbm>>
      %dma_wait3A_57 = arith.constant 0 : i32
      %dma_wait3A_58 = tpu.memref_slice %arg3[%mul3A_2, %dma_wait3A_57] : memref<640x128xi32, #tpu.memory_space<hbm>> -> memref<20x128xi32, #tpu.memory_space<hbm>>
      tpu.wait_dma2 semaphore(%run_scoped3A : memref<!tpu.dma_semaphore, #tpu.memory_space<semaphore_mem>>) src(%dma_wait3A_58 : memref<20x128xi32, #tpu.memory_space<hbm>>) dst(%arg6 : memref<20x128xi32, #tpu.memory_space<vmem>>)
      tpu.yield
    }) : () -> ()
    %mul3A_3 = arith.constant 20 : i32
    %mul3A_4 = arith.muli %add3A, %mul3A_3 : i32
    "tpu.region"() ({
      %run_scoped3A = tpu.sem_alloc : memref<!tpu.dma_semaphore, #tpu.memory_space<semaphore_mem>>
      %dma_start3A_52 = arith.constant 0 : i32
      %dma_start3A_53 = tpu.memref_slice %arg4[%mul3A_4, %dma_start3A_52] : memref<640x128xi32, #tpu.memory_space<hbm>> -> memref<20x128xi32, #tpu.memory_space<hbm>>
      %dma_start3A_54 = arith.constant 0 : i32
      %dma_start3A_55 = tpu.memref_slice %arg4[%mul3A_4, %dma_start3A_54] : memref<640x128xi32, #tpu.memory_space<hbm>> -> memref<20x128xi32, #tpu.memory_space<hbm>>
      tpu.enqueue_dma source(%dma_start3A_55 : memref<20x128xi32, #tpu.memory_space<hbm>>) target(%arg7 : memref<20x128xi32, #tpu.memory_space<vmem>>) target_semaphore(%run_scoped3A : memref<!tpu.dma_semaphore, #tpu.memory_space<semaphore_mem>>)
      %dma_wait3A = arith.constant 0 : i32
      %dma_wait3A_56 = tpu.memref_slice %arg4[%mul3A_4, %dma_wait3A] : memref<640x128xi32, #tpu.memory_space<hbm>> -> memref<20x128xi32, #tpu.memory_space<hbm>>
      %dma_wait3A_57 = arith.constant 0 : i32
      %dma_wait3A_58 = tpu.memref_slice %arg4[%mul3A_4, %dma_wait3A_57] : memref<640x128xi32, #tpu.memory_space<hbm>> -> memref<20x128xi32, #tpu.memory_space<hbm>>
      tpu.wait_dma2 semaphore(%run_scoped3A : memref<!tpu.dma_semaphore, #tpu.memory_space<semaphore_mem>>) src(%dma_wait3A_58 : memref<20x128xi32, #tpu.memory_space<hbm>>) dst(%arg7 : memref<20x128xi32, #tpu.memory_space<vmem>>)
      tpu.yield
    }) : () -> ()
    %scan3A = arith.constant 0 : i32
    %scan3A_5 = arith.constant 128 : i32
    %scan3A_6 = arith.addi %scan3A, %scan3A_5 : i32
    %scan3A_7 = arith.constant 1 : i32
    scf.for %scan3A_52 = %scan3A to %scan3A_6 step %scan3A_7  : i32 {
      %mul3A_53 = arith.constant 1 : i32
      %mul3A_54 = arith.muli %scan3A_52, %mul3A_53 : i32
      %add3A_55 = arith.constant 0 : i32
      %add3A_56 = arith.addi %add3A_55, %mul3A_54 : i32
      %broadcast_in_dim3A = arith.constant 0.000000e+00 : f32
      %broadcast_in_dim3A_57 = vector.broadcast %broadcast_in_dim3A : f32 to vector<16xf32>
      %swap3A = arith.index_cast %add3A_56 : i32 to index
      %swap3A_58 = arith.constant 0 : index
      %swap3A_59 = tpu.vector_load %arg8[%swap3A, %swap3A_58] {strides = array<i32>} : memref<128x128xf32, #tpu.memory_space<vmem>>, vector<1x16xf32>,
      %swap3A_60 = vector.shape_cast %swap3A_59 : vector<1x16xf32> to vector<16xf32>
      %swap3A_61 = vector.shape_cast %broadcast_in_dim3A_57 : vector<16xf32> to vector<1x16xf32>
      tpu.vector_store %arg8[%swap3A, %swap3A_58], %swap3A_61 {strides = array<i32>} : memref<128x128xf32, #tpu.memory_space<vmem>>, vector<1x16xf32>,
      %broadcast_in_dim3A_62 = arith.constant 0.000000e+00 : f32
      %broadcast_in_dim3A_63 = vector.broadcast %broadcast_in_dim3A_62 : f32 to vector<16xf32>
      %swap3A_64 = arith.index_cast %add3A_56 : i32 to index
      %swap3A_65 = arith.constant 16 : index
      %swap3A_66 = tpu.vector_load %arg8[%swap3A_64, %swap3A_65] {strides = array<i32>} : memref<128x128xf32, #tpu.memory_space<vmem>>, vector<1x16xf32>,
      %swap3A_67 = vector.shape_cast %swap3A_66 : vector<1x16xf32> to vector<16xf32>
      %swap3A_68 = vector.shape_cast %broadcast_in_dim3A_63 : vector<16xf32> to vector<1x16xf32>
      tpu.vector_store %arg8[%swap3A_64, %swap3A_65], %swap3A_68 {strides = array<i32>} : memref<128x128xf32, #tpu.memory_space<vmem>>, vector<1x16xf32>,
      %broadcast_in_dim3A_69 = arith.constant 0.000000e+00 : f32
      %broadcast_in_dim3A_70 = vector.broadcast %broadcast_in_dim3A_69 : f32 to vector<16xf32>
      %swap3A_71 = arith.index_cast %add3A_56 : i32 to index
      %swap3A_72 = arith.constant 32 : index
      %swap3A_73 = tpu.vector_load %arg8[%swap3A_71, %swap3A_72] {strides = array<i32>} : memref<128x128xf32, #tpu.memory_space<vmem>>, vector<1x16xf32>,
      %swap3A_74 = vector.shape_cast %swap3A_73 : vector<1x16xf32> to vector<16xf32>
      %swap3A_75 = vector.shape_cast %broadcast_in_dim3A_70 : vector<16xf32> to vector<1x16xf32>
      tpu.vector_store %arg8[%swap3A_71, %swap3A_72], %swap3A_75 {strides = array<i32>} : memref<128x128xf32, #tpu.memory_space<vmem>>, vector<1x16xf32>,
      %broadcast_in_dim3A_76 = arith.constant 0.000000e+00 : f32
      %broadcast_in_dim3A_77 = vector.broadcast %broadcast_in_dim3A_76 : f32 to vector<16xf32>
      %swap3A_78 = arith.index_cast %add3A_56 : i32 to index
      %swap3A_79 = arith.constant 48 : index
      %swap3A_80 = tpu.vector_load %arg8[%swap3A_78, %swap3A_79] {strides = array<i32>} : memref<128x128xf32, #tpu.memory_space<vmem>>, vector<1x16xf32>,
      %swap3A_81 = vector.shape_cast %swap3A_80 : vector<1x16xf32> to vector<16xf32>
      %swap3A_82 = vector.shape_cast %broadcast_in_dim3A_77 : vector<16xf32> to vector<1x16xf32>
      tpu.vector_store %arg8[%swap3A_78, %swap3A_79], %swap3A_82 {strides = array<i32>} : memref<128x128xf32, #tpu.memory_space<vmem>>, vector<1x16xf32>,
      %broadcast_in_dim3A_83 = arith.constant 0.000000e+00 : f32
      %broadcast_in_dim3A_84 = vector.broadcast %broadcast_in_dim3A_83 : f32 to vector<16xf32>
      %swap3A_85 = arith.index_cast %add3A_56 : i32 to index
      %swap3A_86 = arith.constant 64 : index
      %swap3A_87 = tpu.vector_load %arg8[%swap3A_85, %swap3A_86] {strides = array<i32>} : memref<128x128xf32, #tpu.memory_space<vmem>>, vector<1x16xf32>,
      %swap3A_88 = vector.shape_cast %swap3A_87 : vector<1x16xf32> to vector<16xf32>
      %swap3A_89 = vector.shape_cast %broadcast_in_dim3A_84 : vector<16xf32> to vector<1x16xf32>
      tpu.vector_store %arg8[%swap3A_85, %swap3A_86], %swap3A_89 {strides = array<i32>} : memref<128x128xf32, #tpu.memory_space<vmem>>, vector<1x16xf32>,
      %broadcast_in_dim3A_90 = arith.constant 0.000000e+00 : f32
      %broadcast_in_dim3A_91 = vector.broadcast %broadcast_in_dim3A_90 : f32 to vector<16xf32>
      %swap3A_92 = arith.index_cast %add3A_56 : i32 to index
      %swap3A_93 = arith.constant 80 : index
      %swap3A_94 = tpu.vector_load %arg8[%swap3A_92, %swap3A_93] {strides = array<i32>} : memref<128x128xf32, #tpu.memory_space<vmem>>, vector<1x16xf32>,
      %swap3A_95 = vector.shape_cast %swap3A_94 : vector<1x16xf32> to vector<16xf32>
      %swap3A_96 = vector.shape_cast %broadcast_in_dim3A_91 : vector<16xf32> to vector<1x16xf32>
      tpu.vector_store %arg8[%swap3A_92, %swap3A_93], %swap3A_96 {strides = array<i32>} : memref<128x128xf32, #tpu.memory_space<vmem>>, vector<1x16xf32>,
      %broadcast_in_dim3A_97 = arith.constant 0.000000e+00 : f32
      %broadcast_in_dim3A_98 = vector.broadcast %broadcast_in_dim3A_97 : f32 to vector<16xf32>
      %swap3A_99 = arith.index_cast %add3A_56 : i32 to index
      %swap3A_100 = arith.constant 96 : index
      %swap3A_101 = tpu.vector_load %arg8[%swap3A_99, %swap3A_100] {strides = array<i32>} : memref<128x128xf32, #tpu.memory_space<vmem>>, vector<1x16xf32>,
      %swap3A_102 = vector.shape_cast %swap3A_101 : vector<1x16xf32> to vector<16xf32>
      %swap3A_103 = vector.shape_cast %broadcast_in_dim3A_98 : vector<16xf32> to vector<1x16xf32>
      tpu.vector_store %arg8[%swap3A_99, %swap3A_100], %swap3A_103 {strides = array<i32>} : memref<128x128xf32, #tpu.memory_space<vmem>>, vector<1x16xf32>,
      %broadcast_in_dim3A_104 = arith.constant 0.000000e+00 : f32
      %broadcast_in_dim3A_105 = vector.broadcast %broadcast_in_dim3A_104 : f32 to vector<16xf32>
      %swap3A_106 = arith.index_cast %add3A_56 : i32 to index
      %swap3A_107 = arith.constant 112 : index
      %swap3A_108 = tpu.vector_load %arg8[%swap3A_106, %swap3A_107] {strides = array<i32>} : memref<128x128xf32, #tpu.memory_space<vmem>>, vector<1x16xf32>,
      %swap3A_109 = vector.shape_cast %swap3A_108 : vector<1x16xf32> to vector<16xf32>
      %swap3A_110 = vector.shape_cast %broadcast_in_dim3A_105 : vector<16xf32> to vector<1x16xf32>
      tpu.vector_store %arg8[%swap3A_106, %swap3A_107], %swap3A_110 {strides = array<i32>} : memref<128x128xf32, #tpu.memory_space<vmem>>, vector<1x16xf32>,
    }
    %scan3A_8 = arith.constant 128 : i32
    %mul3A_9 = arith.constant 640 : i32
    %mul3A_10 = arith.muli %arg1, %mul3A_9 : i32
    %add3A_11 = arith.constant 0 : i32
    %add3A_12 = arith.addi %mul3A_10, %add3A_11 : i32
    "tpu.region"() ({
      %run_scoped3A = tpu.sem_alloc : memref<!tpu.dma_semaphore, #tpu.memory_space<semaphore_mem>>
      %dma_start3A_52 = arith.constant 0 : i32
      %dma_start3A_53 = arith.constant 0 : i32
      %dma_start3A_54 = tpu.memref_slice %arg8[%dma_start3A_52, %dma_start3A_53] : memref<128x128xf32, #tpu.memory_space<vmem>> -> memref<128x128xf32, #tpu.memory_space<vmem>>
      %dma_start3A_55 = arith.constant 0 : i32
      %dma_start3A_56 = tpu.memref_slice %arg10[%add3A_12, %dma_start3A_55] : memref<10240x128xf32, #tpu.memory_space<vmem_shared>> -> memref<128x128xf32, #tpu.memory_space<vmem_shared>>
      %dma_start3A_57 = arith.constant 0 : i32
      %dma_start3A_58 = tpu.memref_slice %arg10[%add3A_12, %dma_start3A_57] : memref<10240x128xf32, #tpu.memory_space<vmem_shared>> -> memref<128x128xf32, #tpu.memory_space<vmem_shared>>
      %dma_start3A_59 = arith.constant 0 : i32
      %dma_start3A_60 = arith.constant 0 : i32
      %dma_start3A_61 = tpu.memref_slice %arg8[%dma_start3A_59, %dma_start3A_60] : memref<128x128xf32, #tpu.memory_space<vmem>> -> memref<128x128xf32, #tpu.memory_space<vmem>>
      tpu.enqueue_dma source(%dma_start3A_61 : memref<128x128xf32, #tpu.memory_space<vmem>>) target(%dma_start3A_58 : memref<128x128xf32, #tpu.memory_space<vmem_shared>>) target_semaphore(%run_scoped3A : memref<!tpu.dma_semaphore, #tpu.memory_space<semaphore_mem>>)
      %dma_wait3A = arith.constant 0 : i32
      %dma_wait3A_62 = arith.constant 0 : i32
      %dma_wait3A_63 = tpu.memref_slice %arg8[%dma_wait3A, %dma_wait3A_62] : memref<128x128xf32, #tpu.memory_space<vmem>> -> memref<128x128xf32, #tpu.memory_space<vmem>>
      %dma_wait3A_64 = arith.constant 0 : i32
      %dma_wait3A_65 = tpu.memref_slice %arg10[%add3A_12, %dma_wait3A_64] : memref<10240x128xf32, #tpu.memory_space<vmem_shared>> -> memref<128x128xf32, #tpu.memory_space<vmem_shared>>
      %dma_wait3A_66 = arith.constant 0 : i32
      %dma_wait3A_67 = tpu.memref_slice %arg10[%add3A_12, %dma_wait3A_66] : memref<10240x128xf32, #tpu.memory_space<vmem_shared>> -> memref<128x128xf32, #tpu.memory_space<vmem_shared>>
      %dma_wait3A_68 = arith.constant 0 : i32
      %dma_wait3A_69 = arith.constant 0 : i32
      %dma_wait3A_70 = tpu.memref_slice %arg8[%dma_wait3A_68, %dma_wait3A_69] : memref<128x128xf32, #tpu.memory_space<vmem>> -> memref<128x128xf32, #tpu.memory_space<vmem>>
      tpu.wait_dma2 semaphore(%run_scoped3A : memref<!tpu.dma_semaphore, #tpu.memory_space<semaphore_mem>>) src(%dma_wait3A_70 : memref<128x128xf32, #tpu.memory_space<vmem>>) dst(%dma_wait3A_67 : memref<128x128xf32, #tpu.memory_space<vmem_shared>>)
      tpu.yield
    }) : () -> ()
    %mul3A_13 = arith.constant 640 : i32
    %mul3A_14 = arith.muli %arg1, %mul3A_13 : i32
    %add3A_15 = arith.constant 128 : i32
    %add3A_16 = arith.addi %mul3A_14, %add3A_15 : i32
    "tpu.region"() ({
      %run_scoped3A = tpu.sem_alloc : memref<!tpu.dma_semaphore, #tpu.memory_space<semaphore_mem>>
      %dma_start3A_52 = arith.constant 0 : i32
      %dma_start3A_53 = arith.constant 0 : i32
      %dma_start3A_54 = tpu.memref_slice %arg8[%dma_start3A_52, %dma_start3A_53] : memref<128x128xf32, #tpu.memory_space<vmem>> -> memref<128x128xf32, #tpu.memory_space<vmem>>
      %dma_start3A_55 = arith.constant 0 : i32
      %dma_start3A_56 = tpu.memref_slice %arg10[%add3A_16, %dma_start3A_55] : memref<10240x128xf32, #tpu.memory_space<vmem_shared>> -> memref<128x128xf32, #tpu.memory_space<vmem_shared>>
      %dma_start3A_57 = arith.constant 0 : i32
      %dma_start3A_58 = tpu.memref_slice %arg10[%add3A_16, %dma_start3A_57] : memref<10240x128xf32, #tpu.memory_space<vmem_shared>> -> memref<128x128xf32, #tpu.memory_space<vmem_shared>>
      %dma_start3A_59 = arith.constant 0 : i32
      %dma_start3A_60 = arith.constant 0 : i32
      %dma_start3A_61 = tpu.memref_slice %arg8[%dma_start3A_59, %dma_start3A_60] : memref<128x128xf32, #tpu.memory_space<vmem>> -> memref<128x128xf32, #tpu.memory_space<vmem>>
      tpu.enqueue_dma source(%dma_start3A_61 : memref<128x128xf32, #tpu.memory_space<vmem>>) target(%dma_start3A_58 : memref<128x128xf32, #tpu.memory_space<vmem_shared>>) target_semaphore(%run_scoped3A : memref<!tpu.dma_semaphore, #tpu.memory_space<semaphore_mem>>)
      %dma_wait3A = arith.constant 0 : i32
      %dma_wait3A_62 = arith.constant 0 : i32
      %dma_wait3A_63 = tpu.memref_slice %arg8[%dma_wait3A, %dma_wait3A_62] : memref<128x128xf32, #tpu.memory_space<vmem>> -> memref<128x128xf32, #tpu.memory_space<vmem>>
      %dma_wait3A_64 = arith.constant 0 : i32
      %dma_wait3A_65 = tpu.memref_slice %arg10[%add3A_16, %dma_wait3A_64] : memref<10240x128xf32, #tpu.memory_space<vmem_shared>> -> memref<128x128xf32, #tpu.memory_space<vmem_shared>>
      %dma_wait3A_66 = arith.constant 0 : i32
      %dma_wait3A_67 = tpu.memref_slice %arg10[%add3A_16, %dma_wait3A_66] : memref<10240x128xf32, #tpu.memory_space<vmem_shared>> -> memref<128x128xf32, #tpu.memory_space<vmem_shared>>
      %dma_wait3A_68 = arith.constant 0 : i32
      %dma_wait3A_69 = arith.constant 0 : i32
      %dma_wait3A_70 = tpu.memref_slice %arg8[%dma_wait3A_68, %dma_wait3A_69] : memref<128x128xf32, #tpu.memory_space<vmem>> -> memref<128x128xf32, #tpu.memory_space<vmem>>
      tpu.wait_dma2 semaphore(%run_scoped3A : memref<!tpu.dma_semaphore, #tpu.memory_space<semaphore_mem>>) src(%dma_wait3A_70 : memref<128x128xf32, #tpu.memory_space<vmem>>) dst(%dma_wait3A_67 : memref<128x128xf32, #tpu.memory_space<vmem_shared>>)
      tpu.yield
    }) : () -> ()
    %mul3A_17 = arith.constant 640 : i32
    %mul3A_18 = arith.muli %arg1, %mul3A_17 : i32
    %add3A_19 = arith.constant 256 : i32
    %add3A_20 = arith.addi %mul3A_18, %add3A_19 : i32
    "tpu.region"() ({
      %run_scoped3A = tpu.sem_alloc : memref<!tpu.dma_semaphore, #tpu.memory_space<semaphore_mem>>
      %dma_start3A_52 = arith.constant 0 : i32
      %dma_start3A_53 = arith.constant 0 : i32
      %dma_start3A_54 = tpu.memref_slice %arg8[%dma_start3A_52, %dma_start3A_53] : memref<128x128xf32, #tpu.memory_space<vmem>> -> memref<128x128xf32, #tpu.memory_space<vmem>>
      %dma_start3A_55 = arith.constant 0 : i32
      %dma_start3A_56 = tpu.memref_slice %arg10[%add3A_20, %dma_start3A_55] : memref<10240x128xf32, #tpu.memory_space<vmem_shared>> -> memref<128x128xf32, #tpu.memory_space<vmem_shared>>
      %dma_start3A_57 = arith.constant 0 : i32
      %dma_start3A_58 = tpu.memref_slice %arg10[%add3A_20, %dma_start3A_57] : memref<10240x128xf32, #tpu.memory_space<vmem_shared>> -> memref<128x128xf32, #tpu.memory_space<vmem_shared>>
      %dma_start3A_59 = arith.constant 0 : i32
      %dma_start3A_60 = arith.constant 0 : i32
      %dma_start3A_61 = tpu.memref_slice %arg8[%dma_start3A_59, %dma_start3A_60] : memref<128x128xf32, #tpu.memory_space<vmem>> -> memref<128x128xf32, #tpu.memory_space<vmem>>
      tpu.enqueue_dma source(%dma_start3A_61 : memref<128x128xf32, #tpu.memory_space<vmem>>) target(%dma_start3A_58 : memref<128x128xf32, #tpu.memory_space<vmem_shared>>) target_semaphore(%run_scoped3A : memref<!tpu.dma_semaphore, #tpu.memory_space<semaphore_mem>>)
      %dma_wait3A = arith.constant 0 : i32
      %dma_wait3A_62 = arith.constant 0 : i32
      %dma_wait3A_63 = tpu.memref_slice %arg8[%dma_wait3A, %dma_wait3A_62] : memref<128x128xf32, #tpu.memory_space<vmem>> -> memref<128x128xf32, #tpu.memory_space<vmem>>
      %dma_wait3A_64 = arith.constant 0 : i32
      %dma_wait3A_65 = tpu.memref_slice %arg10[%add3A_20, %dma_wait3A_64] : memref<10240x128xf32, #tpu.memory_space<vmem_shared>> -> memref<128x128xf32, #tpu.memory_space<vmem_shared>>
      %dma_wait3A_66 = arith.constant 0 : i32
      %dma_wait3A_67 = tpu.memref_slice %arg10[%add3A_20, %dma_wait3A_66] : memref<10240x128xf32, #tpu.memory_space<vmem_shared>> -> memref<128x128xf32, #tpu.memory_space<vmem_shared>>
      %dma_wait3A_68 = arith.constant 0 : i32
      %dma_wait3A_69 = arith.constant 0 : i32
      %dma_wait3A_70 = tpu.memref_slice %arg8[%dma_wait3A_68, %dma_wait3A_69] : memref<128x128xf32, #tpu.memory_space<vmem>> -> memref<128x128xf32, #tpu.memory_space<vmem>>
      tpu.wait_dma2 semaphore(%run_scoped3A : memref<!tpu.dma_semaphore, #tpu.memory_space<semaphore_mem>>) src(%dma_wait3A_70 : memref<128x128xf32, #tpu.memory_space<vmem>>) dst(%dma_wait3A_67 : memref<128x128xf32, #tpu.memory_space<vmem_shared>>)
      tpu.yield
    }) : () -> ()
    %mul3A_21 = arith.constant 640 : i32
    %mul3A_22 = arith.muli %arg1, %mul3A_21 : i32
    %add3A_23 = arith.constant 384 : i32
    %add3A_24 = arith.addi %mul3A_22, %add3A_23 : i32
    "tpu.region"() ({
      %run_scoped3A = tpu.sem_alloc : memref<!tpu.dma_semaphore, #tpu.memory_space<semaphore_mem>>
      %dma_start3A_52 = arith.constant 0 : i32
      %dma_start3A_53 = arith.constant 0 : i32
      %dma_start3A_54 = tpu.memref_slice %arg8[%dma_start3A_52, %dma_start3A_53] : memref<128x128xf32, #tpu.memory_space<vmem>> -> memref<128x128xf32, #tpu.memory_space<vmem>>
      %dma_start3A_55 = arith.constant 0 : i32
      %dma_start3A_56 = tpu.memref_slice %arg10[%add3A_24, %dma_start3A_55] : memref<10240x128xf32, #tpu.memory_space<vmem_shared>> -> memref<128x128xf32, #tpu.memory_space<vmem_shared>>
      %dma_start3A_57 = arith.constant 0 : i32
      %dma_start3A_58 = tpu.memref_slice %arg10[%add3A_24, %dma_start3A_57] : memref<10240x128xf32, #tpu.memory_space<vmem_shared>> -> memref<128x128xf32, #tpu.memory_space<vmem_shared>>
      %dma_start3A_59 = arith.constant 0 : i32
      %dma_start3A_60 = arith.constant 0 : i32
      %dma_start3A_61 = tpu.memref_slice %arg8[%dma_start3A_59, %dma_start3A_60] : memref<128x128xf32, #tpu.memory_space<vmem>> -> memref<128x128xf32, #tpu.memory_space<vmem>>
      tpu.enqueue_dma source(%dma_start3A_61 : memref<128x128xf32, #tpu.memory_space<vmem>>) target(%dma_start3A_58 : memref<128x128xf32, #tpu.memory_space<vmem_shared>>) target_semaphore(%run_scoped3A : memref<!tpu.dma_semaphore, #tpu.memory_space<semaphore_mem>>)
      %dma_wait3A = arith.constant 0 : i32
      %dma_wait3A_62 = arith.constant 0 : i32
      %dma_wait3A_63 = tpu.memref_slice %arg8[%dma_wait3A, %dma_wait3A_62] : memref<128x128xf32, #tpu.memory_space<vmem>> -> memref<128x128xf32, #tpu.memory_space<vmem>>
      %dma_wait3A_64 = arith.constant 0 : i32
      %dma_wait3A_65 = tpu.memref_slice %arg10[%add3A_24, %dma_wait3A_64] : memref<10240x128xf32, #tpu.memory_space<vmem_shared>> -> memref<128x128xf32, #tpu.memory_space<vmem_shared>>
      %dma_wait3A_66 = arith.constant 0 : i32
      %dma_wait3A_67 = tpu.memref_slice %arg10[%add3A_24, %dma_wait3A_66] : memref<10240x128xf32, #tpu.memory_space<vmem_shared>> -> memref<128x128xf32, #tpu.memory_space<vmem_shared>>
      %dma_wait3A_68 = arith.constant 0 : i32
      %dma_wait3A_69 = arith.constant 0 : i32
      %dma_wait3A_70 = tpu.memref_slice %arg8[%dma_wait3A_68, %dma_wait3A_69] : memref<128x128xf32, #tpu.memory_space<vmem>> -> memref<128x128xf32, #tpu.memory_space<vmem>>
      tpu.wait_dma2 semaphore(%run_scoped3A : memref<!tpu.dma_semaphore, #tpu.memory_space<semaphore_mem>>) src(%dma_wait3A_70 : memref<128x128xf32, #tpu.memory_space<vmem>>) dst(%dma_wait3A_67 : memref<128x128xf32, #tpu.memory_space<vmem_shared>>)
      tpu.yield
    }) : () -> ()
    %mul3A_25 = arith.constant 640 : i32
    %mul3A_26 = arith.muli %arg1, %mul3A_25 : i32
    %add3A_27 = arith.constant 512 : i32
    %add3A_28 = arith.addi %mul3A_26, %add3A_27 : i32
    "tpu.region"() ({
      %run_scoped3A = tpu.sem_alloc : memref<!tpu.dma_semaphore, #tpu.memory_space<semaphore_mem>>
      %dma_start3A_52 = arith.constant 0 : i32
      %dma_start3A_53 = arith.constant 0 : i32
      %dma_start3A_54 = tpu.memref_slice %arg8[%dma_start3A_52, %dma_start3A_53] : memref<128x128xf32, #tpu.memory_space<vmem>> -> memref<128x128xf32, #tpu.memory_space<vmem>>
      %dma_start3A_55 = arith.constant 0 : i32
      %dma_start3A_56 = tpu.memref_slice %arg10[%add3A_28, %dma_start3A_55] : memref<10240x128xf32, #tpu.memory_space<vmem_shared>> -> memref<128x128xf32, #tpu.memory_space<vmem_shared>>
      %dma_start3A_57 = arith.constant 0 : i32
      %dma_start3A_58 = tpu.memref_slice %arg10[%add3A_28, %dma_start3A_57] : memref<10240x128xf32, #tpu.memory_space<vmem_shared>> -> memref<128x128xf32, #tpu.memory_space<vmem_shared>>
      %dma_start3A_59 = arith.constant 0 : i32
      %dma_start3A_60 = arith.constant 0 : i32
      %dma_start3A_61 = tpu.memref_slice %arg8[%dma_start3A_59, %dma_start3A_60] : memref<128x128xf32, #tpu.memory_space<vmem>> -> memref<128x128xf32, #tpu.memory_space<vmem>>
      tpu.enqueue_dma source(%dma_start3A_61 : memref<128x128xf32, #tpu.memory_space<vmem>>) target(%dma_start3A_58 : memref<128x128xf32, #tpu.memory_space<vmem_shared>>) target_semaphore(%run_scoped3A : memref<!tpu.dma_semaphore, #tpu.memory_space<semaphore_mem>>)
      %dma_wait3A = arith.constant 0 : i32
      %dma_wait3A_62 = arith.constant 0 : i32
      %dma_wait3A_63 = tpu.memref_slice %arg8[%dma_wait3A, %dma_wait3A_62] : memref<128x128xf32, #tpu.memory_space<vmem>> -> memref<128x128xf32, #tpu.memory_space<vmem>>
      %dma_wait3A_64 = arith.constant 0 : i32
      %dma_wait3A_65 = tpu.memref_slice %arg10[%add3A_28, %dma_wait3A_64] : memref<10240x128xf32, #tpu.memory_space<vmem_shared>> -> memref<128x128xf32, #tpu.memory_space<vmem_shared>>
      %dma_wait3A_66 = arith.constant 0 : i32
      %dma_wait3A_67 = tpu.memref_slice %arg10[%add3A_28, %dma_wait3A_66] : memref<10240x128xf32, #tpu.memory_space<vmem_shared>> -> memref<128x128xf32, #tpu.memory_space<vmem_shared>>
      %dma_wait3A_68 = arith.constant 0 : i32
      %dma_wait3A_69 = arith.constant 0 : i32
      %dma_wait3A_70 = tpu.memref_slice %arg8[%dma_wait3A_68, %dma_wait3A_69] : memref<128x128xf32, #tpu.memory_space<vmem>> -> memref<128x128xf32, #tpu.memory_space<vmem>>
      tpu.wait_dma2 semaphore(%run_scoped3A : memref<!tpu.dma_semaphore, #tpu.memory_space<semaphore_mem>>) src(%dma_wait3A_70 : memref<128x128xf32, #tpu.memory_space<vmem>>) dst(%dma_wait3A_67 : memref<128x128xf32, #tpu.memory_space<vmem_shared>>)
      tpu.yield
    }) : () -> ()
    %barrier3A = arith.constant 0 : index
    tpu.barrier barrier_id(%barrier3A)
    %dma_start3A = arith.constant 0 : i32
    %dma_start3A_29 = arith.constant 0 : i32
    %dma_start3A_30 = tpu.memref_slice %arg6[%dma_start3A, %dma_start3A_29] : memref<20x128xi32, #tpu.memory_space<vmem>> -> memref<1x128xi32, #tpu.memory_space<vmem>>
    %dma_start3A_31 = tpu.memref_squeeze %dma_start3A_30 : memref<1x128xi32, #tpu.memory_space<vmem>> -> memref<128xi32, #tpu.memory_space<vmem>>
    %dma_start3A_32 = arith.constant 0 : i32
    %dma_start3A_33 = arith.constant 0 : i32
    %dma_start3A_34 = tpu.memref_slice %arg2[%dma_start3A_32, %dma_start3A_33] : memref<30522x128xf32, #tpu.memory_space<hbm>> -> memref<30522x128xf32, #tpu.memory_space<hbm>>
    tpu.enqueue_indirect_dma source(%dma_start3A_34 : memref<30522x128xf32, #tpu.memory_space<hbm>>) target(%arg8 : memref<128x128xf32, #tpu.memory_space<vmem>>) offsets(%dma_start3A_31 : memref<128xi32, #tpu.memory_space<vmem>>) semaphore(%arg11 : memref<!tpu.dma_semaphore, #tpu.memory_space<semaphore_mem>>)
    %dma_start3A_35 = arith.constant 1 : i32
    %dma_start3A_36 = arith.constant 0 : i32
    %dma_start3A_37 = tpu.memref_slice %arg6[%dma_start3A_35, %dma_start3A_36] : memref<20x128xi32, #tpu.memory_space<vmem>> -> memref<1x128xi32, #tpu.memory_space<vmem>>
    %dma_start3A_38 = tpu.memref_squeeze %dma_start3A_37 : memref<1x128xi32, #tpu.memory_space<vmem>> -> memref<128xi32, #tpu.memory_space<vmem>>
    %dma_start3A_39 = arith.constant 0 : i32
    %dma_start3A_40 = arith.constant 0 : i32
    %dma_start3A_41 = tpu.memref_slice %arg2[%dma_start3A_39, %dma_start3A_40] : memref<30522x128xf32, #tpu.memory_space<hbm>> -> memref<30522x128xf32, #tpu.memory_space<hbm>>
    tpu.enqueue_indirect_dma source(%dma_start3A_41 : memref<30522x128xf32, #tpu.memory_space<hbm>>) target(%arg9 : memref<128x128xf32, #tpu.memory_space<vmem>>) offsets(%dma_start3A_38 : memref<128xi32, #tpu.memory_space<vmem>>) semaphore(%arg12 : memref<!tpu.dma_semaphore, #tpu.memory_space<semaphore_mem>>)
    %scan3A_42 = arith.constant 0 : i32
    %scan3A_43 = arith.constant 10 : i32
    %scan3A_44 = arith.addi %scan3A_42, %scan3A_43 : i32
    %scan3A_45 = arith.constant 1 : i32
    scf.for %scan3A_52 = %scan3A_42 to %scan3A_44 step %scan3A_45  : i32 {
      %mul3A_53 = arith.constant 1 : i32
      %mul3A_54 = arith.muli %scan3A_52, %mul3A_53 : i32
      %add3A_55 = arith.constant 0 : i32
      %add3A_56 = arith.addi %add3A_55, %mul3A_54 : i32
      %mul3A_57 = arith.constant 2 : i32
      %mul3A_58 = arith.muli %add3A_56, %mul3A_57 : i32
      %dma_wait3A = arith.constant 0 : i32
      %dma_wait3A_59 = tpu.memref_slice %arg6[%mul3A_58, %dma_wait3A] : memref<20x128xi32, #tpu.memory_space<vmem>> -> memref<1x128xi32, #tpu.memory_space<vmem>>
      %dma_wait3A_60 = tpu.memref_squeeze %dma_wait3A_59 : memref<1x128xi32, #tpu.memory_space<vmem>> -> memref<128xi32, #tpu.memory_space<vmem>>
      %dma_wait3A_61 = arith.constant 0 : i32
      %dma_wait3A_62 = arith.constant 0 : i32
      %dma_wait3A_63 = tpu.memref_slice %arg2[%dma_wait3A_61, %dma_wait3A_62] : memref<30522x128xf32, #tpu.memory_space<hbm>> -> memref<30522x128xf32, #tpu.memory_space<hbm>>
      tpu.wait_indirect_dma semaphore(%arg11 : memref<!tpu.dma_semaphore, #tpu.memory_space<semaphore_mem>>) src(%dma_wait3A_63 : memref<30522x128xf32, #tpu.memory_space<hbm>>) dst(%arg8 : memref<128x128xf32, #tpu.memory_space<vmem>>)
      "tpu.region"() ({
        %run_scoped3A = tpu.sem_alloc : memref<!tpu.dma_semaphore, #tpu.memory_space<semaphore_mem>>
        %dma_start3A_85 = arith.constant 0 : i32
        %dma_start3A_86 = tpu.memref_slice %arg7[%mul3A_58, %dma_start3A_85] : memref<20x128xi32, #tpu.memory_space<vmem>> -> memref<1x128xi32, #tpu.memory_space<vmem>>
        %dma_start3A_87 = tpu.memref_squeeze %dma_start3A_86 : memref<1x128xi32, #tpu.memory_space<vmem>> -> memref<128xi32, #tpu.memory_space<vmem>>
        %dma_start3A_88 = arith.constant 0 : i32
        %dma_start3A_89 = arith.constant 0 : i32
        %dma_start3A_90 = tpu.memref_slice %arg10[%dma_start3A_88, %dma_start3A_89] : memref<10240x128xf32, #tpu.memory_space<vmem_shared>> -> memref<10240x128xf32, #tpu.memory_space<vmem_shared>>
        tpu.enqueue_indirect_dma source(%arg8 : memref<128x128xf32, #tpu.memory_space<vmem>>) target(%dma_start3A_90 : memref<10240x128xf32, #tpu.memory_space<vmem_shared>>) offsets(%dma_start3A_87 : memref<128xi32, #tpu.memory_space<vmem>>) semaphore(%run_scoped3A : memref<!tpu.dma_semaphore, #tpu.memory_space<semaphore_mem>>) {add = true}
        %dma_wait3A_91 = arith.constant 0 : i32
        %dma_wait3A_92 = tpu.memref_slice %arg7[%mul3A_58, %dma_wait3A_91] : memref<20x128xi32, #tpu.memory_space<vmem>> -> memref<1x128xi32, #tpu.memory_space<vmem>>
        %dma_wait3A_93 = tpu.memref_squeeze %dma_wait3A_92 : memref<1x128xi32, #tpu.memory_space<vmem>> -> memref<128xi32, #tpu.memory_space<vmem>>
        %dma_wait3A_94 = arith.constant 0 : i32
        %dma_wait3A_95 = arith.constant 0 : i32
        %dma_wait3A_96 = tpu.memref_slice %arg10[%dma_wait3A_94, %dma_wait3A_95] : memref<10240x128xf32, #tpu.memory_space<vmem_shared>> -> memref<10240x128xf32, #tpu.memory_space<vmem_shared>>
        tpu.wait_indirect_dma semaphore(%run_scoped3A : memref<!tpu.dma_semaphore, #tpu.memory_space<semaphore_mem>>) src(%arg8 : memref<128x128xf32, #tpu.memory_space<vmem>>) dst(%dma_wait3A_96 : memref<10240x128xf32, #tpu.memory_space<vmem_shared>>)
        tpu.yield
      }) : () -> ()
      %add3A_64 = arith.constant 2 : i32
      %add3A_65 = arith.addi %mul3A_58, %add3A_64 : i32
      %lt3A = arith.constant 20 : i32
      %lt3A_66 = arith.cmpi slt, %add3A_65, %lt3A : i32
      %convert_element_type3A = arith.extui %lt3A_66 : i1 to i32
      %cond3A = arith.constant 0 : i32
      %cond3A_67 = arith.cmpi ne, %convert_element_type3A, %cond3A : i32
      scf.if %cond3A_67 {
        %add3A_85 = arith.constant 2 : i32
        %add3A_86 = arith.addi %mul3A_58, %add3A_85 : i32
        %dma_start3A_87 = arith.constant 0 : i32
        %dma_start3A_88 = tpu.memref_slice %arg6[%add3A_86, %dma_start3A_87] : memref<20x128xi32, #tpu.memory_space<vmem>> -> memref<1x128xi32, #tpu.memory_space<vmem>>
        %dma_start3A_89 = tpu.memref_squeeze %dma_start3A_88 : memref<1x128xi32, #tpu.memory_space<vmem>> -> memref<128xi32, #tpu.memory_space<vmem>>
        %dma_start3A_90 = arith.constant 0 : i32
        %dma_start3A_91 = arith.constant 0 : i32
        %dma_start3A_92 = tpu.memref_slice %arg2[%dma_start3A_90, %dma_start3A_91] : memref<30522x128xf32, #tpu.memory_space<hbm>> -> memref<30522x128xf32, #tpu.memory_space<hbm>>
        tpu.enqueue_indirect_dma source(%dma_start3A_92 : memref<30522x128xf32, #tpu.memory_space<hbm>>) target(%arg8 : memref<128x128xf32, #tpu.memory_space<vmem>>) offsets(%dma_start3A_89 : memref<128xi32, #tpu.memory_space<vmem>>) semaphore(%arg11 : memref<!tpu.dma_semaphore, #tpu.memory_space<semaphore_mem>>)
      } else {
      }
      %add3A_68 = arith.constant 1 : i32
      %add3A_69 = arith.addi %mul3A_58, %add3A_68 : i32
      %dma_wait3A_70 = arith.constant 0 : i32
      %dma_wait3A_71 = tpu.memref_slice %arg6[%add3A_69, %dma_wait3A_70] : memref<20x128xi32, #tpu.memory_space<vmem>> -> memref<1x128xi32, #tpu.memory_space<vmem>>
      %dma_wait3A_72 = tpu.memref_squeeze %dma_wait3A_71 : memref<1x128xi32, #tpu.memory_space<vmem>> -> memref<128xi32, #tpu.memory_space<vmem>>
      %dma_wait3A_73 = arith.constant 0 : i32
      %dma_wait3A_74 = arith.constant 0 : i32
      %dma_wait3A_75 = tpu.memref_slice %arg2[%dma_wait3A_73, %dma_wait3A_74] : memref<30522x128xf32, #tpu.memory_space<hbm>> -> memref<30522x128xf32, #tpu.memory_space<hbm>>
      tpu.wait_indirect_dma semaphore(%arg12 : memref<!tpu.dma_semaphore, #tpu.memory_space<semaphore_mem>>) src(%dma_wait3A_75 : memref<30522x128xf32, #tpu.memory_space<hbm>>) dst(%arg9 : memref<128x128xf32, #tpu.memory_space<vmem>>)
      %add3A_76 = arith.constant 1 : i32
      %add3A_77 = arith.addi %mul3A_58, %add3A_76 : i32
      "tpu.region"() ({
        %run_scoped3A = tpu.sem_alloc : memref<!tpu.dma_semaphore, #tpu.memory_space<semaphore_mem>>
        %dma_start3A_85 = arith.constant 0 : i32
        %dma_start3A_86 = tpu.memref_slice %arg7[%add3A_77, %dma_start3A_85] : memref<20x128xi32, #tpu.memory_space<vmem>> -> memref<1x128xi32, #tpu.memory_space<vmem>>
        %dma_start3A_87 = tpu.memref_squeeze %dma_start3A_86 : memref<1x128xi32, #tpu.memory_space<vmem>> -> memref<128xi32, #tpu.memory_space<vmem>>
        %dma_start3A_88 = arith.constant 0 : i32
        %dma_start3A_89 = arith.constant 0 : i32
        %dma_start3A_90 = tpu.memref_slice %arg10[%dma_start3A_88, %dma_start3A_89] : memref<10240x128xf32, #tpu.memory_space<vmem_shared>> -> memref<10240x128xf32, #tpu.memory_space<vmem_shared>>
        tpu.enqueue_indirect_dma source(%arg9 : memref<128x128xf32, #tpu.memory_space<vmem>>) target(%dma_start3A_90 : memref<10240x128xf32, #tpu.memory_space<vmem_shared>>) offsets(%dma_start3A_87 : memref<128xi32, #tpu.memory_space<vmem>>) semaphore(%run_scoped3A : memref<!tpu.dma_semaphore, #tpu.memory_space<semaphore_mem>>) {add = true}
        %dma_wait3A_91 = arith.constant 0 : i32
        %dma_wait3A_92 = tpu.memref_slice %arg7[%add3A_77, %dma_wait3A_91] : memref<20x128xi32, #tpu.memory_space<vmem>> -> memref<1x128xi32, #tpu.memory_space<vmem>>
        %dma_wait3A_93 = tpu.memref_squeeze %dma_wait3A_92 : memref<1x128xi32, #tpu.memory_space<vmem>> -> memref<128xi32, #tpu.memory_space<vmem>>
        %dma_wait3A_94 = arith.constant 0 : i32
        %dma_wait3A_95 = arith.constant 0 : i32
        %dma_wait3A_96 = tpu.memref_slice %arg10[%dma_wait3A_94, %dma_wait3A_95] : memref<10240x128xf32, #tpu.memory_space<vmem_shared>> -> memref<10240x128xf32, #tpu.memory_space<vmem_shared>>
        tpu.wait_indirect_dma semaphore(%run_scoped3A : memref<!tpu.dma_semaphore, #tpu.memory_space<semaphore_mem>>) src(%arg9 : memref<128x128xf32, #tpu.memory_space<vmem>>) dst(%dma_wait3A_96 : memref<10240x128xf32, #tpu.memory_space<vmem_shared>>)
        tpu.yield
      }) : () -> ()
      %add3A_78 = arith.constant 3 : i32
      %add3A_79 = arith.addi %mul3A_58, %add3A_78 : i32
      %lt3A_80 = arith.constant 20 : i32
      %lt3A_81 = arith.cmpi slt, %add3A_79, %lt3A_80 : i32
      %convert_element_type3A_82 = arith.extui %lt3A_81 : i1 to i32
      %cond3A_83 = arith.constant 0 : i32
      %cond3A_84 = arith.cmpi ne, %convert_element_type3A_82, %cond3A_83 : i32
      scf.if %cond3A_84 {
        %add3A_85 = arith.constant 3 : i32
        %add3A_86 = arith.addi %mul3A_58, %add3A_85 : i32
        %dma_start3A_87 = arith.constant 0 : i32
        %dma_start3A_88 = tpu.memref_slice %arg6[%add3A_86, %dma_start3A_87] : memref<20x128xi32, #tpu.memory_space<vmem>> -> memref<1x128xi32, #tpu.memory_space<vmem>>
        %dma_start3A_89 = tpu.memref_squeeze %dma_start3A_88 : memref<1x128xi32, #tpu.memory_space<vmem>> -> memref<128xi32, #tpu.memory_space<vmem>>
        %dma_start3A_90 = arith.constant 0 : i32
        %dma_start3A_91 = arith.constant 0 : i32
        %dma_start3A_92 = tpu.memref_slice %arg2[%dma_start3A_90, %dma_start3A_91] : memref<30522x128xf32, #tpu.memory_space<hbm>> -> memref<30522x128xf32, #tpu.memory_space<hbm>>
        tpu.enqueue_indirect_dma source(%dma_start3A_92 : memref<30522x128xf32, #tpu.memory_space<hbm>>) target(%arg9 : memref<128x128xf32, #tpu.memory_space<vmem>>) offsets(%dma_start3A_89 : memref<128xi32, #tpu.memory_space<vmem>>) semaphore(%arg12 : memref<!tpu.dma_semaphore, #tpu.memory_space<semaphore_mem>>)
      } else {
      }
    }
    %scan3A_46 = arith.constant 10 : i32
    %barrier3A_47 = arith.constant 0 : index
    tpu.barrier barrier_id(%barrier3A_47)
    %mul3A_48 = arith.constant 640 : i32
    %mul3A_49 = arith.muli %arg1, %mul3A_48 : i32
    %mul3A_50 = arith.constant 640 : i32
    %mul3A_51 = arith.muli %arg1, %mul3A_50 : i32
    "tpu.region"() ({
      %run_scoped3A = tpu.sem_alloc : memref<!tpu.dma_semaphore, #tpu.memory_space<semaphore_mem>>
      %dma_start3A_52 = arith.constant 0 : i32
      %dma_start3A_53 = tpu.memref_slice %arg5[%arg0, %mul3A_51, %dma_start3A_52] : memref<2x10240x128xf32, #tpu.memory_space<hbm>> -> memref<1x640x128xf32, #tpu.memory_space<hbm>>
      %dma_start3A_54 = tpu.memref_squeeze %dma_start3A_53 : memref<1x640x128xf32, #tpu.memory_space<hbm>> -> memref<640x128xf32, #tpu.memory_space<hbm>>
      %dma_start3A_55 = arith.constant 0 : i32
      %dma_start3A_56 = tpu.memref_slice %arg10[%mul3A_49, %dma_start3A_55] : memref<10240x128xf32, #tpu.memory_space<vmem_shared>> -> memref<640x128xf32, #tpu.memory_space<vmem_shared>>
      tpu.enqueue_dma source(%dma_start3A_56 : memref<640x128xf32, #tpu.memory_space<vmem_shared>>) target(%dma_start3A_54 : memref<640x128xf32, #tpu.memory_space<hbm>>) target_semaphore(%run_scoped3A : memref<!tpu.dma_semaphore, #tpu.memory_space<semaphore_mem>>)
      %dma_wait3A = arith.constant 0 : i32
      %dma_wait3A_57 = tpu.memref_slice %arg5[%arg0, %mul3A_51, %dma_wait3A] : memref<2x10240x128xf32, #tpu.memory_space<hbm>> -> memref<1x640x128xf32, #tpu.memory_space<hbm>>
      %dma_wait3A_58 = tpu.memref_squeeze %dma_wait3A_57 : memref<1x640x128xf32, #tpu.memory_space<hbm>> -> memref<640x128xf32, #tpu.memory_space<hbm>>
      %dma_wait3A_59 = arith.constant 0 : i32
      %dma_wait3A_60 = tpu.memref_slice %arg10[%mul3A_49, %dma_wait3A_59] : memref<10240x128xf32, #tpu.memory_space<vmem_shared>> -> memref<640x128xf32, #tpu.memory_space<vmem_shared>>
      tpu.wait_dma2 semaphore(%run_scoped3A : memref<!tpu.dma_semaphore, #tpu.memory_space<semaphore_mem>>) src(%dma_wait3A_60 : memref<640x128xf32, #tpu.memory_space<vmem_shared>>) dst(%dma_wait3A_58 : memref<640x128xf32, #tpu.memory_space<hbm>>)
      tpu.yield
    }) : () -> ()
    return
  }
}

#map = affine_map<(d0, d1) -> (0, 0)>
#map1 = affine_map<(d0, d1) -> (0, 0, 0)>
module attributes {stable_mosaic.version = 14 : i64} {
  func.func @sc_msg_scatter(%arg0: i32, %arg1: i32, %arg2: memref<10240x128xf32, #tpu.memory_space<hbm>>, %arg3: memref<3200x100xi32, #tpu.memory_space<hbm>>, %arg4: memref<3200x100xi32, #tpu.memory_space<hbm>>, %arg5: memref<2x10240x128xf32, #tpu.memory_space<hbm>>, %arg6: memref<100x100xi32, #tpu.memory_space<vmem>>, %arg7: memref<100x100xi32, #tpu.memory_space<vmem>>, %arg8: memref<100x128xf32, #tpu.memory_space<vmem>>, %arg9: memref<100x128xf32, #tpu.memory_space<vmem>>, %arg10: memref<10240x128xf32, #tpu.memory_space<vmem_shared>>, %arg11: memref<!tpu.dma_semaphore, #tpu.memory_space<semaphore_mem>>, %arg12: memref<!tpu.dma_semaphore, #tpu.memory_space<semaphore_mem>>) attributes {dimension_semantics = [#tpu.dimension_semantics<core_parallel>, #tpu.dimension_semantics<subcore_parallel>], iteration_bounds = array<i64: 2, 16>, scalar_prefetch = 0 : i64, scratch_operands = 7 : i64, tpu.core_type = #tpu.core_type<sc_vector_subcore>, window_params = [{transform_indices = #map}, {transform_indices = #map}, {transform_indices = #map}, {transform_indices = #map1}]} {
    %mul3A = arith.constant 2 : i32
    %mul3A_0 = arith.muli %arg1, %mul3A : i32
    %add3A = arith.addi %mul3A_0, %arg0 : i32
    %mul3A_1 = arith.constant 100 : i32
    %mul3A_2 = arith.muli %add3A, %mul3A_1 : i32
    "tpu.region"() ({
      %run_scoped3A = tpu.sem_alloc : memref<!tpu.dma_semaphore, #tpu.memory_space<semaphore_mem>>
      %dma_start3A_60 = arith.constant 0 : i32
      %dma_start3A_61 = tpu.memref_slice %arg3[%mul3A_2, %dma_start3A_60] : memref<3200x100xi32, #tpu.memory_space<hbm>> -> memref<100x100xi32, #tpu.memory_space<hbm>>
      %dma_start3A_62 = arith.constant 0 : i32
      %dma_start3A_63 = tpu.memref_slice %arg3[%mul3A_2, %dma_start3A_62] : memref<3200x100xi32, #tpu.memory_space<hbm>> -> memref<100x100xi32, #tpu.memory_space<hbm>>
      tpu.enqueue_dma source(%dma_start3A_63 : memref<100x100xi32, #tpu.memory_space<hbm>>) target(%arg6 : memref<100x100xi32, #tpu.memory_space<vmem>>) target_semaphore(%run_scoped3A : memref<!tpu.dma_semaphore, #tpu.memory_space<semaphore_mem>>)
      %dma_wait3A = arith.constant 0 : i32
      %dma_wait3A_64 = tpu.memref_slice %arg3[%mul3A_2, %dma_wait3A] : memref<3200x100xi32, #tpu.memory_space<hbm>> -> memref<100x100xi32, #tpu.memory_space<hbm>>
      %dma_wait3A_65 = arith.constant 0 : i32
      %dma_wait3A_66 = tpu.memref_slice %arg3[%mul3A_2, %dma_wait3A_65] : memref<3200x100xi32, #tpu.memory_space<hbm>> -> memref<100x100xi32, #tpu.memory_space<hbm>>
      tpu.wait_dma2 semaphore(%run_scoped3A : memref<!tpu.dma_semaphore, #tpu.memory_space<semaphore_mem>>) src(%dma_wait3A_66 : memref<100x100xi32, #tpu.memory_space<hbm>>) dst(%arg6 : memref<100x100xi32, #tpu.memory_space<vmem>>)
      tpu.yield
    }) : () -> ()
    %mul3A_3 = arith.constant 100 : i32
    %mul3A_4 = arith.muli %add3A, %mul3A_3 : i32
    "tpu.region"() ({
      %run_scoped3A = tpu.sem_alloc : memref<!tpu.dma_semaphore, #tpu.memory_space<semaphore_mem>>
      %dma_start3A_60 = arith.constant 0 : i32
      %dma_start3A_61 = tpu.memref_slice %arg4[%mul3A_4, %dma_start3A_60] : memref<3200x100xi32, #tpu.memory_space<hbm>> -> memref<100x100xi32, #tpu.memory_space<hbm>>
      %dma_start3A_62 = arith.constant 0 : i32
      %dma_start3A_63 = tpu.memref_slice %arg4[%mul3A_4, %dma_start3A_62] : memref<3200x100xi32, #tpu.memory_space<hbm>> -> memref<100x100xi32, #tpu.memory_space<hbm>>
      tpu.enqueue_dma source(%dma_start3A_63 : memref<100x100xi32, #tpu.memory_space<hbm>>) target(%arg7 : memref<100x100xi32, #tpu.memory_space<vmem>>) target_semaphore(%run_scoped3A : memref<!tpu.dma_semaphore, #tpu.memory_space<semaphore_mem>>)
      %dma_wait3A = arith.constant 0 : i32
      %dma_wait3A_64 = tpu.memref_slice %arg4[%mul3A_4, %dma_wait3A] : memref<3200x100xi32, #tpu.memory_space<hbm>> -> memref<100x100xi32, #tpu.memory_space<hbm>>
      %dma_wait3A_65 = arith.constant 0 : i32
      %dma_wait3A_66 = tpu.memref_slice %arg4[%mul3A_4, %dma_wait3A_65] : memref<3200x100xi32, #tpu.memory_space<hbm>> -> memref<100x100xi32, #tpu.memory_space<hbm>>
      tpu.wait_dma2 semaphore(%run_scoped3A : memref<!tpu.dma_semaphore, #tpu.memory_space<semaphore_mem>>) src(%dma_wait3A_66 : memref<100x100xi32, #tpu.memory_space<hbm>>) dst(%arg7 : memref<100x100xi32, #tpu.memory_space<vmem>>)
      tpu.yield
    }) : () -> ()
    %scan3A = arith.constant 0 : i32
    %scan3A_5 = arith.constant 100 : i32
    %scan3A_6 = arith.addi %scan3A, %scan3A_5 : i32
    %scan3A_7 = arith.constant 1 : i32
    scf.for %scan3A_60 = %scan3A to %scan3A_6 step %scan3A_7  : i32 {
      %mul3A_61 = arith.constant 1 : i32
      %mul3A_62 = arith.muli %scan3A_60, %mul3A_61 : i32
      %add3A_63 = arith.constant 0 : i32
      %add3A_64 = arith.addi %add3A_63, %mul3A_62 : i32
      %broadcast_in_dim3A = arith.constant 0.000000e+00 : f32
      %broadcast_in_dim3A_65 = vector.broadcast %broadcast_in_dim3A : f32 to vector<16xf32>
      %swap3A = arith.index_cast %add3A_64 : i32 to index
      %swap3A_66 = arith.constant 0 : index
      %swap3A_67 = tpu.vector_load %arg8[%swap3A, %swap3A_66] {strides = array<i32>} : memref<100x128xf32, #tpu.memory_space<vmem>>, vector<1x16xf32>,
      %swap3A_68 = vector.shape_cast %swap3A_67 : vector<1x16xf32> to vector<16xf32>
      %swap3A_69 = vector.shape_cast %broadcast_in_dim3A_65 : vector<16xf32> to vector<1x16xf32>
      tpu.vector_store %arg8[%swap3A, %swap3A_66], %swap3A_69 {strides = array<i32>} : memref<100x128xf32, #tpu.memory_space<vmem>>, vector<1x16xf32>,
      %broadcast_in_dim3A_70 = arith.constant 0.000000e+00 : f32
      %broadcast_in_dim3A_71 = vector.broadcast %broadcast_in_dim3A_70 : f32 to vector<16xf32>
      %swap3A_72 = arith.index_cast %add3A_64 : i32 to index
      %swap3A_73 = arith.constant 16 : index
      %swap3A_74 = tpu.vector_load %arg8[%swap3A_72, %swap3A_73] {strides = array<i32>} : memref<100x128xf32, #tpu.memory_space<vmem>>, vector<1x16xf32>,
      %swap3A_75 = vector.shape_cast %swap3A_74 : vector<1x16xf32> to vector<16xf32>
      %swap3A_76 = vector.shape_cast %broadcast_in_dim3A_71 : vector<16xf32> to vector<1x16xf32>
      tpu.vector_store %arg8[%swap3A_72, %swap3A_73], %swap3A_76 {strides = array<i32>} : memref<100x128xf32, #tpu.memory_space<vmem>>, vector<1x16xf32>,
      %broadcast_in_dim3A_77 = arith.constant 0.000000e+00 : f32
      %broadcast_in_dim3A_78 = vector.broadcast %broadcast_in_dim3A_77 : f32 to vector<16xf32>
      %swap3A_79 = arith.index_cast %add3A_64 : i32 to index
      %swap3A_80 = arith.constant 32 : index
      %swap3A_81 = tpu.vector_load %arg8[%swap3A_79, %swap3A_80] {strides = array<i32>} : memref<100x128xf32, #tpu.memory_space<vmem>>, vector<1x16xf32>,
      %swap3A_82 = vector.shape_cast %swap3A_81 : vector<1x16xf32> to vector<16xf32>
      %swap3A_83 = vector.shape_cast %broadcast_in_dim3A_78 : vector<16xf32> to vector<1x16xf32>
      tpu.vector_store %arg8[%swap3A_79, %swap3A_80], %swap3A_83 {strides = array<i32>} : memref<100x128xf32, #tpu.memory_space<vmem>>, vector<1x16xf32>,
      %broadcast_in_dim3A_84 = arith.constant 0.000000e+00 : f32
      %broadcast_in_dim3A_85 = vector.broadcast %broadcast_in_dim3A_84 : f32 to vector<16xf32>
      %swap3A_86 = arith.index_cast %add3A_64 : i32 to index
      %swap3A_87 = arith.constant 48 : index
      %swap3A_88 = tpu.vector_load %arg8[%swap3A_86, %swap3A_87] {strides = array<i32>} : memref<100x128xf32, #tpu.memory_space<vmem>>, vector<1x16xf32>,
      %swap3A_89 = vector.shape_cast %swap3A_88 : vector<1x16xf32> to vector<16xf32>
      %swap3A_90 = vector.shape_cast %broadcast_in_dim3A_85 : vector<16xf32> to vector<1x16xf32>
      tpu.vector_store %arg8[%swap3A_86, %swap3A_87], %swap3A_90 {strides = array<i32>} : memref<100x128xf32, #tpu.memory_space<vmem>>, vector<1x16xf32>,
      %broadcast_in_dim3A_91 = arith.constant 0.000000e+00 : f32
      %broadcast_in_dim3A_92 = vector.broadcast %broadcast_in_dim3A_91 : f32 to vector<16xf32>
      %swap3A_93 = arith.index_cast %add3A_64 : i32 to index
      %swap3A_94 = arith.constant 64 : index
      %swap3A_95 = tpu.vector_load %arg8[%swap3A_93, %swap3A_94] {strides = array<i32>} : memref<100x128xf32, #tpu.memory_space<vmem>>, vector<1x16xf32>,
      %swap3A_96 = vector.shape_cast %swap3A_95 : vector<1x16xf32> to vector<16xf32>
      %swap3A_97 = vector.shape_cast %broadcast_in_dim3A_92 : vector<16xf32> to vector<1x16xf32>
      tpu.vector_store %arg8[%swap3A_93, %swap3A_94], %swap3A_97 {strides = array<i32>} : memref<100x128xf32, #tpu.memory_space<vmem>>, vector<1x16xf32>,
      %broadcast_in_dim3A_98 = arith.constant 0.000000e+00 : f32
      %broadcast_in_dim3A_99 = vector.broadcast %broadcast_in_dim3A_98 : f32 to vector<16xf32>
      %swap3A_100 = arith.index_cast %add3A_64 : i32 to index
      %swap3A_101 = arith.constant 80 : index
      %swap3A_102 = tpu.vector_load %arg8[%swap3A_100, %swap3A_101] {strides = array<i32>} : memref<100x128xf32, #tpu.memory_space<vmem>>, vector<1x16xf32>,
      %swap3A_103 = vector.shape_cast %swap3A_102 : vector<1x16xf32> to vector<16xf32>
      %swap3A_104 = vector.shape_cast %broadcast_in_dim3A_99 : vector<16xf32> to vector<1x16xf32>
      tpu.vector_store %arg8[%swap3A_100, %swap3A_101], %swap3A_104 {strides = array<i32>} : memref<100x128xf32, #tpu.memory_space<vmem>>, vector<1x16xf32>,
      %broadcast_in_dim3A_105 = arith.constant 0.000000e+00 : f32
      %broadcast_in_dim3A_106 = vector.broadcast %broadcast_in_dim3A_105 : f32 to vector<16xf32>
      %swap3A_107 = arith.index_cast %add3A_64 : i32 to index
      %swap3A_108 = arith.constant 96 : index
      %swap3A_109 = tpu.vector_load %arg8[%swap3A_107, %swap3A_108] {strides = array<i32>} : memref<100x128xf32, #tpu.memory_space<vmem>>, vector<1x16xf32>,
      %swap3A_110 = vector.shape_cast %swap3A_109 : vector<1x16xf32> to vector<16xf32>
      %swap3A_111 = vector.shape_cast %broadcast_in_dim3A_106 : vector<16xf32> to vector<1x16xf32>
      tpu.vector_store %arg8[%swap3A_107, %swap3A_108], %swap3A_111 {strides = array<i32>} : memref<100x128xf32, #tpu.memory_space<vmem>>, vector<1x16xf32>,
      %broadcast_in_dim3A_112 = arith.constant 0.000000e+00 : f32
      %broadcast_in_dim3A_113 = vector.broadcast %broadcast_in_dim3A_112 : f32 to vector<16xf32>
      %swap3A_114 = arith.index_cast %add3A_64 : i32 to index
      %swap3A_115 = arith.constant 112 : index
      %swap3A_116 = tpu.vector_load %arg8[%swap3A_114, %swap3A_115] {strides = array<i32>} : memref<100x128xf32, #tpu.memory_space<vmem>>, vector<1x16xf32>,
      %swap3A_117 = vector.shape_cast %swap3A_116 : vector<1x16xf32> to vector<16xf32>
      %swap3A_118 = vector.shape_cast %broadcast_in_dim3A_113 : vector<16xf32> to vector<1x16xf32>
      tpu.vector_store %arg8[%swap3A_114, %swap3A_115], %swap3A_118 {strides = array<i32>} : memref<100x128xf32, #tpu.memory_space<vmem>>, vector<1x16xf32>,
    }
    %scan3A_8 = arith.constant 100 : i32
    %mul3A_9 = arith.constant 640 : i32
    %mul3A_10 = arith.muli %arg1, %mul3A_9 : i32
    %add3A_11 = arith.constant 0 : i32
    %add3A_12 = arith.addi %mul3A_10, %add3A_11 : i32
    "tpu.region"() ({
      %run_scoped3A = tpu.sem_alloc : memref<!tpu.dma_semaphore, #tpu.memory_space<semaphore_mem>>
      %dma_start3A_60 = arith.constant 0 : i32
      %dma_start3A_61 = arith.constant 0 : i32
      %dma_start3A_62 = tpu.memref_slice %arg8[%dma_start3A_60, %dma_start3A_61] : memref<100x128xf32, #tpu.memory_space<vmem>> -> memref<100x128xf32, #tpu.memory_space<vmem>>
      %dma_start3A_63 = arith.constant 0 : i32
      %dma_start3A_64 = tpu.memref_slice %arg10[%add3A_12, %dma_start3A_63] : memref<10240x128xf32, #tpu.memory_space<vmem_shared>> -> memref<100x128xf32, #tpu.memory_space<vmem_shared>>
      %dma_start3A_65 = arith.constant 0 : i32
      %dma_start3A_66 = tpu.memref_slice %arg10[%add3A_12, %dma_start3A_65] : memref<10240x128xf32, #tpu.memory_space<vmem_shared>> -> memref<100x128xf32, #tpu.memory_space<vmem_shared>>
      %dma_start3A_67 = arith.constant 0 : i32
      %dma_start3A_68 = arith.constant 0 : i32
      %dma_start3A_69 = tpu.memref_slice %arg8[%dma_start3A_67, %dma_start3A_68] : memref<100x128xf32, #tpu.memory_space<vmem>> -> memref<100x128xf32, #tpu.memory_space<vmem>>
      tpu.enqueue_dma source(%dma_start3A_69 : memref<100x128xf32, #tpu.memory_space<vmem>>) target(%dma_start3A_66 : memref<100x128xf32, #tpu.memory_space<vmem_shared>>) target_semaphore(%run_scoped3A : memref<!tpu.dma_semaphore, #tpu.memory_space<semaphore_mem>>)
      %dma_wait3A = arith.constant 0 : i32
      %dma_wait3A_70 = arith.constant 0 : i32
      %dma_wait3A_71 = tpu.memref_slice %arg8[%dma_wait3A, %dma_wait3A_70] : memref<100x128xf32, #tpu.memory_space<vmem>> -> memref<100x128xf32, #tpu.memory_space<vmem>>
      %dma_wait3A_72 = arith.constant 0 : i32
      %dma_wait3A_73 = tpu.memref_slice %arg10[%add3A_12, %dma_wait3A_72] : memref<10240x128xf32, #tpu.memory_space<vmem_shared>> -> memref<100x128xf32, #tpu.memory_space<vmem_shared>>
      %dma_wait3A_74 = arith.constant 0 : i32
      %dma_wait3A_75 = tpu.memref_slice %arg10[%add3A_12, %dma_wait3A_74] : memref<10240x128xf32, #tpu.memory_space<vmem_shared>> -> memref<100x128xf32, #tpu.memory_space<vmem_shared>>
      %dma_wait3A_76 = arith.constant 0 : i32
      %dma_wait3A_77 = arith.constant 0 : i32
      %dma_wait3A_78 = tpu.memref_slice %arg8[%dma_wait3A_76, %dma_wait3A_77] : memref<100x128xf32, #tpu.memory_space<vmem>> -> memref<100x128xf32, #tpu.memory_space<vmem>>
      tpu.wait_dma2 semaphore(%run_scoped3A : memref<!tpu.dma_semaphore, #tpu.memory_space<semaphore_mem>>) src(%dma_wait3A_78 : memref<100x128xf32, #tpu.memory_space<vmem>>) dst(%dma_wait3A_75 : memref<100x128xf32, #tpu.memory_space<vmem_shared>>)
      tpu.yield
    }) : () -> ()
    %mul3A_13 = arith.constant 640 : i32
    %mul3A_14 = arith.muli %arg1, %mul3A_13 : i32
    %add3A_15 = arith.constant 100 : i32
    %add3A_16 = arith.addi %mul3A_14, %add3A_15 : i32
    "tpu.region"() ({
      %run_scoped3A = tpu.sem_alloc : memref<!tpu.dma_semaphore, #tpu.memory_space<semaphore_mem>>
      %dma_start3A_60 = arith.constant 0 : i32
      %dma_start3A_61 = arith.constant 0 : i32
      %dma_start3A_62 = tpu.memref_slice %arg8[%dma_start3A_60, %dma_start3A_61] : memref<100x128xf32, #tpu.memory_space<vmem>> -> memref<100x128xf32, #tpu.memory_space<vmem>>
      %dma_start3A_63 = arith.constant 0 : i32
      %dma_start3A_64 = tpu.memref_slice %arg10[%add3A_16, %dma_start3A_63] : memref<10240x128xf32, #tpu.memory_space<vmem_shared>> -> memref<100x128xf32, #tpu.memory_space<vmem_shared>>
      %dma_start3A_65 = arith.constant 0 : i32
      %dma_start3A_66 = tpu.memref_slice %arg10[%add3A_16, %dma_start3A_65] : memref<10240x128xf32, #tpu.memory_space<vmem_shared>> -> memref<100x128xf32, #tpu.memory_space<vmem_shared>>
      %dma_start3A_67 = arith.constant 0 : i32
      %dma_start3A_68 = arith.constant 0 : i32
      %dma_start3A_69 = tpu.memref_slice %arg8[%dma_start3A_67, %dma_start3A_68] : memref<100x128xf32, #tpu.memory_space<vmem>> -> memref<100x128xf32, #tpu.memory_space<vmem>>
      tpu.enqueue_dma source(%dma_start3A_69 : memref<100x128xf32, #tpu.memory_space<vmem>>) target(%dma_start3A_66 : memref<100x128xf32, #tpu.memory_space<vmem_shared>>) target_semaphore(%run_scoped3A : memref<!tpu.dma_semaphore, #tpu.memory_space<semaphore_mem>>)
      %dma_wait3A = arith.constant 0 : i32
      %dma_wait3A_70 = arith.constant 0 : i32
      %dma_wait3A_71 = tpu.memref_slice %arg8[%dma_wait3A, %dma_wait3A_70] : memref<100x128xf32, #tpu.memory_space<vmem>> -> memref<100x128xf32, #tpu.memory_space<vmem>>
      %dma_wait3A_72 = arith.constant 0 : i32
      %dma_wait3A_73 = tpu.memref_slice %arg10[%add3A_16, %dma_wait3A_72] : memref<10240x128xf32, #tpu.memory_space<vmem_shared>> -> memref<100x128xf32, #tpu.memory_space<vmem_shared>>
      %dma_wait3A_74 = arith.constant 0 : i32
      %dma_wait3A_75 = tpu.memref_slice %arg10[%add3A_16, %dma_wait3A_74] : memref<10240x128xf32, #tpu.memory_space<vmem_shared>> -> memref<100x128xf32, #tpu.memory_space<vmem_shared>>
      %dma_wait3A_76 = arith.constant 0 : i32
      %dma_wait3A_77 = arith.constant 0 : i32
      %dma_wait3A_78 = tpu.memref_slice %arg8[%dma_wait3A_76, %dma_wait3A_77] : memref<100x128xf32, #tpu.memory_space<vmem>> -> memref<100x128xf32, #tpu.memory_space<vmem>>
      tpu.wait_dma2 semaphore(%run_scoped3A : memref<!tpu.dma_semaphore, #tpu.memory_space<semaphore_mem>>) src(%dma_wait3A_78 : memref<100x128xf32, #tpu.memory_space<vmem>>) dst(%dma_wait3A_75 : memref<100x128xf32, #tpu.memory_space<vmem_shared>>)
      tpu.yield
    }) : () -> ()
    %mul3A_17 = arith.constant 640 : i32
    %mul3A_18 = arith.muli %arg1, %mul3A_17 : i32
    %add3A_19 = arith.constant 200 : i32
    %add3A_20 = arith.addi %mul3A_18, %add3A_19 : i32
    "tpu.region"() ({
      %run_scoped3A = tpu.sem_alloc : memref<!tpu.dma_semaphore, #tpu.memory_space<semaphore_mem>>
      %dma_start3A_60 = arith.constant 0 : i32
      %dma_start3A_61 = arith.constant 0 : i32
      %dma_start3A_62 = tpu.memref_slice %arg8[%dma_start3A_60, %dma_start3A_61] : memref<100x128xf32, #tpu.memory_space<vmem>> -> memref<100x128xf32, #tpu.memory_space<vmem>>
      %dma_start3A_63 = arith.constant 0 : i32
      %dma_start3A_64 = tpu.memref_slice %arg10[%add3A_20, %dma_start3A_63] : memref<10240x128xf32, #tpu.memory_space<vmem_shared>> -> memref<100x128xf32, #tpu.memory_space<vmem_shared>>
      %dma_start3A_65 = arith.constant 0 : i32
      %dma_start3A_66 = tpu.memref_slice %arg10[%add3A_20, %dma_start3A_65] : memref<10240x128xf32, #tpu.memory_space<vmem_shared>> -> memref<100x128xf32, #tpu.memory_space<vmem_shared>>
      %dma_start3A_67 = arith.constant 0 : i32
      %dma_start3A_68 = arith.constant 0 : i32
      %dma_start3A_69 = tpu.memref_slice %arg8[%dma_start3A_67, %dma_start3A_68] : memref<100x128xf32, #tpu.memory_space<vmem>> -> memref<100x128xf32, #tpu.memory_space<vmem>>
      tpu.enqueue_dma source(%dma_start3A_69 : memref<100x128xf32, #tpu.memory_space<vmem>>) target(%dma_start3A_66 : memref<100x128xf32, #tpu.memory_space<vmem_shared>>) target_semaphore(%run_scoped3A : memref<!tpu.dma_semaphore, #tpu.memory_space<semaphore_mem>>)
      %dma_wait3A = arith.constant 0 : i32
      %dma_wait3A_70 = arith.constant 0 : i32
      %dma_wait3A_71 = tpu.memref_slice %arg8[%dma_wait3A, %dma_wait3A_70] : memref<100x128xf32, #tpu.memory_space<vmem>> -> memref<100x128xf32, #tpu.memory_space<vmem>>
      %dma_wait3A_72 = arith.constant 0 : i32
      %dma_wait3A_73 = tpu.memref_slice %arg10[%add3A_20, %dma_wait3A_72] : memref<10240x128xf32, #tpu.memory_space<vmem_shared>> -> memref<100x128xf32, #tpu.memory_space<vmem_shared>>
      %dma_wait3A_74 = arith.constant 0 : i32
      %dma_wait3A_75 = tpu.memref_slice %arg10[%add3A_20, %dma_wait3A_74] : memref<10240x128xf32, #tpu.memory_space<vmem_shared>> -> memref<100x128xf32, #tpu.memory_space<vmem_shared>>
      %dma_wait3A_76 = arith.constant 0 : i32
      %dma_wait3A_77 = arith.constant 0 : i32
      %dma_wait3A_78 = tpu.memref_slice %arg8[%dma_wait3A_76, %dma_wait3A_77] : memref<100x128xf32, #tpu.memory_space<vmem>> -> memref<100x128xf32, #tpu.memory_space<vmem>>
      tpu.wait_dma2 semaphore(%run_scoped3A : memref<!tpu.dma_semaphore, #tpu.memory_space<semaphore_mem>>) src(%dma_wait3A_78 : memref<100x128xf32, #tpu.memory_space<vmem>>) dst(%dma_wait3A_75 : memref<100x128xf32, #tpu.memory_space<vmem_shared>>)
      tpu.yield
    }) : () -> ()
    %mul3A_21 = arith.constant 640 : i32
    %mul3A_22 = arith.muli %arg1, %mul3A_21 : i32
    %add3A_23 = arith.constant 300 : i32
    %add3A_24 = arith.addi %mul3A_22, %add3A_23 : i32
    "tpu.region"() ({
      %run_scoped3A = tpu.sem_alloc : memref<!tpu.dma_semaphore, #tpu.memory_space<semaphore_mem>>
      %dma_start3A_60 = arith.constant 0 : i32
      %dma_start3A_61 = arith.constant 0 : i32
      %dma_start3A_62 = tpu.memref_slice %arg8[%dma_start3A_60, %dma_start3A_61] : memref<100x128xf32, #tpu.memory_space<vmem>> -> memref<100x128xf32, #tpu.memory_space<vmem>>
      %dma_start3A_63 = arith.constant 0 : i32
      %dma_start3A_64 = tpu.memref_slice %arg10[%add3A_24, %dma_start3A_63] : memref<10240x128xf32, #tpu.memory_space<vmem_shared>> -> memref<100x128xf32, #tpu.memory_space<vmem_shared>>
      %dma_start3A_65 = arith.constant 0 : i32
      %dma_start3A_66 = tpu.memref_slice %arg10[%add3A_24, %dma_start3A_65] : memref<10240x128xf32, #tpu.memory_space<vmem_shared>> -> memref<100x128xf32, #tpu.memory_space<vmem_shared>>
      %dma_start3A_67 = arith.constant 0 : i32
      %dma_start3A_68 = arith.constant 0 : i32
      %dma_start3A_69 = tpu.memref_slice %arg8[%dma_start3A_67, %dma_start3A_68] : memref<100x128xf32, #tpu.memory_space<vmem>> -> memref<100x128xf32, #tpu.memory_space<vmem>>
      tpu.enqueue_dma source(%dma_start3A_69 : memref<100x128xf32, #tpu.memory_space<vmem>>) target(%dma_start3A_66 : memref<100x128xf32, #tpu.memory_space<vmem_shared>>) target_semaphore(%run_scoped3A : memref<!tpu.dma_semaphore, #tpu.memory_space<semaphore_mem>>)
      %dma_wait3A = arith.constant 0 : i32
      %dma_wait3A_70 = arith.constant 0 : i32
      %dma_wait3A_71 = tpu.memref_slice %arg8[%dma_wait3A, %dma_wait3A_70] : memref<100x128xf32, #tpu.memory_space<vmem>> -> memref<100x128xf32, #tpu.memory_space<vmem>>
      %dma_wait3A_72 = arith.constant 0 : i32
      %dma_wait3A_73 = tpu.memref_slice %arg10[%add3A_24, %dma_wait3A_72] : memref<10240x128xf32, #tpu.memory_space<vmem_shared>> -> memref<100x128xf32, #tpu.memory_space<vmem_shared>>
      %dma_wait3A_74 = arith.constant 0 : i32
      %dma_wait3A_75 = tpu.memref_slice %arg10[%add3A_24, %dma_wait3A_74] : memref<10240x128xf32, #tpu.memory_space<vmem_shared>> -> memref<100x128xf32, #tpu.memory_space<vmem_shared>>
      %dma_wait3A_76 = arith.constant 0 : i32
      %dma_wait3A_77 = arith.constant 0 : i32
      %dma_wait3A_78 = tpu.memref_slice %arg8[%dma_wait3A_76, %dma_wait3A_77] : memref<100x128xf32, #tpu.memory_space<vmem>> -> memref<100x128xf32, #tpu.memory_space<vmem>>
      tpu.wait_dma2 semaphore(%run_scoped3A : memref<!tpu.dma_semaphore, #tpu.memory_space<semaphore_mem>>) src(%dma_wait3A_78 : memref<100x128xf32, #tpu.memory_space<vmem>>) dst(%dma_wait3A_75 : memref<100x128xf32, #tpu.memory_space<vmem_shared>>)
      tpu.yield
    }) : () -> ()
    %mul3A_25 = arith.constant 640 : i32
    %mul3A_26 = arith.muli %arg1, %mul3A_25 : i32
    %add3A_27 = arith.constant 400 : i32
    %add3A_28 = arith.addi %mul3A_26, %add3A_27 : i32
    "tpu.region"() ({
      %run_scoped3A = tpu.sem_alloc : memref<!tpu.dma_semaphore, #tpu.memory_space<semaphore_mem>>
      %dma_start3A_60 = arith.constant 0 : i32
      %dma_start3A_61 = arith.constant 0 : i32
      %dma_start3A_62 = tpu.memref_slice %arg8[%dma_start3A_60, %dma_start3A_61] : memref<100x128xf32, #tpu.memory_space<vmem>> -> memref<100x128xf32, #tpu.memory_space<vmem>>
      %dma_start3A_63 = arith.constant 0 : i32
      %dma_start3A_64 = tpu.memref_slice %arg10[%add3A_28, %dma_start3A_63] : memref<10240x128xf32, #tpu.memory_space<vmem_shared>> -> memref<100x128xf32, #tpu.memory_space<vmem_shared>>
      %dma_start3A_65 = arith.constant 0 : i32
      %dma_start3A_66 = tpu.memref_slice %arg10[%add3A_28, %dma_start3A_65] : memref<10240x128xf32, #tpu.memory_space<vmem_shared>> -> memref<100x128xf32, #tpu.memory_space<vmem_shared>>
      %dma_start3A_67 = arith.constant 0 : i32
      %dma_start3A_68 = arith.constant 0 : i32
      %dma_start3A_69 = tpu.memref_slice %arg8[%dma_start3A_67, %dma_start3A_68] : memref<100x128xf32, #tpu.memory_space<vmem>> -> memref<100x128xf32, #tpu.memory_space<vmem>>
      tpu.enqueue_dma source(%dma_start3A_69 : memref<100x128xf32, #tpu.memory_space<vmem>>) target(%dma_start3A_66 : memref<100x128xf32, #tpu.memory_space<vmem_shared>>) target_semaphore(%run_scoped3A : memref<!tpu.dma_semaphore, #tpu.memory_space<semaphore_mem>>)
      %dma_wait3A = arith.constant 0 : i32
      %dma_wait3A_70 = arith.constant 0 : i32
      %dma_wait3A_71 = tpu.memref_slice %arg8[%dma_wait3A, %dma_wait3A_70] : memref<100x128xf32, #tpu.memory_space<vmem>> -> memref<100x128xf32, #tpu.memory_space<vmem>>
      %dma_wait3A_72 = arith.constant 0 : i32
      %dma_wait3A_73 = tpu.memref_slice %arg10[%add3A_28, %dma_wait3A_72] : memref<10240x128xf32, #tpu.memory_space<vmem_shared>> -> memref<100x128xf32, #tpu.memory_space<vmem_shared>>
      %dma_wait3A_74 = arith.constant 0 : i32
      %dma_wait3A_75 = tpu.memref_slice %arg10[%add3A_28, %dma_wait3A_74] : memref<10240x128xf32, #tpu.memory_space<vmem_shared>> -> memref<100x128xf32, #tpu.memory_space<vmem_shared>>
      %dma_wait3A_76 = arith.constant 0 : i32
      %dma_wait3A_77 = arith.constant 0 : i32
      %dma_wait3A_78 = tpu.memref_slice %arg8[%dma_wait3A_76, %dma_wait3A_77] : memref<100x128xf32, #tpu.memory_space<vmem>> -> memref<100x128xf32, #tpu.memory_space<vmem>>
      tpu.wait_dma2 semaphore(%run_scoped3A : memref<!tpu.dma_semaphore, #tpu.memory_space<semaphore_mem>>) src(%dma_wait3A_78 : memref<100x128xf32, #tpu.memory_space<vmem>>) dst(%dma_wait3A_75 : memref<100x128xf32, #tpu.memory_space<vmem_shared>>)
      tpu.yield
    }) : () -> ()
    %mul3A_29 = arith.constant 640 : i32
    %mul3A_30 = arith.muli %arg1, %mul3A_29 : i32
    %add3A_31 = arith.constant 500 : i32
    %add3A_32 = arith.addi %mul3A_30, %add3A_31 : i32
    "tpu.region"() ({
      %run_scoped3A = tpu.sem_alloc : memref<!tpu.dma_semaphore, #tpu.memory_space<semaphore_mem>>
      %dma_start3A_60 = arith.constant 0 : i32
      %dma_start3A_61 = arith.constant 0 : i32
      %dma_start3A_62 = tpu.memref_slice %arg8[%dma_start3A_60, %dma_start3A_61] : memref<100x128xf32, #tpu.memory_space<vmem>> -> memref<100x128xf32, #tpu.memory_space<vmem>>
      %dma_start3A_63 = arith.constant 0 : i32
      %dma_start3A_64 = tpu.memref_slice %arg10[%add3A_32, %dma_start3A_63] : memref<10240x128xf32, #tpu.memory_space<vmem_shared>> -> memref<100x128xf32, #tpu.memory_space<vmem_shared>>
      %dma_start3A_65 = arith.constant 0 : i32
      %dma_start3A_66 = tpu.memref_slice %arg10[%add3A_32, %dma_start3A_65] : memref<10240x128xf32, #tpu.memory_space<vmem_shared>> -> memref<100x128xf32, #tpu.memory_space<vmem_shared>>
      %dma_start3A_67 = arith.constant 0 : i32
      %dma_start3A_68 = arith.constant 0 : i32
      %dma_start3A_69 = tpu.memref_slice %arg8[%dma_start3A_67, %dma_start3A_68] : memref<100x128xf32, #tpu.memory_space<vmem>> -> memref<100x128xf32, #tpu.memory_space<vmem>>
      tpu.enqueue_dma source(%dma_start3A_69 : memref<100x128xf32, #tpu.memory_space<vmem>>) target(%dma_start3A_66 : memref<100x128xf32, #tpu.memory_space<vmem_shared>>) target_semaphore(%run_scoped3A : memref<!tpu.dma_semaphore, #tpu.memory_space<semaphore_mem>>)
      %dma_wait3A = arith.constant 0 : i32
      %dma_wait3A_70 = arith.constant 0 : i32
      %dma_wait3A_71 = tpu.memref_slice %arg8[%dma_wait3A, %dma_wait3A_70] : memref<100x128xf32, #tpu.memory_space<vmem>> -> memref<100x128xf32, #tpu.memory_space<vmem>>
      %dma_wait3A_72 = arith.constant 0 : i32
      %dma_wait3A_73 = tpu.memref_slice %arg10[%add3A_32, %dma_wait3A_72] : memref<10240x128xf32, #tpu.memory_space<vmem_shared>> -> memref<100x128xf32, #tpu.memory_space<vmem_shared>>
      %dma_wait3A_74 = arith.constant 0 : i32
      %dma_wait3A_75 = tpu.memref_slice %arg10[%add3A_32, %dma_wait3A_74] : memref<10240x128xf32, #tpu.memory_space<vmem_shared>> -> memref<100x128xf32, #tpu.memory_space<vmem_shared>>
      %dma_wait3A_76 = arith.constant 0 : i32
      %dma_wait3A_77 = arith.constant 0 : i32
      %dma_wait3A_78 = tpu.memref_slice %arg8[%dma_wait3A_76, %dma_wait3A_77] : memref<100x128xf32, #tpu.memory_space<vmem>> -> memref<100x128xf32, #tpu.memory_space<vmem>>
      tpu.wait_dma2 semaphore(%run_scoped3A : memref<!tpu.dma_semaphore, #tpu.memory_space<semaphore_mem>>) src(%dma_wait3A_78 : memref<100x128xf32, #tpu.memory_space<vmem>>) dst(%dma_wait3A_75 : memref<100x128xf32, #tpu.memory_space<vmem_shared>>)
      tpu.yield
    }) : () -> ()
    %mul3A_33 = arith.constant 640 : i32
    %mul3A_34 = arith.muli %arg1, %mul3A_33 : i32
    %add3A_35 = arith.constant 600 : i32
    %add3A_36 = arith.addi %mul3A_34, %add3A_35 : i32
    "tpu.region"() ({
      %run_scoped3A = tpu.sem_alloc : memref<!tpu.dma_semaphore, #tpu.memory_space<semaphore_mem>>
      %dma_start3A_60 = arith.constant 0 : i32
      %dma_start3A_61 = arith.constant 0 : i32
      %dma_start3A_62 = tpu.memref_slice %arg8[%dma_start3A_60, %dma_start3A_61] : memref<100x128xf32, #tpu.memory_space<vmem>> -> memref<40x128xf32, #tpu.memory_space<vmem>>
      %dma_start3A_63 = arith.constant 0 : i32
      %dma_start3A_64 = tpu.memref_slice %arg10[%add3A_36, %dma_start3A_63] : memref<10240x128xf32, #tpu.memory_space<vmem_shared>> -> memref<40x128xf32, #tpu.memory_space<vmem_shared>>
      %dma_start3A_65 = arith.constant 0 : i32
      %dma_start3A_66 = tpu.memref_slice %arg10[%add3A_36, %dma_start3A_65] : memref<10240x128xf32, #tpu.memory_space<vmem_shared>> -> memref<40x128xf32, #tpu.memory_space<vmem_shared>>
      %dma_start3A_67 = arith.constant 0 : i32
      %dma_start3A_68 = arith.constant 0 : i32
      %dma_start3A_69 = tpu.memref_slice %arg8[%dma_start3A_67, %dma_start3A_68] : memref<100x128xf32, #tpu.memory_space<vmem>> -> memref<40x128xf32, #tpu.memory_space<vmem>>
      tpu.enqueue_dma source(%dma_start3A_69 : memref<40x128xf32, #tpu.memory_space<vmem>>) target(%dma_start3A_66 : memref<40x128xf32, #tpu.memory_space<vmem_shared>>) target_semaphore(%run_scoped3A : memref<!tpu.dma_semaphore, #tpu.memory_space<semaphore_mem>>)
      %dma_wait3A = arith.constant 0 : i32
      %dma_wait3A_70 = arith.constant 0 : i32
      %dma_wait3A_71 = tpu.memref_slice %arg8[%dma_wait3A, %dma_wait3A_70] : memref<100x128xf32, #tpu.memory_space<vmem>> -> memref<40x128xf32, #tpu.memory_space<vmem>>
      %dma_wait3A_72 = arith.constant 0 : i32
      %dma_wait3A_73 = tpu.memref_slice %arg10[%add3A_36, %dma_wait3A_72] : memref<10240x128xf32, #tpu.memory_space<vmem_shared>> -> memref<40x128xf32, #tpu.memory_space<vmem_shared>>
      %dma_wait3A_74 = arith.constant 0 : i32
      %dma_wait3A_75 = tpu.memref_slice %arg10[%add3A_36, %dma_wait3A_74] : memref<10240x128xf32, #tpu.memory_space<vmem_shared>> -> memref<40x128xf32, #tpu.memory_space<vmem_shared>>
      %dma_wait3A_76 = arith.constant 0 : i32
      %dma_wait3A_77 = arith.constant 0 : i32
      %dma_wait3A_78 = tpu.memref_slice %arg8[%dma_wait3A_76, %dma_wait3A_77] : memref<100x128xf32, #tpu.memory_space<vmem>> -> memref<40x128xf32, #tpu.memory_space<vmem>>
      tpu.wait_dma2 semaphore(%run_scoped3A : memref<!tpu.dma_semaphore, #tpu.memory_space<semaphore_mem>>) src(%dma_wait3A_78 : memref<40x128xf32, #tpu.memory_space<vmem>>) dst(%dma_wait3A_75 : memref<40x128xf32, #tpu.memory_space<vmem_shared>>)
      tpu.yield
    }) : () -> ()
    %barrier3A = arith.constant 0 : index
    tpu.barrier barrier_id(%barrier3A)
    %dma_start3A = arith.constant 0 : i32
    %dma_start3A_37 = arith.constant 0 : i32
    %dma_start3A_38 = tpu.memref_slice %arg6[%dma_start3A, %dma_start3A_37] : memref<100x100xi32, #tpu.memory_space<vmem>> -> memref<1x100xi32, #tpu.memory_space<vmem>>
    %dma_start3A_39 = tpu.memref_squeeze %dma_start3A_38 : memref<1x100xi32, #tpu.memory_space<vmem>> -> memref<100xi32, #tpu.memory_space<vmem>>
    %dma_start3A_40 = arith.constant 0 : i32
    %dma_start3A_41 = arith.constant 0 : i32
    %dma_start3A_42 = tpu.memref_slice %arg2[%dma_start3A_40, %dma_start3A_41] : memref<10240x128xf32, #tpu.memory_space<hbm>> -> memref<10240x128xf32, #tpu.memory_space<hbm>>
    tpu.enqueue_indirect_dma source(%dma_start3A_42 : memref<10240x128xf32, #tpu.memory_space<hbm>>) target(%arg8 : memref<100x128xf32, #tpu.memory_space<vmem>>) offsets(%dma_start3A_39 : memref<100xi32, #tpu.memory_space<vmem>>) semaphore(%arg11 : memref<!tpu.dma_semaphore, #tpu.memory_space<semaphore_mem>>)
    %dma_start3A_43 = arith.constant 1 : i32
    %dma_start3A_44 = arith.constant 0 : i32
    %dma_start3A_45 = tpu.memref_slice %arg6[%dma_start3A_43, %dma_start3A_44] : memref<100x100xi32, #tpu.memory_space<vmem>> -> memref<1x100xi32, #tpu.memory_space<vmem>>
    %dma_start3A_46 = tpu.memref_squeeze %dma_start3A_45 : memref<1x100xi32, #tpu.memory_space<vmem>> -> memref<100xi32, #tpu.memory_space<vmem>>
    %dma_start3A_47 = arith.constant 0 : i32
    %dma_start3A_48 = arith.constant 0 : i32
    %dma_start3A_49 = tpu.memref_slice %arg2[%dma_start3A_47, %dma_start3A_48] : memref<10240x128xf32, #tpu.memory_space<hbm>> -> memref<10240x128xf32, #tpu.memory_space<hbm>>
    tpu.enqueue_indirect_dma source(%dma_start3A_49 : memref<10240x128xf32, #tpu.memory_space<hbm>>) target(%arg9 : memref<100x128xf32, #tpu.memory_space<vmem>>) offsets(%dma_start3A_46 : memref<100xi32, #tpu.memory_space<vmem>>) semaphore(%arg12 : memref<!tpu.dma_semaphore, #tpu.memory_space<semaphore_mem>>)
    %scan3A_50 = arith.constant 0 : i32
    %scan3A_51 = arith.constant 50 : i32
    %scan3A_52 = arith.addi %scan3A_50, %scan3A_51 : i32
    %scan3A_53 = arith.constant 1 : i32
    scf.for %scan3A_60 = %scan3A_50 to %scan3A_52 step %scan3A_53  : i32 {
      %mul3A_61 = arith.constant 1 : i32
      %mul3A_62 = arith.muli %scan3A_60, %mul3A_61 : i32
      %add3A_63 = arith.constant 0 : i32
      %add3A_64 = arith.addi %add3A_63, %mul3A_62 : i32
      %mul3A_65 = arith.constant 2 : i32
      %mul3A_66 = arith.muli %add3A_64, %mul3A_65 : i32
      %dma_wait3A = arith.constant 0 : i32
      %dma_wait3A_67 = tpu.memref_slice %arg6[%mul3A_66, %dma_wait3A] : memref<100x100xi32, #tpu.memory_space<vmem>> -> memref<1x100xi32, #tpu.memory_space<vmem>>
      %dma_wait3A_68 = tpu.memref_squeeze %dma_wait3A_67 : memref<1x100xi32, #tpu.memory_space<vmem>> -> memref<100xi32, #tpu.memory_space<vmem>>
      %dma_wait3A_69 = arith.constant 0 : i32
      %dma_wait3A_70 = arith.constant 0 : i32
      %dma_wait3A_71 = tpu.memref_slice %arg2[%dma_wait3A_69, %dma_wait3A_70] : memref<10240x128xf32, #tpu.memory_space<hbm>> -> memref<10240x128xf32, #tpu.memory_space<hbm>>
      tpu.wait_indirect_dma semaphore(%arg11 : memref<!tpu.dma_semaphore, #tpu.memory_space<semaphore_mem>>) src(%dma_wait3A_71 : memref<10240x128xf32, #tpu.memory_space<hbm>>) dst(%arg8 : memref<100x128xf32, #tpu.memory_space<vmem>>)
      "tpu.region"() ({
        %run_scoped3A = tpu.sem_alloc : memref<!tpu.dma_semaphore, #tpu.memory_space<semaphore_mem>>
        %dma_start3A_93 = arith.constant 0 : i32
        %dma_start3A_94 = tpu.memref_slice %arg7[%mul3A_66, %dma_start3A_93] : memref<100x100xi32, #tpu.memory_space<vmem>> -> memref<1x100xi32, #tpu.memory_space<vmem>>
        %dma_start3A_95 = tpu.memref_squeeze %dma_start3A_94 : memref<1x100xi32, #tpu.memory_space<vmem>> -> memref<100xi32, #tpu.memory_space<vmem>>
        %dma_start3A_96 = arith.constant 0 : i32
        %dma_start3A_97 = arith.constant 0 : i32
        %dma_start3A_98 = tpu.memref_slice %arg10[%dma_start3A_96, %dma_start3A_97] : memref<10240x128xf32, #tpu.memory_space<vmem_shared>> -> memref<10240x128xf32, #tpu.memory_space<vmem_shared>>
        tpu.enqueue_indirect_dma source(%arg8 : memref<100x128xf32, #tpu.memory_space<vmem>>) target(%dma_start3A_98 : memref<10240x128xf32, #tpu.memory_space<vmem_shared>>) offsets(%dma_start3A_95 : memref<100xi32, #tpu.memory_space<vmem>>) semaphore(%run_scoped3A : memref<!tpu.dma_semaphore, #tpu.memory_space<semaphore_mem>>) {add = true}
        %dma_wait3A_99 = arith.constant 0 : i32
        %dma_wait3A_100 = tpu.memref_slice %arg7[%mul3A_66, %dma_wait3A_99] : memref<100x100xi32, #tpu.memory_space<vmem>> -> memref<1x100xi32, #tpu.memory_space<vmem>>
        %dma_wait3A_101 = tpu.memref_squeeze %dma_wait3A_100 : memref<1x100xi32, #tpu.memory_space<vmem>> -> memref<100xi32, #tpu.memory_space<vmem>>
        %dma_wait3A_102 = arith.constant 0 : i32
        %dma_wait3A_103 = arith.constant 0 : i32
        %dma_wait3A_104 = tpu.memref_slice %arg10[%dma_wait3A_102, %dma_wait3A_103] : memref<10240x128xf32, #tpu.memory_space<vmem_shared>> -> memref<10240x128xf32, #tpu.memory_space<vmem_shared>>
        tpu.wait_indirect_dma semaphore(%run_scoped3A : memref<!tpu.dma_semaphore, #tpu.memory_space<semaphore_mem>>) src(%arg8 : memref<100x128xf32, #tpu.memory_space<vmem>>) dst(%dma_wait3A_104 : memref<10240x128xf32, #tpu.memory_space<vmem_shared>>)
        tpu.yield
      }) : () -> ()
      %add3A_72 = arith.constant 2 : i32
      %add3A_73 = arith.addi %mul3A_66, %add3A_72 : i32
      %lt3A = arith.constant 100 : i32
      %lt3A_74 = arith.cmpi slt, %add3A_73, %lt3A : i32
      %convert_element_type3A = arith.extui %lt3A_74 : i1 to i32
      %cond3A = arith.constant 0 : i32
      %cond3A_75 = arith.cmpi ne, %convert_element_type3A, %cond3A : i32
      scf.if %cond3A_75 {
        %add3A_93 = arith.constant 2 : i32
        %add3A_94 = arith.addi %mul3A_66, %add3A_93 : i32
        %dma_start3A_95 = arith.constant 0 : i32
        %dma_start3A_96 = tpu.memref_slice %arg6[%add3A_94, %dma_start3A_95] : memref<100x100xi32, #tpu.memory_space<vmem>> -> memref<1x100xi32, #tpu.memory_space<vmem>>
        %dma_start3A_97 = tpu.memref_squeeze %dma_start3A_96 : memref<1x100xi32, #tpu.memory_space<vmem>> -> memref<100xi32, #tpu.memory_space<vmem>>
        %dma_start3A_98 = arith.constant 0 : i32
        %dma_start3A_99 = arith.constant 0 : i32
        %dma_start3A_100 = tpu.memref_slice %arg2[%dma_start3A_98, %dma_start3A_99] : memref<10240x128xf32, #tpu.memory_space<hbm>> -> memref<10240x128xf32, #tpu.memory_space<hbm>>
        tpu.enqueue_indirect_dma source(%dma_start3A_100 : memref<10240x128xf32, #tpu.memory_space<hbm>>) target(%arg8 : memref<100x128xf32, #tpu.memory_space<vmem>>) offsets(%dma_start3A_97 : memref<100xi32, #tpu.memory_space<vmem>>) semaphore(%arg11 : memref<!tpu.dma_semaphore, #tpu.memory_space<semaphore_mem>>)
      } else {
      }
      %add3A_76 = arith.constant 1 : i32
      %add3A_77 = arith.addi %mul3A_66, %add3A_76 : i32
      %dma_wait3A_78 = arith.constant 0 : i32
      %dma_wait3A_79 = tpu.memref_slice %arg6[%add3A_77, %dma_wait3A_78] : memref<100x100xi32, #tpu.memory_space<vmem>> -> memref<1x100xi32, #tpu.memory_space<vmem>>
      %dma_wait3A_80 = tpu.memref_squeeze %dma_wait3A_79 : memref<1x100xi32, #tpu.memory_space<vmem>> -> memref<100xi32, #tpu.memory_space<vmem>>
      %dma_wait3A_81 = arith.constant 0 : i32
      %dma_wait3A_82 = arith.constant 0 : i32
      %dma_wait3A_83 = tpu.memref_slice %arg2[%dma_wait3A_81, %dma_wait3A_82] : memref<10240x128xf32, #tpu.memory_space<hbm>> -> memref<10240x128xf32, #tpu.memory_space<hbm>>
      tpu.wait_indirect_dma semaphore(%arg12 : memref<!tpu.dma_semaphore, #tpu.memory_space<semaphore_mem>>) src(%dma_wait3A_83 : memref<10240x128xf32, #tpu.memory_space<hbm>>) dst(%arg9 : memref<100x128xf32, #tpu.memory_space<vmem>>)
      %add3A_84 = arith.constant 1 : i32
      %add3A_85 = arith.addi %mul3A_66, %add3A_84 : i32
      "tpu.region"() ({
        %run_scoped3A = tpu.sem_alloc : memref<!tpu.dma_semaphore, #tpu.memory_space<semaphore_mem>>
        %dma_start3A_93 = arith.constant 0 : i32
        %dma_start3A_94 = tpu.memref_slice %arg7[%add3A_85, %dma_start3A_93] : memref<100x100xi32, #tpu.memory_space<vmem>> -> memref<1x100xi32, #tpu.memory_space<vmem>>
        %dma_start3A_95 = tpu.memref_squeeze %dma_start3A_94 : memref<1x100xi32, #tpu.memory_space<vmem>> -> memref<100xi32, #tpu.memory_space<vmem>>
        %dma_start3A_96 = arith.constant 0 : i32
        %dma_start3A_97 = arith.constant 0 : i32
        %dma_start3A_98 = tpu.memref_slice %arg10[%dma_start3A_96, %dma_start3A_97] : memref<10240x128xf32, #tpu.memory_space<vmem_shared>> -> memref<10240x128xf32, #tpu.memory_space<vmem_shared>>
        tpu.enqueue_indirect_dma source(%arg9 : memref<100x128xf32, #tpu.memory_space<vmem>>) target(%dma_start3A_98 : memref<10240x128xf32, #tpu.memory_space<vmem_shared>>) offsets(%dma_start3A_95 : memref<100xi32, #tpu.memory_space<vmem>>) semaphore(%run_scoped3A : memref<!tpu.dma_semaphore, #tpu.memory_space<semaphore_mem>>) {add = true}
        %dma_wait3A_99 = arith.constant 0 : i32
        %dma_wait3A_100 = tpu.memref_slice %arg7[%add3A_85, %dma_wait3A_99] : memref<100x100xi32, #tpu.memory_space<vmem>> -> memref<1x100xi32, #tpu.memory_space<vmem>>
        %dma_wait3A_101 = tpu.memref_squeeze %dma_wait3A_100 : memref<1x100xi32, #tpu.memory_space<vmem>> -> memref<100xi32, #tpu.memory_space<vmem>>
        %dma_wait3A_102 = arith.constant 0 : i32
        %dma_wait3A_103 = arith.constant 0 : i32
        %dma_wait3A_104 = tpu.memref_slice %arg10[%dma_wait3A_102, %dma_wait3A_103] : memref<10240x128xf32, #tpu.memory_space<vmem_shared>> -> memref<10240x128xf32, #tpu.memory_space<vmem_shared>>
        tpu.wait_indirect_dma semaphore(%run_scoped3A : memref<!tpu.dma_semaphore, #tpu.memory_space<semaphore_mem>>) src(%arg9 : memref<100x128xf32, #tpu.memory_space<vmem>>) dst(%dma_wait3A_104 : memref<10240x128xf32, #tpu.memory_space<vmem_shared>>)
        tpu.yield
      }) : () -> ()
      %add3A_86 = arith.constant 3 : i32
      %add3A_87 = arith.addi %mul3A_66, %add3A_86 : i32
      %lt3A_88 = arith.constant 100 : i32
      %lt3A_89 = arith.cmpi slt, %add3A_87, %lt3A_88 : i32
      %convert_element_type3A_90 = arith.extui %lt3A_89 : i1 to i32
      %cond3A_91 = arith.constant 0 : i32
      %cond3A_92 = arith.cmpi ne, %convert_element_type3A_90, %cond3A_91 : i32
      scf.if %cond3A_92 {
        %add3A_93 = arith.constant 3 : i32
        %add3A_94 = arith.addi %mul3A_66, %add3A_93 : i32
        %dma_start3A_95 = arith.constant 0 : i32
        %dma_start3A_96 = tpu.memref_slice %arg6[%add3A_94, %dma_start3A_95] : memref<100x100xi32, #tpu.memory_space<vmem>> -> memref<1x100xi32, #tpu.memory_space<vmem>>
        %dma_start3A_97 = tpu.memref_squeeze %dma_start3A_96 : memref<1x100xi32, #tpu.memory_space<vmem>> -> memref<100xi32, #tpu.memory_space<vmem>>
        %dma_start3A_98 = arith.constant 0 : i32
        %dma_start3A_99 = arith.constant 0 : i32
        %dma_start3A_100 = tpu.memref_slice %arg2[%dma_start3A_98, %dma_start3A_99] : memref<10240x128xf32, #tpu.memory_space<hbm>> -> memref<10240x128xf32, #tpu.memory_space<hbm>>
        tpu.enqueue_indirect_dma source(%dma_start3A_100 : memref<10240x128xf32, #tpu.memory_space<hbm>>) target(%arg9 : memref<100x128xf32, #tpu.memory_space<vmem>>) offsets(%dma_start3A_97 : memref<100xi32, #tpu.memory_space<vmem>>) semaphore(%arg12 : memref<!tpu.dma_semaphore, #tpu.memory_space<semaphore_mem>>)
      } else {
      }
    }
    %scan3A_54 = arith.constant 50 : i32
    %barrier3A_55 = arith.constant 0 : index
    tpu.barrier barrier_id(%barrier3A_55)
    %mul3A_56 = arith.constant 640 : i32
    %mul3A_57 = arith.muli %arg1, %mul3A_56 : i32
    %mul3A_58 = arith.constant 640 : i32
    %mul3A_59 = arith.muli %arg1, %mul3A_58 : i32
    "tpu.region"() ({
      %run_scoped3A = tpu.sem_alloc : memref<!tpu.dma_semaphore, #tpu.memory_space<semaphore_mem>>
      %dma_start3A_60 = arith.constant 0 : i32
      %dma_start3A_61 = tpu.memref_slice %arg5[%arg0, %mul3A_59, %dma_start3A_60] : memref<2x10240x128xf32, #tpu.memory_space<hbm>> -> memref<1x640x128xf32, #tpu.memory_space<hbm>>
      %dma_start3A_62 = tpu.memref_squeeze %dma_start3A_61 : memref<1x640x128xf32, #tpu.memory_space<hbm>> -> memref<640x128xf32, #tpu.memory_space<hbm>>
      %dma_start3A_63 = arith.constant 0 : i32
      %dma_start3A_64 = tpu.memref_slice %arg10[%mul3A_57, %dma_start3A_63] : memref<10240x128xf32, #tpu.memory_space<vmem_shared>> -> memref<640x128xf32, #tpu.memory_space<vmem_shared>>
      tpu.enqueue_dma source(%dma_start3A_64 : memref<640x128xf32, #tpu.memory_space<vmem_shared>>) target(%dma_start3A_62 : memref<640x128xf32, #tpu.memory_space<hbm>>) target_semaphore(%run_scoped3A : memref<!tpu.dma_semaphore, #tpu.memory_space<semaphore_mem>>)
      %dma_wait3A = arith.constant 0 : i32
      %dma_wait3A_65 = tpu.memref_slice %arg5[%arg0, %mul3A_59, %dma_wait3A] : memref<2x10240x128xf32, #tpu.memory_space<hbm>> -> memref<1x640x128xf32, #tpu.memory_space<hbm>>
      %dma_wait3A_66 = tpu.memref_squeeze %dma_wait3A_65 : memref<1x640x128xf32, #tpu.memory_space<hbm>> -> memref<640x128xf32, #tpu.memory_space<hbm>>
      %dma_wait3A_67 = arith.constant 0 : i32
      %dma_wait3A_68 = tpu.memref_slice %arg10[%mul3A_57, %dma_wait3A_67] : memref<10240x128xf32, #tpu.memory_space<vmem_shared>> -> memref<640x128xf32, #tpu.memory_space<vmem_shared>>
      tpu.wait_dma2 semaphore(%run_scoped3A : memref<!tpu.dma_semaphore, #tpu.memory_space<semaphore_mem>>) src(%dma_wait3A_68 : memref<640x128xf32, #tpu.memory_space<vmem_shared>>) dst(%dma_wait3A_66 : memref<640x128xf32, #tpu.memory_space<hbm>>)
      tpu.yield
    }) : () -> ()
    return
  }
}

#map = affine_map<(d0, d1) -> (0, 0)>
#map1 = affine_map<(d0, d1) -> (0, 0, 0)>
module attributes {stable_mosaic.version = 14 : i64} {
  func.func @sc_msg_scatter(%arg0: i32, %arg1: i32, %arg2: memref<10240x128xf32, #tpu.memory_space<hbm>>, %arg3: memref<3200x100xi32, #tpu.memory_space<hbm>>, %arg4: memref<3200x100xi32, #tpu.memory_space<hbm>>, %arg5: memref<2x10240x128xf32, #tpu.memory_space<hbm>>, %arg6: memref<100x100xi32, #tpu.memory_space<vmem>>, %arg7: memref<100x100xi32, #tpu.memory_space<vmem>>, %arg8: memref<100x128xf32, #tpu.memory_space<vmem>>, %arg9: memref<100x128xf32, #tpu.memory_space<vmem>>, %arg10: memref<10240x128xf32, #tpu.memory_space<vmem_shared>>, %arg11: memref<!tpu.dma_semaphore, #tpu.memory_space<semaphore_mem>>, %arg12: memref<!tpu.dma_semaphore, #tpu.memory_space<semaphore_mem>>) attributes {dimension_semantics = [#tpu.dimension_semantics<core_parallel>, #tpu.dimension_semantics<subcore_parallel>], iteration_bounds = array<i64: 2, 16>, scalar_prefetch = 0 : i64, scratch_operands = 7 : i64, tpu.core_type = #tpu.core_type<sc_vector_subcore>, window_params = [{transform_indices = #map}, {transform_indices = #map}, {transform_indices = #map}, {transform_indices = #map1}]} {
    %mul3A = arith.constant 2 : i32
    %mul3A_0 = arith.muli %arg1, %mul3A : i32
    %add3A = arith.addi %mul3A_0, %arg0 : i32
    %mul3A_1 = arith.constant 100 : i32
    %mul3A_2 = arith.muli %add3A, %mul3A_1 : i32
    "tpu.region"() ({
      %run_scoped3A = tpu.sem_alloc : memref<!tpu.dma_semaphore, #tpu.memory_space<semaphore_mem>>
      %dma_start3A_60 = arith.constant 0 : i32
      %dma_start3A_61 = tpu.memref_slice %arg3[%mul3A_2, %dma_start3A_60] : memref<3200x100xi32, #tpu.memory_space<hbm>> -> memref<100x100xi32, #tpu.memory_space<hbm>>
      %dma_start3A_62 = arith.constant 0 : i32
      %dma_start3A_63 = tpu.memref_slice %arg3[%mul3A_2, %dma_start3A_62] : memref<3200x100xi32, #tpu.memory_space<hbm>> -> memref<100x100xi32, #tpu.memory_space<hbm>>
      tpu.enqueue_dma source(%dma_start3A_63 : memref<100x100xi32, #tpu.memory_space<hbm>>) target(%arg6 : memref<100x100xi32, #tpu.memory_space<vmem>>) target_semaphore(%run_scoped3A : memref<!tpu.dma_semaphore, #tpu.memory_space<semaphore_mem>>)
      %dma_wait3A = arith.constant 0 : i32
      %dma_wait3A_64 = tpu.memref_slice %arg3[%mul3A_2, %dma_wait3A] : memref<3200x100xi32, #tpu.memory_space<hbm>> -> memref<100x100xi32, #tpu.memory_space<hbm>>
      %dma_wait3A_65 = arith.constant 0 : i32
      %dma_wait3A_66 = tpu.memref_slice %arg3[%mul3A_2, %dma_wait3A_65] : memref<3200x100xi32, #tpu.memory_space<hbm>> -> memref<100x100xi32, #tpu.memory_space<hbm>>
      tpu.wait_dma2 semaphore(%run_scoped3A : memref<!tpu.dma_semaphore, #tpu.memory_space<semaphore_mem>>) src(%dma_wait3A_66 : memref<100x100xi32, #tpu.memory_space<hbm>>) dst(%arg6 : memref<100x100xi32, #tpu.memory_space<vmem>>)
      tpu.yield
    }) : () -> ()
    %mul3A_3 = arith.constant 100 : i32
    %mul3A_4 = arith.muli %add3A, %mul3A_3 : i32
    "tpu.region"() ({
      %run_scoped3A = tpu.sem_alloc : memref<!tpu.dma_semaphore, #tpu.memory_space<semaphore_mem>>
      %dma_start3A_60 = arith.constant 0 : i32
      %dma_start3A_61 = tpu.memref_slice %arg4[%mul3A_4, %dma_start3A_60] : memref<3200x100xi32, #tpu.memory_space<hbm>> -> memref<100x100xi32, #tpu.memory_space<hbm>>
      %dma_start3A_62 = arith.constant 0 : i32
      %dma_start3A_63 = tpu.memref_slice %arg4[%mul3A_4, %dma_start3A_62] : memref<3200x100xi32, #tpu.memory_space<hbm>> -> memref<100x100xi32, #tpu.memory_space<hbm>>
      tpu.enqueue_dma source(%dma_start3A_63 : memref<100x100xi32, #tpu.memory_space<hbm>>) target(%arg7 : memref<100x100xi32, #tpu.memory_space<vmem>>) target_semaphore(%run_scoped3A : memref<!tpu.dma_semaphore, #tpu.memory_space<semaphore_mem>>)
      %dma_wait3A = arith.constant 0 : i32
      %dma_wait3A_64 = tpu.memref_slice %arg4[%mul3A_4, %dma_wait3A] : memref<3200x100xi32, #tpu.memory_space<hbm>> -> memref<100x100xi32, #tpu.memory_space<hbm>>
      %dma_wait3A_65 = arith.constant 0 : i32
      %dma_wait3A_66 = tpu.memref_slice %arg4[%mul3A_4, %dma_wait3A_65] : memref<3200x100xi32, #tpu.memory_space<hbm>> -> memref<100x100xi32, #tpu.memory_space<hbm>>
      tpu.wait_dma2 semaphore(%run_scoped3A : memref<!tpu.dma_semaphore, #tpu.memory_space<semaphore_mem>>) src(%dma_wait3A_66 : memref<100x100xi32, #tpu.memory_space<hbm>>) dst(%arg7 : memref<100x100xi32, #tpu.memory_space<vmem>>)
      tpu.yield
    }) : () -> ()
    %scan3A = arith.constant 0 : i32
    %scan3A_5 = arith.constant 100 : i32
    %scan3A_6 = arith.addi %scan3A, %scan3A_5 : i32
    %scan3A_7 = arith.constant 1 : i32
    scf.for %scan3A_60 = %scan3A to %scan3A_6 step %scan3A_7  : i32 {
      %mul3A_61 = arith.constant 1 : i32
      %mul3A_62 = arith.muli %scan3A_60, %mul3A_61 : i32
      %add3A_63 = arith.constant 0 : i32
      %add3A_64 = arith.addi %add3A_63, %mul3A_62 : i32
      %broadcast_in_dim3A = arith.constant 0.000000e+00 : f32
      %broadcast_in_dim3A_65 = vector.broadcast %broadcast_in_dim3A : f32 to vector<16xf32>
      %swap3A = arith.index_cast %add3A_64 : i32 to index
      %swap3A_66 = arith.constant 0 : index
      %swap3A_67 = tpu.vector_load %arg8[%swap3A, %swap3A_66] {strides = array<i32>} : memref<100x128xf32, #tpu.memory_space<vmem>>, vector<1x16xf32>,
      %swap3A_68 = vector.shape_cast %swap3A_67 : vector<1x16xf32> to vector<16xf32>
      %swap3A_69 = vector.shape_cast %broadcast_in_dim3A_65 : vector<16xf32> to vector<1x16xf32>
      tpu.vector_store %arg8[%swap3A, %swap3A_66], %swap3A_69 {strides = array<i32>} : memref<100x128xf32, #tpu.memory_space<vmem>>, vector<1x16xf32>,
      %broadcast_in_dim3A_70 = arith.constant 0.000000e+00 : f32
      %broadcast_in_dim3A_71 = vector.broadcast %broadcast_in_dim3A_70 : f32 to vector<16xf32>
      %swap3A_72 = arith.index_cast %add3A_64 : i32 to index
      %swap3A_73 = arith.constant 16 : index
      %swap3A_74 = tpu.vector_load %arg8[%swap3A_72, %swap3A_73] {strides = array<i32>} : memref<100x128xf32, #tpu.memory_space<vmem>>, vector<1x16xf32>,
      %swap3A_75 = vector.shape_cast %swap3A_74 : vector<1x16xf32> to vector<16xf32>
      %swap3A_76 = vector.shape_cast %broadcast_in_dim3A_71 : vector<16xf32> to vector<1x16xf32>
      tpu.vector_store %arg8[%swap3A_72, %swap3A_73], %swap3A_76 {strides = array<i32>} : memref<100x128xf32, #tpu.memory_space<vmem>>, vector<1x16xf32>,
      %broadcast_in_dim3A_77 = arith.constant 0.000000e+00 : f32
      %broadcast_in_dim3A_78 = vector.broadcast %broadcast_in_dim3A_77 : f32 to vector<16xf32>
      %swap3A_79 = arith.index_cast %add3A_64 : i32 to index
      %swap3A_80 = arith.constant 32 : index
      %swap3A_81 = tpu.vector_load %arg8[%swap3A_79, %swap3A_80] {strides = array<i32>} : memref<100x128xf32, #tpu.memory_space<vmem>>, vector<1x16xf32>,
      %swap3A_82 = vector.shape_cast %swap3A_81 : vector<1x16xf32> to vector<16xf32>
      %swap3A_83 = vector.shape_cast %broadcast_in_dim3A_78 : vector<16xf32> to vector<1x16xf32>
      tpu.vector_store %arg8[%swap3A_79, %swap3A_80], %swap3A_83 {strides = array<i32>} : memref<100x128xf32, #tpu.memory_space<vmem>>, vector<1x16xf32>,
      %broadcast_in_dim3A_84 = arith.constant 0.000000e+00 : f32
      %broadcast_in_dim3A_85 = vector.broadcast %broadcast_in_dim3A_84 : f32 to vector<16xf32>
      %swap3A_86 = arith.index_cast %add3A_64 : i32 to index
      %swap3A_87 = arith.constant 48 : index
      %swap3A_88 = tpu.vector_load %arg8[%swap3A_86, %swap3A_87] {strides = array<i32>} : memref<100x128xf32, #tpu.memory_space<vmem>>, vector<1x16xf32>,
      %swap3A_89 = vector.shape_cast %swap3A_88 : vector<1x16xf32> to vector<16xf32>
      %swap3A_90 = vector.shape_cast %broadcast_in_dim3A_85 : vector<16xf32> to vector<1x16xf32>
      tpu.vector_store %arg8[%swap3A_86, %swap3A_87], %swap3A_90 {strides = array<i32>} : memref<100x128xf32, #tpu.memory_space<vmem>>, vector<1x16xf32>,
      %broadcast_in_dim3A_91 = arith.constant 0.000000e+00 : f32
      %broadcast_in_dim3A_92 = vector.broadcast %broadcast_in_dim3A_91 : f32 to vector<16xf32>
      %swap3A_93 = arith.index_cast %add3A_64 : i32 to index
      %swap3A_94 = arith.constant 64 : index
      %swap3A_95 = tpu.vector_load %arg8[%swap3A_93, %swap3A_94] {strides = array<i32>} : memref<100x128xf32, #tpu.memory_space<vmem>>, vector<1x16xf32>,
      %swap3A_96 = vector.shape_cast %swap3A_95 : vector<1x16xf32> to vector<16xf32>
      %swap3A_97 = vector.shape_cast %broadcast_in_dim3A_92 : vector<16xf32> to vector<1x16xf32>
      tpu.vector_store %arg8[%swap3A_93, %swap3A_94], %swap3A_97 {strides = array<i32>} : memref<100x128xf32, #tpu.memory_space<vmem>>, vector<1x16xf32>,
      %broadcast_in_dim3A_98 = arith.constant 0.000000e+00 : f32
      %broadcast_in_dim3A_99 = vector.broadcast %broadcast_in_dim3A_98 : f32 to vector<16xf32>
      %swap3A_100 = arith.index_cast %add3A_64 : i32 to index
      %swap3A_101 = arith.constant 80 : index
      %swap3A_102 = tpu.vector_load %arg8[%swap3A_100, %swap3A_101] {strides = array<i32>} : memref<100x128xf32, #tpu.memory_space<vmem>>, vector<1x16xf32>,
      %swap3A_103 = vector.shape_cast %swap3A_102 : vector<1x16xf32> to vector<16xf32>
      %swap3A_104 = vector.shape_cast %broadcast_in_dim3A_99 : vector<16xf32> to vector<1x16xf32>
      tpu.vector_store %arg8[%swap3A_100, %swap3A_101], %swap3A_104 {strides = array<i32>} : memref<100x128xf32, #tpu.memory_space<vmem>>, vector<1x16xf32>,
      %broadcast_in_dim3A_105 = arith.constant 0.000000e+00 : f32
      %broadcast_in_dim3A_106 = vector.broadcast %broadcast_in_dim3A_105 : f32 to vector<16xf32>
      %swap3A_107 = arith.index_cast %add3A_64 : i32 to index
      %swap3A_108 = arith.constant 96 : index
      %swap3A_109 = tpu.vector_load %arg8[%swap3A_107, %swap3A_108] {strides = array<i32>} : memref<100x128xf32, #tpu.memory_space<vmem>>, vector<1x16xf32>,
      %swap3A_110 = vector.shape_cast %swap3A_109 : vector<1x16xf32> to vector<16xf32>
      %swap3A_111 = vector.shape_cast %broadcast_in_dim3A_106 : vector<16xf32> to vector<1x16xf32>
      tpu.vector_store %arg8[%swap3A_107, %swap3A_108], %swap3A_111 {strides = array<i32>} : memref<100x128xf32, #tpu.memory_space<vmem>>, vector<1x16xf32>,
      %broadcast_in_dim3A_112 = arith.constant 0.000000e+00 : f32
      %broadcast_in_dim3A_113 = vector.broadcast %broadcast_in_dim3A_112 : f32 to vector<16xf32>
      %swap3A_114 = arith.index_cast %add3A_64 : i32 to index
      %swap3A_115 = arith.constant 112 : index
      %swap3A_116 = tpu.vector_load %arg8[%swap3A_114, %swap3A_115] {strides = array<i32>} : memref<100x128xf32, #tpu.memory_space<vmem>>, vector<1x16xf32>,
      %swap3A_117 = vector.shape_cast %swap3A_116 : vector<1x16xf32> to vector<16xf32>
      %swap3A_118 = vector.shape_cast %broadcast_in_dim3A_113 : vector<16xf32> to vector<1x16xf32>
      tpu.vector_store %arg8[%swap3A_114, %swap3A_115], %swap3A_118 {strides = array<i32>} : memref<100x128xf32, #tpu.memory_space<vmem>>, vector<1x16xf32>,
    }
    %scan3A_8 = arith.constant 100 : i32
    %mul3A_9 = arith.constant 640 : i32
    %mul3A_10 = arith.muli %arg1, %mul3A_9 : i32
    %add3A_11 = arith.constant 0 : i32
    %add3A_12 = arith.addi %mul3A_10, %add3A_11 : i32
    "tpu.region"() ({
      %run_scoped3A = tpu.sem_alloc : memref<!tpu.dma_semaphore, #tpu.memory_space<semaphore_mem>>
      %dma_start3A_60 = arith.constant 0 : i32
      %dma_start3A_61 = arith.constant 0 : i32
      %dma_start3A_62 = tpu.memref_slice %arg8[%dma_start3A_60, %dma_start3A_61] : memref<100x128xf32, #tpu.memory_space<vmem>> -> memref<100x128xf32, #tpu.memory_space<vmem>>
      %dma_start3A_63 = arith.constant 0 : i32
      %dma_start3A_64 = tpu.memref_slice %arg10[%add3A_12, %dma_start3A_63] : memref<10240x128xf32, #tpu.memory_space<vmem_shared>> -> memref<100x128xf32, #tpu.memory_space<vmem_shared>>
      %dma_start3A_65 = arith.constant 0 : i32
      %dma_start3A_66 = tpu.memref_slice %arg10[%add3A_12, %dma_start3A_65] : memref<10240x128xf32, #tpu.memory_space<vmem_shared>> -> memref<100x128xf32, #tpu.memory_space<vmem_shared>>
      %dma_start3A_67 = arith.constant 0 : i32
      %dma_start3A_68 = arith.constant 0 : i32
      %dma_start3A_69 = tpu.memref_slice %arg8[%dma_start3A_67, %dma_start3A_68] : memref<100x128xf32, #tpu.memory_space<vmem>> -> memref<100x128xf32, #tpu.memory_space<vmem>>
      tpu.enqueue_dma source(%dma_start3A_69 : memref<100x128xf32, #tpu.memory_space<vmem>>) target(%dma_start3A_66 : memref<100x128xf32, #tpu.memory_space<vmem_shared>>) target_semaphore(%run_scoped3A : memref<!tpu.dma_semaphore, #tpu.memory_space<semaphore_mem>>)
      %dma_wait3A = arith.constant 0 : i32
      %dma_wait3A_70 = arith.constant 0 : i32
      %dma_wait3A_71 = tpu.memref_slice %arg8[%dma_wait3A, %dma_wait3A_70] : memref<100x128xf32, #tpu.memory_space<vmem>> -> memref<100x128xf32, #tpu.memory_space<vmem>>
      %dma_wait3A_72 = arith.constant 0 : i32
      %dma_wait3A_73 = tpu.memref_slice %arg10[%add3A_12, %dma_wait3A_72] : memref<10240x128xf32, #tpu.memory_space<vmem_shared>> -> memref<100x128xf32, #tpu.memory_space<vmem_shared>>
      %dma_wait3A_74 = arith.constant 0 : i32
      %dma_wait3A_75 = tpu.memref_slice %arg10[%add3A_12, %dma_wait3A_74] : memref<10240x128xf32, #tpu.memory_space<vmem_shared>> -> memref<100x128xf32, #tpu.memory_space<vmem_shared>>
      %dma_wait3A_76 = arith.constant 0 : i32
      %dma_wait3A_77 = arith.constant 0 : i32
      %dma_wait3A_78 = tpu.memref_slice %arg8[%dma_wait3A_76, %dma_wait3A_77] : memref<100x128xf32, #tpu.memory_space<vmem>> -> memref<100x128xf32, #tpu.memory_space<vmem>>
      tpu.wait_dma2 semaphore(%run_scoped3A : memref<!tpu.dma_semaphore, #tpu.memory_space<semaphore_mem>>) src(%dma_wait3A_78 : memref<100x128xf32, #tpu.memory_space<vmem>>) dst(%dma_wait3A_75 : memref<100x128xf32, #tpu.memory_space<vmem_shared>>)
      tpu.yield
    }) : () -> ()
    %mul3A_13 = arith.constant 640 : i32
    %mul3A_14 = arith.muli %arg1, %mul3A_13 : i32
    %add3A_15 = arith.constant 100 : i32
    %add3A_16 = arith.addi %mul3A_14, %add3A_15 : i32
    "tpu.region"() ({
      %run_scoped3A = tpu.sem_alloc : memref<!tpu.dma_semaphore, #tpu.memory_space<semaphore_mem>>
      %dma_start3A_60 = arith.constant 0 : i32
      %dma_start3A_61 = arith.constant 0 : i32
      %dma_start3A_62 = tpu.memref_slice %arg8[%dma_start3A_60, %dma_start3A_61] : memref<100x128xf32, #tpu.memory_space<vmem>> -> memref<100x128xf32, #tpu.memory_space<vmem>>
      %dma_start3A_63 = arith.constant 0 : i32
      %dma_start3A_64 = tpu.memref_slice %arg10[%add3A_16, %dma_start3A_63] : memref<10240x128xf32, #tpu.memory_space<vmem_shared>> -> memref<100x128xf32, #tpu.memory_space<vmem_shared>>
      %dma_start3A_65 = arith.constant 0 : i32
      %dma_start3A_66 = tpu.memref_slice %arg10[%add3A_16, %dma_start3A_65] : memref<10240x128xf32, #tpu.memory_space<vmem_shared>> -> memref<100x128xf32, #tpu.memory_space<vmem_shared>>
      %dma_start3A_67 = arith.constant 0 : i32
      %dma_start3A_68 = arith.constant 0 : i32
      %dma_start3A_69 = tpu.memref_slice %arg8[%dma_start3A_67, %dma_start3A_68] : memref<100x128xf32, #tpu.memory_space<vmem>> -> memref<100x128xf32, #tpu.memory_space<vmem>>
      tpu.enqueue_dma source(%dma_start3A_69 : memref<100x128xf32, #tpu.memory_space<vmem>>) target(%dma_start3A_66 : memref<100x128xf32, #tpu.memory_space<vmem_shared>>) target_semaphore(%run_scoped3A : memref<!tpu.dma_semaphore, #tpu.memory_space<semaphore_mem>>)
      %dma_wait3A = arith.constant 0 : i32
      %dma_wait3A_70 = arith.constant 0 : i32
      %dma_wait3A_71 = tpu.memref_slice %arg8[%dma_wait3A, %dma_wait3A_70] : memref<100x128xf32, #tpu.memory_space<vmem>> -> memref<100x128xf32, #tpu.memory_space<vmem>>
      %dma_wait3A_72 = arith.constant 0 : i32
      %dma_wait3A_73 = tpu.memref_slice %arg10[%add3A_16, %dma_wait3A_72] : memref<10240x128xf32, #tpu.memory_space<vmem_shared>> -> memref<100x128xf32, #tpu.memory_space<vmem_shared>>
      %dma_wait3A_74 = arith.constant 0 : i32
      %dma_wait3A_75 = tpu.memref_slice %arg10[%add3A_16, %dma_wait3A_74] : memref<10240x128xf32, #tpu.memory_space<vmem_shared>> -> memref<100x128xf32, #tpu.memory_space<vmem_shared>>
      %dma_wait3A_76 = arith.constant 0 : i32
      %dma_wait3A_77 = arith.constant 0 : i32
      %dma_wait3A_78 = tpu.memref_slice %arg8[%dma_wait3A_76, %dma_wait3A_77] : memref<100x128xf32, #tpu.memory_space<vmem>> -> memref<100x128xf32, #tpu.memory_space<vmem>>
      tpu.wait_dma2 semaphore(%run_scoped3A : memref<!tpu.dma_semaphore, #tpu.memory_space<semaphore_mem>>) src(%dma_wait3A_78 : memref<100x128xf32, #tpu.memory_space<vmem>>) dst(%dma_wait3A_75 : memref<100x128xf32, #tpu.memory_space<vmem_shared>>)
      tpu.yield
    }) : () -> ()
    %mul3A_17 = arith.constant 640 : i32
    %mul3A_18 = arith.muli %arg1, %mul3A_17 : i32
    %add3A_19 = arith.constant 200 : i32
    %add3A_20 = arith.addi %mul3A_18, %add3A_19 : i32
    "tpu.region"() ({
      %run_scoped3A = tpu.sem_alloc : memref<!tpu.dma_semaphore, #tpu.memory_space<semaphore_mem>>
      %dma_start3A_60 = arith.constant 0 : i32
      %dma_start3A_61 = arith.constant 0 : i32
      %dma_start3A_62 = tpu.memref_slice %arg8[%dma_start3A_60, %dma_start3A_61] : memref<100x128xf32, #tpu.memory_space<vmem>> -> memref<100x128xf32, #tpu.memory_space<vmem>>
      %dma_start3A_63 = arith.constant 0 : i32
      %dma_start3A_64 = tpu.memref_slice %arg10[%add3A_20, %dma_start3A_63] : memref<10240x128xf32, #tpu.memory_space<vmem_shared>> -> memref<100x128xf32, #tpu.memory_space<vmem_shared>>
      %dma_start3A_65 = arith.constant 0 : i32
      %dma_start3A_66 = tpu.memref_slice %arg10[%add3A_20, %dma_start3A_65] : memref<10240x128xf32, #tpu.memory_space<vmem_shared>> -> memref<100x128xf32, #tpu.memory_space<vmem_shared>>
      %dma_start3A_67 = arith.constant 0 : i32
      %dma_start3A_68 = arith.constant 0 : i32
      %dma_start3A_69 = tpu.memref_slice %arg8[%dma_start3A_67, %dma_start3A_68] : memref<100x128xf32, #tpu.memory_space<vmem>> -> memref<100x128xf32, #tpu.memory_space<vmem>>
      tpu.enqueue_dma source(%dma_start3A_69 : memref<100x128xf32, #tpu.memory_space<vmem>>) target(%dma_start3A_66 : memref<100x128xf32, #tpu.memory_space<vmem_shared>>) target_semaphore(%run_scoped3A : memref<!tpu.dma_semaphore, #tpu.memory_space<semaphore_mem>>)
      %dma_wait3A = arith.constant 0 : i32
      %dma_wait3A_70 = arith.constant 0 : i32
      %dma_wait3A_71 = tpu.memref_slice %arg8[%dma_wait3A, %dma_wait3A_70] : memref<100x128xf32, #tpu.memory_space<vmem>> -> memref<100x128xf32, #tpu.memory_space<vmem>>
      %dma_wait3A_72 = arith.constant 0 : i32
      %dma_wait3A_73 = tpu.memref_slice %arg10[%add3A_20, %dma_wait3A_72] : memref<10240x128xf32, #tpu.memory_space<vmem_shared>> -> memref<100x128xf32, #tpu.memory_space<vmem_shared>>
      %dma_wait3A_74 = arith.constant 0 : i32
      %dma_wait3A_75 = tpu.memref_slice %arg10[%add3A_20, %dma_wait3A_74] : memref<10240x128xf32, #tpu.memory_space<vmem_shared>> -> memref<100x128xf32, #tpu.memory_space<vmem_shared>>
      %dma_wait3A_76 = arith.constant 0 : i32
      %dma_wait3A_77 = arith.constant 0 : i32
      %dma_wait3A_78 = tpu.memref_slice %arg8[%dma_wait3A_76, %dma_wait3A_77] : memref<100x128xf32, #tpu.memory_space<vmem>> -> memref<100x128xf32, #tpu.memory_space<vmem>>
      tpu.wait_dma2 semaphore(%run_scoped3A : memref<!tpu.dma_semaphore, #tpu.memory_space<semaphore_mem>>) src(%dma_wait3A_78 : memref<100x128xf32, #tpu.memory_space<vmem>>) dst(%dma_wait3A_75 : memref<100x128xf32, #tpu.memory_space<vmem_shared>>)
      tpu.yield
    }) : () -> ()
    %mul3A_21 = arith.constant 640 : i32
    %mul3A_22 = arith.muli %arg1, %mul3A_21 : i32
    %add3A_23 = arith.constant 300 : i32
    %add3A_24 = arith.addi %mul3A_22, %add3A_23 : i32
    "tpu.region"() ({
      %run_scoped3A = tpu.sem_alloc : memref<!tpu.dma_semaphore, #tpu.memory_space<semaphore_mem>>
      %dma_start3A_60 = arith.constant 0 : i32
      %dma_start3A_61 = arith.constant 0 : i32
      %dma_start3A_62 = tpu.memref_slice %arg8[%dma_start3A_60, %dma_start3A_61] : memref<100x128xf32, #tpu.memory_space<vmem>> -> memref<100x128xf32, #tpu.memory_space<vmem>>
      %dma_start3A_63 = arith.constant 0 : i32
      %dma_start3A_64 = tpu.memref_slice %arg10[%add3A_24, %dma_start3A_63] : memref<10240x128xf32, #tpu.memory_space<vmem_shared>> -> memref<100x128xf32, #tpu.memory_space<vmem_shared>>
      %dma_start3A_65 = arith.constant 0 : i32
      %dma_start3A_66 = tpu.memref_slice %arg10[%add3A_24, %dma_start3A_65] : memref<10240x128xf32, #tpu.memory_space<vmem_shared>> -> memref<100x128xf32, #tpu.memory_space<vmem_shared>>
      %dma_start3A_67 = arith.constant 0 : i32
      %dma_start3A_68 = arith.constant 0 : i32
      %dma_start3A_69 = tpu.memref_slice %arg8[%dma_start3A_67, %dma_start3A_68] : memref<100x128xf32, #tpu.memory_space<vmem>> -> memref<100x128xf32, #tpu.memory_space<vmem>>
      tpu.enqueue_dma source(%dma_start3A_69 : memref<100x128xf32, #tpu.memory_space<vmem>>) target(%dma_start3A_66 : memref<100x128xf32, #tpu.memory_space<vmem_shared>>) target_semaphore(%run_scoped3A : memref<!tpu.dma_semaphore, #tpu.memory_space<semaphore_mem>>)
      %dma_wait3A = arith.constant 0 : i32
      %dma_wait3A_70 = arith.constant 0 : i32
      %dma_wait3A_71 = tpu.memref_slice %arg8[%dma_wait3A, %dma_wait3A_70] : memref<100x128xf32, #tpu.memory_space<vmem>> -> memref<100x128xf32, #tpu.memory_space<vmem>>
      %dma_wait3A_72 = arith.constant 0 : i32
      %dma_wait3A_73 = tpu.memref_slice %arg10[%add3A_24, %dma_wait3A_72] : memref<10240x128xf32, #tpu.memory_space<vmem_shared>> -> memref<100x128xf32, #tpu.memory_space<vmem_shared>>
      %dma_wait3A_74 = arith.constant 0 : i32
      %dma_wait3A_75 = tpu.memref_slice %arg10[%add3A_24, %dma_wait3A_74] : memref<10240x128xf32, #tpu.memory_space<vmem_shared>> -> memref<100x128xf32, #tpu.memory_space<vmem_shared>>
      %dma_wait3A_76 = arith.constant 0 : i32
      %dma_wait3A_77 = arith.constant 0 : i32
      %dma_wait3A_78 = tpu.memref_slice %arg8[%dma_wait3A_76, %dma_wait3A_77] : memref<100x128xf32, #tpu.memory_space<vmem>> -> memref<100x128xf32, #tpu.memory_space<vmem>>
      tpu.wait_dma2 semaphore(%run_scoped3A : memref<!tpu.dma_semaphore, #tpu.memory_space<semaphore_mem>>) src(%dma_wait3A_78 : memref<100x128xf32, #tpu.memory_space<vmem>>) dst(%dma_wait3A_75 : memref<100x128xf32, #tpu.memory_space<vmem_shared>>)
      tpu.yield
    }) : () -> ()
    %mul3A_25 = arith.constant 640 : i32
    %mul3A_26 = arith.muli %arg1, %mul3A_25 : i32
    %add3A_27 = arith.constant 400 : i32
    %add3A_28 = arith.addi %mul3A_26, %add3A_27 : i32
    "tpu.region"() ({
      %run_scoped3A = tpu.sem_alloc : memref<!tpu.dma_semaphore, #tpu.memory_space<semaphore_mem>>
      %dma_start3A_60 = arith.constant 0 : i32
      %dma_start3A_61 = arith.constant 0 : i32
      %dma_start3A_62 = tpu.memref_slice %arg8[%dma_start3A_60, %dma_start3A_61] : memref<100x128xf32, #tpu.memory_space<vmem>> -> memref<100x128xf32, #tpu.memory_space<vmem>>
      %dma_start3A_63 = arith.constant 0 : i32
      %dma_start3A_64 = tpu.memref_slice %arg10[%add3A_28, %dma_start3A_63] : memref<10240x128xf32, #tpu.memory_space<vmem_shared>> -> memref<100x128xf32, #tpu.memory_space<vmem_shared>>
      %dma_start3A_65 = arith.constant 0 : i32
      %dma_start3A_66 = tpu.memref_slice %arg10[%add3A_28, %dma_start3A_65] : memref<10240x128xf32, #tpu.memory_space<vmem_shared>> -> memref<100x128xf32, #tpu.memory_space<vmem_shared>>
      %dma_start3A_67 = arith.constant 0 : i32
      %dma_start3A_68 = arith.constant 0 : i32
      %dma_start3A_69 = tpu.memref_slice %arg8[%dma_start3A_67, %dma_start3A_68] : memref<100x128xf32, #tpu.memory_space<vmem>> -> memref<100x128xf32, #tpu.memory_space<vmem>>
      tpu.enqueue_dma source(%dma_start3A_69 : memref<100x128xf32, #tpu.memory_space<vmem>>) target(%dma_start3A_66 : memref<100x128xf32, #tpu.memory_space<vmem_shared>>) target_semaphore(%run_scoped3A : memref<!tpu.dma_semaphore, #tpu.memory_space<semaphore_mem>>)
      %dma_wait3A = arith.constant 0 : i32
      %dma_wait3A_70 = arith.constant 0 : i32
      %dma_wait3A_71 = tpu.memref_slice %arg8[%dma_wait3A, %dma_wait3A_70] : memref<100x128xf32, #tpu.memory_space<vmem>> -> memref<100x128xf32, #tpu.memory_space<vmem>>
      %dma_wait3A_72 = arith.constant 0 : i32
      %dma_wait3A_73 = tpu.memref_slice %arg10[%add3A_28, %dma_wait3A_72] : memref<10240x128xf32, #tpu.memory_space<vmem_shared>> -> memref<100x128xf32, #tpu.memory_space<vmem_shared>>
      %dma_wait3A_74 = arith.constant 0 : i32
      %dma_wait3A_75 = tpu.memref_slice %arg10[%add3A_28, %dma_wait3A_74] : memref<10240x128xf32, #tpu.memory_space<vmem_shared>> -> memref<100x128xf32, #tpu.memory_space<vmem_shared>>
      %dma_wait3A_76 = arith.constant 0 : i32
      %dma_wait3A_77 = arith.constant 0 : i32
      %dma_wait3A_78 = tpu.memref_slice %arg8[%dma_wait3A_76, %dma_wait3A_77] : memref<100x128xf32, #tpu.memory_space<vmem>> -> memref<100x128xf32, #tpu.memory_space<vmem>>
      tpu.wait_dma2 semaphore(%run_scoped3A : memref<!tpu.dma_semaphore, #tpu.memory_space<semaphore_mem>>) src(%dma_wait3A_78 : memref<100x128xf32, #tpu.memory_space<vmem>>) dst(%dma_wait3A_75 : memref<100x128xf32, #tpu.memory_space<vmem_shared>>)
      tpu.yield
    }) : () -> ()
    %mul3A_29 = arith.constant 640 : i32
    %mul3A_30 = arith.muli %arg1, %mul3A_29 : i32
    %add3A_31 = arith.constant 500 : i32
    %add3A_32 = arith.addi %mul3A_30, %add3A_31 : i32
    "tpu.region"() ({
      %run_scoped3A = tpu.sem_alloc : memref<!tpu.dma_semaphore, #tpu.memory_space<semaphore_mem>>
      %dma_start3A_60 = arith.constant 0 : i32
      %dma_start3A_61 = arith.constant 0 : i32
      %dma_start3A_62 = tpu.memref_slice %arg8[%dma_start3A_60, %dma_start3A_61] : memref<100x128xf32, #tpu.memory_space<vmem>> -> memref<100x128xf32, #tpu.memory_space<vmem>>
      %dma_start3A_63 = arith.constant 0 : i32
      %dma_start3A_64 = tpu.memref_slice %arg10[%add3A_32, %dma_start3A_63] : memref<10240x128xf32, #tpu.memory_space<vmem_shared>> -> memref<100x128xf32, #tpu.memory_space<vmem_shared>>
      %dma_start3A_65 = arith.constant 0 : i32
      %dma_start3A_66 = tpu.memref_slice %arg10[%add3A_32, %dma_start3A_65] : memref<10240x128xf32, #tpu.memory_space<vmem_shared>> -> memref<100x128xf32, #tpu.memory_space<vmem_shared>>
      %dma_start3A_67 = arith.constant 0 : i32
      %dma_start3A_68 = arith.constant 0 : i32
      %dma_start3A_69 = tpu.memref_slice %arg8[%dma_start3A_67, %dma_start3A_68] : memref<100x128xf32, #tpu.memory_space<vmem>> -> memref<100x128xf32, #tpu.memory_space<vmem>>
      tpu.enqueue_dma source(%dma_start3A_69 : memref<100x128xf32, #tpu.memory_space<vmem>>) target(%dma_start3A_66 : memref<100x128xf32, #tpu.memory_space<vmem_shared>>) target_semaphore(%run_scoped3A : memref<!tpu.dma_semaphore, #tpu.memory_space<semaphore_mem>>)
      %dma_wait3A = arith.constant 0 : i32
      %dma_wait3A_70 = arith.constant 0 : i32
      %dma_wait3A_71 = tpu.memref_slice %arg8[%dma_wait3A, %dma_wait3A_70] : memref<100x128xf32, #tpu.memory_space<vmem>> -> memref<100x128xf32, #tpu.memory_space<vmem>>
      %dma_wait3A_72 = arith.constant 0 : i32
      %dma_wait3A_73 = tpu.memref_slice %arg10[%add3A_32, %dma_wait3A_72] : memref<10240x128xf32, #tpu.memory_space<vmem_shared>> -> memref<100x128xf32, #tpu.memory_space<vmem_shared>>
      %dma_wait3A_74 = arith.constant 0 : i32
      %dma_wait3A_75 = tpu.memref_slice %arg10[%add3A_32, %dma_wait3A_74] : memref<10240x128xf32, #tpu.memory_space<vmem_shared>> -> memref<100x128xf32, #tpu.memory_space<vmem_shared>>
      %dma_wait3A_76 = arith.constant 0 : i32
      %dma_wait3A_77 = arith.constant 0 : i32
      %dma_wait3A_78 = tpu.memref_slice %arg8[%dma_wait3A_76, %dma_wait3A_77] : memref<100x128xf32, #tpu.memory_space<vmem>> -> memref<100x128xf32, #tpu.memory_space<vmem>>
      tpu.wait_dma2 semaphore(%run_scoped3A : memref<!tpu.dma_semaphore, #tpu.memory_space<semaphore_mem>>) src(%dma_wait3A_78 : memref<100x128xf32, #tpu.memory_space<vmem>>) dst(%dma_wait3A_75 : memref<100x128xf32, #tpu.memory_space<vmem_shared>>)
      tpu.yield
    }) : () -> ()
    %mul3A_33 = arith.constant 640 : i32
    %mul3A_34 = arith.muli %arg1, %mul3A_33 : i32
    %add3A_35 = arith.constant 600 : i32
    %add3A_36 = arith.addi %mul3A_34, %add3A_35 : i32
    "tpu.region"() ({
      %run_scoped3A = tpu.sem_alloc : memref<!tpu.dma_semaphore, #tpu.memory_space<semaphore_mem>>
      %dma_start3A_60 = arith.constant 0 : i32
      %dma_start3A_61 = arith.constant 0 : i32
      %dma_start3A_62 = tpu.memref_slice %arg8[%dma_start3A_60, %dma_start3A_61] : memref<100x128xf32, #tpu.memory_space<vmem>> -> memref<40x128xf32, #tpu.memory_space<vmem>>
      %dma_start3A_63 = arith.constant 0 : i32
      %dma_start3A_64 = tpu.memref_slice %arg10[%add3A_36, %dma_start3A_63] : memref<10240x128xf32, #tpu.memory_space<vmem_shared>> -> memref<40x128xf32, #tpu.memory_space<vmem_shared>>
      %dma_start3A_65 = arith.constant 0 : i32
      %dma_start3A_66 = tpu.memref_slice %arg10[%add3A_36, %dma_start3A_65] : memref<10240x128xf32, #tpu.memory_space<vmem_shared>> -> memref<40x128xf32, #tpu.memory_space<vmem_shared>>
      %dma_start3A_67 = arith.constant 0 : i32
      %dma_start3A_68 = arith.constant 0 : i32
      %dma_start3A_69 = tpu.memref_slice %arg8[%dma_start3A_67, %dma_start3A_68] : memref<100x128xf32, #tpu.memory_space<vmem>> -> memref<40x128xf32, #tpu.memory_space<vmem>>
      tpu.enqueue_dma source(%dma_start3A_69 : memref<40x128xf32, #tpu.memory_space<vmem>>) target(%dma_start3A_66 : memref<40x128xf32, #tpu.memory_space<vmem_shared>>) target_semaphore(%run_scoped3A : memref<!tpu.dma_semaphore, #tpu.memory_space<semaphore_mem>>)
      %dma_wait3A = arith.constant 0 : i32
      %dma_wait3A_70 = arith.constant 0 : i32
      %dma_wait3A_71 = tpu.memref_slice %arg8[%dma_wait3A, %dma_wait3A_70] : memref<100x128xf32, #tpu.memory_space<vmem>> -> memref<40x128xf32, #tpu.memory_space<vmem>>
      %dma_wait3A_72 = arith.constant 0 : i32
      %dma_wait3A_73 = tpu.memref_slice %arg10[%add3A_36, %dma_wait3A_72] : memref<10240x128xf32, #tpu.memory_space<vmem_shared>> -> memref<40x128xf32, #tpu.memory_space<vmem_shared>>
      %dma_wait3A_74 = arith.constant 0 : i32
      %dma_wait3A_75 = tpu.memref_slice %arg10[%add3A_36, %dma_wait3A_74] : memref<10240x128xf32, #tpu.memory_space<vmem_shared>> -> memref<40x128xf32, #tpu.memory_space<vmem_shared>>
      %dma_wait3A_76 = arith.constant 0 : i32
      %dma_wait3A_77 = arith.constant 0 : i32
      %dma_wait3A_78 = tpu.memref_slice %arg8[%dma_wait3A_76, %dma_wait3A_77] : memref<100x128xf32, #tpu.memory_space<vmem>> -> memref<40x128xf32, #tpu.memory_space<vmem>>
      tpu.wait_dma2 semaphore(%run_scoped3A : memref<!tpu.dma_semaphore, #tpu.memory_space<semaphore_mem>>) src(%dma_wait3A_78 : memref<40x128xf32, #tpu.memory_space<vmem>>) dst(%dma_wait3A_75 : memref<40x128xf32, #tpu.memory_space<vmem_shared>>)
      tpu.yield
    }) : () -> ()
    %barrier3A = arith.constant 0 : index
    tpu.barrier barrier_id(%barrier3A)
    %dma_start3A = arith.constant 0 : i32
    %dma_start3A_37 = arith.constant 0 : i32
    %dma_start3A_38 = tpu.memref_slice %arg6[%dma_start3A, %dma_start3A_37] : memref<100x100xi32, #tpu.memory_space<vmem>> -> memref<1x100xi32, #tpu.memory_space<vmem>>
    %dma_start3A_39 = tpu.memref_squeeze %dma_start3A_38 : memref<1x100xi32, #tpu.memory_space<vmem>> -> memref<100xi32, #tpu.memory_space<vmem>>
    %dma_start3A_40 = arith.constant 0 : i32
    %dma_start3A_41 = arith.constant 0 : i32
    %dma_start3A_42 = tpu.memref_slice %arg2[%dma_start3A_40, %dma_start3A_41] : memref<10240x128xf32, #tpu.memory_space<hbm>> -> memref<10240x128xf32, #tpu.memory_space<hbm>>
    tpu.enqueue_indirect_dma source(%dma_start3A_42 : memref<10240x128xf32, #tpu.memory_space<hbm>>) target(%arg8 : memref<100x128xf32, #tpu.memory_space<vmem>>) offsets(%dma_start3A_39 : memref<100xi32, #tpu.memory_space<vmem>>) semaphore(%arg11 : memref<!tpu.dma_semaphore, #tpu.memory_space<semaphore_mem>>)
    %dma_start3A_43 = arith.constant 1 : i32
    %dma_start3A_44 = arith.constant 0 : i32
    %dma_start3A_45 = tpu.memref_slice %arg6[%dma_start3A_43, %dma_start3A_44] : memref<100x100xi32, #tpu.memory_space<vmem>> -> memref<1x100xi32, #tpu.memory_space<vmem>>
    %dma_start3A_46 = tpu.memref_squeeze %dma_start3A_45 : memref<1x100xi32, #tpu.memory_space<vmem>> -> memref<100xi32, #tpu.memory_space<vmem>>
    %dma_start3A_47 = arith.constant 0 : i32
    %dma_start3A_48 = arith.constant 0 : i32
    %dma_start3A_49 = tpu.memref_slice %arg2[%dma_start3A_47, %dma_start3A_48] : memref<10240x128xf32, #tpu.memory_space<hbm>> -> memref<10240x128xf32, #tpu.memory_space<hbm>>
    tpu.enqueue_indirect_dma source(%dma_start3A_49 : memref<10240x128xf32, #tpu.memory_space<hbm>>) target(%arg9 : memref<100x128xf32, #tpu.memory_space<vmem>>) offsets(%dma_start3A_46 : memref<100xi32, #tpu.memory_space<vmem>>) semaphore(%arg12 : memref<!tpu.dma_semaphore, #tpu.memory_space<semaphore_mem>>)
    %scan3A_50 = arith.constant 0 : i32
    %scan3A_51 = arith.constant 50 : i32
    %scan3A_52 = arith.addi %scan3A_50, %scan3A_51 : i32
    %scan3A_53 = arith.constant 1 : i32
    scf.for %scan3A_60 = %scan3A_50 to %scan3A_52 step %scan3A_53  : i32 {
      %mul3A_61 = arith.constant 1 : i32
      %mul3A_62 = arith.muli %scan3A_60, %mul3A_61 : i32
      %add3A_63 = arith.constant 0 : i32
      %add3A_64 = arith.addi %add3A_63, %mul3A_62 : i32
      %mul3A_65 = arith.constant 2 : i32
      %mul3A_66 = arith.muli %add3A_64, %mul3A_65 : i32
      %dma_wait3A = arith.constant 0 : i32
      %dma_wait3A_67 = tpu.memref_slice %arg6[%mul3A_66, %dma_wait3A] : memref<100x100xi32, #tpu.memory_space<vmem>> -> memref<1x100xi32, #tpu.memory_space<vmem>>
      %dma_wait3A_68 = tpu.memref_squeeze %dma_wait3A_67 : memref<1x100xi32, #tpu.memory_space<vmem>> -> memref<100xi32, #tpu.memory_space<vmem>>
      %dma_wait3A_69 = arith.constant 0 : i32
      %dma_wait3A_70 = arith.constant 0 : i32
      %dma_wait3A_71 = tpu.memref_slice %arg2[%dma_wait3A_69, %dma_wait3A_70] : memref<10240x128xf32, #tpu.memory_space<hbm>> -> memref<10240x128xf32, #tpu.memory_space<hbm>>
      tpu.wait_indirect_dma semaphore(%arg11 : memref<!tpu.dma_semaphore, #tpu.memory_space<semaphore_mem>>) src(%dma_wait3A_71 : memref<10240x128xf32, #tpu.memory_space<hbm>>) dst(%arg8 : memref<100x128xf32, #tpu.memory_space<vmem>>)
      "tpu.region"() ({
        %run_scoped3A = tpu.sem_alloc : memref<!tpu.dma_semaphore, #tpu.memory_space<semaphore_mem>>
        %dma_start3A_93 = arith.constant 0 : i32
        %dma_start3A_94 = tpu.memref_slice %arg7[%mul3A_66, %dma_start3A_93] : memref<100x100xi32, #tpu.memory_space<vmem>> -> memref<1x100xi32, #tpu.memory_space<vmem>>
        %dma_start3A_95 = tpu.memref_squeeze %dma_start3A_94 : memref<1x100xi32, #tpu.memory_space<vmem>> -> memref<100xi32, #tpu.memory_space<vmem>>
        %dma_start3A_96 = arith.constant 0 : i32
        %dma_start3A_97 = arith.constant 0 : i32
        %dma_start3A_98 = tpu.memref_slice %arg10[%dma_start3A_96, %dma_start3A_97] : memref<10240x128xf32, #tpu.memory_space<vmem_shared>> -> memref<10240x128xf32, #tpu.memory_space<vmem_shared>>
        tpu.enqueue_indirect_dma source(%arg8 : memref<100x128xf32, #tpu.memory_space<vmem>>) target(%dma_start3A_98 : memref<10240x128xf32, #tpu.memory_space<vmem_shared>>) offsets(%dma_start3A_95 : memref<100xi32, #tpu.memory_space<vmem>>) semaphore(%run_scoped3A : memref<!tpu.dma_semaphore, #tpu.memory_space<semaphore_mem>>) {add = true}
        %dma_wait3A_99 = arith.constant 0 : i32
        %dma_wait3A_100 = tpu.memref_slice %arg7[%mul3A_66, %dma_wait3A_99] : memref<100x100xi32, #tpu.memory_space<vmem>> -> memref<1x100xi32, #tpu.memory_space<vmem>>
        %dma_wait3A_101 = tpu.memref_squeeze %dma_wait3A_100 : memref<1x100xi32, #tpu.memory_space<vmem>> -> memref<100xi32, #tpu.memory_space<vmem>>
        %dma_wait3A_102 = arith.constant 0 : i32
        %dma_wait3A_103 = arith.constant 0 : i32
        %dma_wait3A_104 = tpu.memref_slice %arg10[%dma_wait3A_102, %dma_wait3A_103] : memref<10240x128xf32, #tpu.memory_space<vmem_shared>> -> memref<10240x128xf32, #tpu.memory_space<vmem_shared>>
        tpu.wait_indirect_dma semaphore(%run_scoped3A : memref<!tpu.dma_semaphore, #tpu.memory_space<semaphore_mem>>) src(%arg8 : memref<100x128xf32, #tpu.memory_space<vmem>>) dst(%dma_wait3A_104 : memref<10240x128xf32, #tpu.memory_space<vmem_shared>>)
        tpu.yield
      }) : () -> ()
      %add3A_72 = arith.constant 2 : i32
      %add3A_73 = arith.addi %mul3A_66, %add3A_72 : i32
      %lt3A = arith.constant 100 : i32
      %lt3A_74 = arith.cmpi slt, %add3A_73, %lt3A : i32
      %convert_element_type3A = arith.extui %lt3A_74 : i1 to i32
      %cond3A = arith.constant 0 : i32
      %cond3A_75 = arith.cmpi ne, %convert_element_type3A, %cond3A : i32
      scf.if %cond3A_75 {
        %add3A_93 = arith.constant 2 : i32
        %add3A_94 = arith.addi %mul3A_66, %add3A_93 : i32
        %dma_start3A_95 = arith.constant 0 : i32
        %dma_start3A_96 = tpu.memref_slice %arg6[%add3A_94, %dma_start3A_95] : memref<100x100xi32, #tpu.memory_space<vmem>> -> memref<1x100xi32, #tpu.memory_space<vmem>>
        %dma_start3A_97 = tpu.memref_squeeze %dma_start3A_96 : memref<1x100xi32, #tpu.memory_space<vmem>> -> memref<100xi32, #tpu.memory_space<vmem>>
        %dma_start3A_98 = arith.constant 0 : i32
        %dma_start3A_99 = arith.constant 0 : i32
        %dma_start3A_100 = tpu.memref_slice %arg2[%dma_start3A_98, %dma_start3A_99] : memref<10240x128xf32, #tpu.memory_space<hbm>> -> memref<10240x128xf32, #tpu.memory_space<hbm>>
        tpu.enqueue_indirect_dma source(%dma_start3A_100 : memref<10240x128xf32, #tpu.memory_space<hbm>>) target(%arg8 : memref<100x128xf32, #tpu.memory_space<vmem>>) offsets(%dma_start3A_97 : memref<100xi32, #tpu.memory_space<vmem>>) semaphore(%arg11 : memref<!tpu.dma_semaphore, #tpu.memory_space<semaphore_mem>>)
      } else {
      }
      %add3A_76 = arith.constant 1 : i32
      %add3A_77 = arith.addi %mul3A_66, %add3A_76 : i32
      %dma_wait3A_78 = arith.constant 0 : i32
      %dma_wait3A_79 = tpu.memref_slice %arg6[%add3A_77, %dma_wait3A_78] : memref<100x100xi32, #tpu.memory_space<vmem>> -> memref<1x100xi32, #tpu.memory_space<vmem>>
      %dma_wait3A_80 = tpu.memref_squeeze %dma_wait3A_79 : memref<1x100xi32, #tpu.memory_space<vmem>> -> memref<100xi32, #tpu.memory_space<vmem>>
      %dma_wait3A_81 = arith.constant 0 : i32
      %dma_wait3A_82 = arith.constant 0 : i32
      %dma_wait3A_83 = tpu.memref_slice %arg2[%dma_wait3A_81, %dma_wait3A_82] : memref<10240x128xf32, #tpu.memory_space<hbm>> -> memref<10240x128xf32, #tpu.memory_space<hbm>>
      tpu.wait_indirect_dma semaphore(%arg12 : memref<!tpu.dma_semaphore, #tpu.memory_space<semaphore_mem>>) src(%dma_wait3A_83 : memref<10240x128xf32, #tpu.memory_space<hbm>>) dst(%arg9 : memref<100x128xf32, #tpu.memory_space<vmem>>)
      %add3A_84 = arith.constant 1 : i32
      %add3A_85 = arith.addi %mul3A_66, %add3A_84 : i32
      "tpu.region"() ({
        %run_scoped3A = tpu.sem_alloc : memref<!tpu.dma_semaphore, #tpu.memory_space<semaphore_mem>>
        %dma_start3A_93 = arith.constant 0 : i32
        %dma_start3A_94 = tpu.memref_slice %arg7[%add3A_85, %dma_start3A_93] : memref<100x100xi32, #tpu.memory_space<vmem>> -> memref<1x100xi32, #tpu.memory_space<vmem>>
        %dma_start3A_95 = tpu.memref_squeeze %dma_start3A_94 : memref<1x100xi32, #tpu.memory_space<vmem>> -> memref<100xi32, #tpu.memory_space<vmem>>
        %dma_start3A_96 = arith.constant 0 : i32
        %dma_start3A_97 = arith.constant 0 : i32
        %dma_start3A_98 = tpu.memref_slice %arg10[%dma_start3A_96, %dma_start3A_97] : memref<10240x128xf32, #tpu.memory_space<vmem_shared>> -> memref<10240x128xf32, #tpu.memory_space<vmem_shared>>
        tpu.enqueue_indirect_dma source(%arg9 : memref<100x128xf32, #tpu.memory_space<vmem>>) target(%dma_start3A_98 : memref<10240x128xf32, #tpu.memory_space<vmem_shared>>) offsets(%dma_start3A_95 : memref<100xi32, #tpu.memory_space<vmem>>) semaphore(%run_scoped3A : memref<!tpu.dma_semaphore, #tpu.memory_space<semaphore_mem>>) {add = true}
        %dma_wait3A_99 = arith.constant 0 : i32
        %dma_wait3A_100 = tpu.memref_slice %arg7[%add3A_85, %dma_wait3A_99] : memref<100x100xi32, #tpu.memory_space<vmem>> -> memref<1x100xi32, #tpu.memory_space<vmem>>
        %dma_wait3A_101 = tpu.memref_squeeze %dma_wait3A_100 : memref<1x100xi32, #tpu.memory_space<vmem>> -> memref<100xi32, #tpu.memory_space<vmem>>
        %dma_wait3A_102 = arith.constant 0 : i32
        %dma_wait3A_103 = arith.constant 0 : i32
        %dma_wait3A_104 = tpu.memref_slice %arg10[%dma_wait3A_102, %dma_wait3A_103] : memref<10240x128xf32, #tpu.memory_space<vmem_shared>> -> memref<10240x128xf32, #tpu.memory_space<vmem_shared>>
        tpu.wait_indirect_dma semaphore(%run_scoped3A : memref<!tpu.dma_semaphore, #tpu.memory_space<semaphore_mem>>) src(%arg9 : memref<100x128xf32, #tpu.memory_space<vmem>>) dst(%dma_wait3A_104 : memref<10240x128xf32, #tpu.memory_space<vmem_shared>>)
        tpu.yield
      }) : () -> ()
      %add3A_86 = arith.constant 3 : i32
      %add3A_87 = arith.addi %mul3A_66, %add3A_86 : i32
      %lt3A_88 = arith.constant 100 : i32
      %lt3A_89 = arith.cmpi slt, %add3A_87, %lt3A_88 : i32
      %convert_element_type3A_90 = arith.extui %lt3A_89 : i1 to i32
      %cond3A_91 = arith.constant 0 : i32
      %cond3A_92 = arith.cmpi ne, %convert_element_type3A_90, %cond3A_91 : i32
      scf.if %cond3A_92 {
        %add3A_93 = arith.constant 3 : i32
        %add3A_94 = arith.addi %mul3A_66, %add3A_93 : i32
        %dma_start3A_95 = arith.constant 0 : i32
        %dma_start3A_96 = tpu.memref_slice %arg6[%add3A_94, %dma_start3A_95] : memref<100x100xi32, #tpu.memory_space<vmem>> -> memref<1x100xi32, #tpu.memory_space<vmem>>
        %dma_start3A_97 = tpu.memref_squeeze %dma_start3A_96 : memref<1x100xi32, #tpu.memory_space<vmem>> -> memref<100xi32, #tpu.memory_space<vmem>>
        %dma_start3A_98 = arith.constant 0 : i32
        %dma_start3A_99 = arith.constant 0 : i32
        %dma_start3A_100 = tpu.memref_slice %arg2[%dma_start3A_98, %dma_start3A_99] : memref<10240x128xf32, #tpu.memory_space<hbm>> -> memref<10240x128xf32, #tpu.memory_space<hbm>>
        tpu.enqueue_indirect_dma source(%dma_start3A_100 : memref<10240x128xf32, #tpu.memory_space<hbm>>) target(%arg9 : memref<100x128xf32, #tpu.memory_space<vmem>>) offsets(%dma_start3A_97 : memref<100xi32, #tpu.memory_space<vmem>>) semaphore(%arg12 : memref<!tpu.dma_semaphore, #tpu.memory_space<semaphore_mem>>)
      } else {
      }
    }
    %scan3A_54 = arith.constant 50 : i32
    %barrier3A_55 = arith.constant 0 : index
    tpu.barrier barrier_id(%barrier3A_55)
    %mul3A_56 = arith.constant 640 : i32
    %mul3A_57 = arith.muli %arg1, %mul3A_56 : i32
    %mul3A_58 = arith.constant 640 : i32
    %mul3A_59 = arith.muli %arg1, %mul3A_58 : i32
    "tpu.region"() ({
      %run_scoped3A = tpu.sem_alloc : memref<!tpu.dma_semaphore, #tpu.memory_space<semaphore_mem>>
      %dma_start3A_60 = arith.constant 0 : i32
      %dma_start3A_61 = tpu.memref_slice %arg5[%arg0, %mul3A_59, %dma_start3A_60] : memref<2x10240x128xf32, #tpu.memory_space<hbm>> -> memref<1x640x128xf32, #tpu.memory_space<hbm>>
      %dma_start3A_62 = tpu.memref_squeeze %dma_start3A_61 : memref<1x640x128xf32, #tpu.memory_space<hbm>> -> memref<640x128xf32, #tpu.memory_space<hbm>>
      %dma_start3A_63 = arith.constant 0 : i32
      %dma_start3A_64 = tpu.memref_slice %arg10[%mul3A_57, %dma_start3A_63] : memref<10240x128xf32, #tpu.memory_space<vmem_shared>> -> memref<640x128xf32, #tpu.memory_space<vmem_shared>>
      tpu.enqueue_dma source(%dma_start3A_64 : memref<640x128xf32, #tpu.memory_space<vmem_shared>>) target(%dma_start3A_62 : memref<640x128xf32, #tpu.memory_space<hbm>>) target_semaphore(%run_scoped3A : memref<!tpu.dma_semaphore, #tpu.memory_space<semaphore_mem>>)
      %dma_wait3A = arith.constant 0 : i32
      %dma_wait3A_65 = tpu.memref_slice %arg5[%arg0, %mul3A_59, %dma_wait3A] : memref<2x10240x128xf32, #tpu.memory_space<hbm>> -> memref<1x640x128xf32, #tpu.memory_space<hbm>>
      %dma_wait3A_66 = tpu.memref_squeeze %dma_wait3A_65 : memref<1x640x128xf32, #tpu.memory_space<hbm>> -> memref<640x128xf32, #tpu.memory_space<hbm>>
      %dma_wait3A_67 = arith.constant 0 : i32
      %dma_wait3A_68 = tpu.memref_slice %arg10[%mul3A_57, %dma_wait3A_67] : memref<10240x128xf32, #tpu.memory_space<vmem_shared>> -> memref<640x128xf32, #tpu.memory_space<vmem_shared>>
      tpu.wait_dma2 semaphore(%run_scoped3A : memref<!tpu.dma_semaphore, #tpu.memory_space<semaphore_mem>>) src(%dma_wait3A_68 : memref<640x128xf32, #tpu.memory_space<vmem_shared>>) dst(%dma_wait3A_66 : memref<640x128xf32, #tpu.memory_space<hbm>>)
      tpu.yield
    }) : () -> ()
    return
  }
}

module attributes {stable_mosaic.version = 14 : i64} {
  func.func @_proj_body(%arg0: i32, %arg1: memref<1536x768xf32, #tpu.memory_space<vmem>>, %arg2: memref<768x128xf32, #tpu.memory_space<vmem>>, %arg3: memref<1536x128xf32, #tpu.memory_space<vmem>>) attributes {dimension_semantics = [#tpu.dimension_semantics<arbitrary>], iteration_bounds = array<i64: 20>, scalar_prefetch = 0 : i64, scratch_operands = 0 : i64, tpu.core_type = #tpu.core_type<tc>, window_params = [{transform_indices = @transform_0, window_bounds = array<i64: 1536, 768>}, {pipeline_mode = #tpu.pipeline_mode<synchronous>, transform_indices = @transform_1, window_bounds = array<i64: 768, 128>}, {transform_indices = @transform_2, window_bounds = array<i64: 1536, 128>}]} {
    %get3A = arith.constant 0 : index
    %get3A_0 = arith.constant 0 : index
    %get3A_1 = vector.load %arg1[%get3A, %get3A_0] : memref<1536x768xf32, #tpu.memory_space<vmem>>, vector<1536x768xf32>
    %get3A_2 = arith.constant 0 : index
    %get3A_3 = arith.constant 0 : index
    %get3A_4 = vector.load %arg2[%get3A_2, %get3A_3] : memref<768x128xf32, #tpu.memory_space<vmem>>, vector<768x128xf32>
    %dot_general3A = arith.constant dense<0.000000e+00> : vector<1536x128xf32>
    %dot_general3A_5 = tpu.matmul %get3A_1, %get3A_4, %dot_general3A {dimension_numbers = #tpu.dot_dimension_numbers<[1], [0], [0], [1], [0, 0, 1, 1], [], []>, transpose_lhs_hint = false} : vector<1536x768xf32>, vector<768x128xf32>, vector<1536x128xf32> -> vector<1536x128xf32>
    %swap3A = arith.constant 0 : index
    %swap3A_6 = arith.constant 0 : index
    %swap3A_7 = vector.load %arg3[%swap3A, %swap3A_6] : memref<1536x128xf32, #tpu.memory_space<vmem>>, vector<1536x128xf32>
    tpu.vector_store %arg3[%swap3A, %swap3A_6], %dot_general3A_5 {strides = array<i32>} : memref<1536x128xf32, #tpu.memory_space<vmem>>, vector<1536x128xf32>,
    return
  }
  func.func @transform_0(%arg0: i32) -> (i32, i32) {
    %c0_i32 = arith.constant 0 : i32
    %c0_i32_0 = arith.constant 0 : i32
    return %arg0, %c0_i32 : i32, i32
  }
  func.func @transform_1(%arg0: i32) -> (i32, i32) {
    %c0_i32 = arith.constant 0 : i32
    %c0_i32_0 = arith.constant 0 : i32
    %c0_i32_1 = arith.constant 0 : i32
    return %c0_i32, %c0_i32_0 : i32, i32
  }
  func.func @transform_2(%arg0: i32) -> (i32, i32) {
    %c0_i32 = arith.constant 0 : i32
    %c0_i32_0 = arith.constant 0 : i32
    return %arg0, %c0_i32 : i32, i32
  }
}

module attributes {stable_mosaic.version = 14 : i64} {
  func.func @_prep_body(%arg0: i32, %arg1: memref<2x2048x16xf32, #tpu.memory_space<vmem>>, %arg2: memref<2x2048x128xf32, #tpu.memory_space<vmem>>, %arg3: memref<2048x16xf32, #tpu.memory_space<vmem>>, %arg4: memref<2048x128xf32, #tpu.memory_space<vmem>>) attributes {dimension_semantics = [#tpu.dimension_semantics<arbitrary>], iteration_bounds = array<i64: 5>, scalar_prefetch = 0 : i64, scratch_operands = 0 : i64, tpu.core_type = #tpu.core_type<tc>, window_params = [{transform_indices = @transform_0, window_bounds = array<i64: 2, 2048, 16>}, {transform_indices = @transform_1, window_bounds = array<i64: 2, 2048, 128>}, {transform_indices = @transform_2, window_bounds = array<i64: 2048, 16>}, {transform_indices = @transform_3, window_bounds = array<i64: 2048, 128>}]} {
    %get3A = arith.constant 0 : index
    %get3A_0 = arith.constant 0 : index
    %get3A_1 = arith.constant 0 : index
    %get3A_2 = vector.load %arg1[%get3A, %get3A_0, %get3A_1] : memref<2x2048x16xf32, #tpu.memory_space<vmem>>, vector<1x2048x16xf32>
    %get3A_3 = vector.shape_cast %get3A_2 : vector<1x2048x16xf32> to vector<2048x16xf32>
    %get3A_4 = arith.constant 1 : index
    %get3A_5 = arith.constant 0 : index
    %get3A_6 = arith.constant 0 : index
    %get3A_7 = vector.load %arg1[%get3A_4, %get3A_5, %get3A_6] : memref<2x2048x16xf32, #tpu.memory_space<vmem>>, vector<1x2048x16xf32>
    %get3A_8 = vector.shape_cast %get3A_7 : vector<1x2048x16xf32> to vector<2048x16xf32>
    %add3A = arith.addf %get3A_3, %get3A_8 : vector<2048x16xf32>
    %add3A_9 = arith.constant 1.000000e+00 : f32
    %add3A_10 = vector.broadcast %add3A_9 : f32 to vector<2048x16xf32>
    %add3A_11 = arith.addf %add3A, %add3A_10 : vector<2048x16xf32>
    %max3A = arith.constant 1.000000e+00 : f32
    %max3A_12 = vector.broadcast %max3A : f32 to vector<2048x16xf32>
    %max3A_13 = arith.maximumf %add3A_11, %max3A_12 : vector<2048x16xf32>
    %rsqrt3A = math.rsqrt %max3A_13 : vector<2048x16xf32>
    %swap3A = arith.constant 0 : index
    %swap3A_14 = arith.constant 0 : index
    %swap3A_15 = vector.load %arg3[%swap3A, %swap3A_14] : memref<2048x16xf32, #tpu.memory_space<vmem>>, vector<2048x16xf32>
    tpu.vector_store %arg3[%swap3A, %swap3A_14], %rsqrt3A {strides = array<i32>} : memref<2048x16xf32, #tpu.memory_space<vmem>>, vector<2048x16xf32>,
    %get3A_16 = arith.constant 0 : index
    %get3A_17 = arith.constant 0 : index
    %get3A_18 = arith.constant 0 : index
    %get3A_19 = vector.load %arg2[%get3A_16, %get3A_17, %get3A_18] : memref<2x2048x128xf32, #tpu.memory_space<vmem>>, vector<1x2048x128xf32>
    %get3A_20 = vector.shape_cast %get3A_19 : vector<1x2048x128xf32> to vector<2048x128xf32>
    %get3A_21 = arith.constant 1 : index
    %get3A_22 = arith.constant 0 : index
    %get3A_23 = arith.constant 0 : index
    %get3A_24 = vector.load %arg2[%get3A_21, %get3A_22, %get3A_23] : memref<2x2048x128xf32, #tpu.memory_space<vmem>>, vector<1x2048x128xf32>
    %get3A_25 = vector.shape_cast %get3A_24 : vector<1x2048x128xf32> to vector<2048x128xf32>
    %add3A_26 = arith.addf %get3A_20, %get3A_25 : vector<2048x128xf32>
    %slice3A = vector.extract_strided_slice %rsqrt3A {offsets = [0, 0], sizes = [2048, 1], strides = [1, 1]} : vector<2048x16xf32> to vector<2048x1xf32>
    %mul3A = arith.constant 1.250000e-01 : f32
    %mul3A_27 = vector.broadcast %mul3A : f32 to vector<2048x1xf32>
    %mul3A_28 = arith.mulf %slice3A, %mul3A_27 : vector<2048x1xf32>
    %mul3A_29 = vector.broadcast %mul3A_28 : vector<2048x1xf32> to vector<2048x128xf32>
    %mul3A_30 = arith.mulf %add3A_26, %mul3A_29 : vector<2048x128xf32>
    %swap3A_31 = arith.constant 0 : index
    %swap3A_32 = arith.constant 0 : index
    %swap3A_33 = vector.load %arg4[%swap3A_31, %swap3A_32] : memref<2048x128xf32, #tpu.memory_space<vmem>>, vector<2048x128xf32>
    tpu.vector_store %arg4[%swap3A_31, %swap3A_32], %mul3A_30 {strides = array<i32>} : memref<2048x128xf32, #tpu.memory_space<vmem>>, vector<2048x128xf32>,
    return
  }
  func.func @transform_0(%arg0: i32) -> (i32, i32, i32) {
    %c0_i32 = arith.constant 0 : i32
    %c0_i32_0 = arith.constant 0 : i32
    %c0_i32_1 = arith.constant 0 : i32
    return %c0_i32, %arg0, %c0_i32_0 : i32, i32, i32
  }
  func.func @transform_1(%arg0: i32) -> (i32, i32, i32) {
    %c0_i32 = arith.constant 0 : i32
    %c0_i32_0 = arith.constant 0 : i32
    %c0_i32_1 = arith.constant 0 : i32
    return %c0_i32, %arg0, %c0_i32_0 : i32, i32, i32
  }
  func.func @transform_2(%arg0: i32) -> (i32, i32) {
    %c0_i32 = arith.constant 0 : i32
    %c0_i32_0 = arith.constant 0 : i32
    return %arg0, %c0_i32 : i32, i32
  }
  func.func @transform_3(%arg0: i32) -> (i32, i32) {
    %c0_i32 = arith.constant 0 : i32
    %c0_i32_0 = arith.constant 0 : i32
    return %arg0, %c0_i32 : i32, i32
  }
}

module attributes {stable_mosaic.version = 14 : i64} {
  func.func @_mm2_body(%arg0: i32, %arg1: memref<2x2048x128xf32, #tpu.memory_space<vmem>>, %arg2: memref<2048x128xf32, #tpu.memory_space<vmem>>, %arg3: memref<2048x16xf32, #tpu.memory_space<vmem>>, %arg4: memref<128x128xf32, #tpu.memory_space<vmem>>, %arg5: memref<1x128xf32, #tpu.memory_space<vmem>>, %arg6: memref<2048x128xf32, #tpu.memory_space<vmem>>) attributes {dimension_semantics = [#tpu.dimension_semantics<arbitrary>], iteration_bounds = array<i64: 5>, scalar_prefetch = 0 : i64, scratch_operands = 0 : i64, tpu.core_type = #tpu.core_type<tc>, window_params = [{transform_indices = @transform_0, window_bounds = array<i64: 2, 2048, 128>}, {transform_indices = @transform_1, window_bounds = array<i64: 2048, 128>}, {transform_indices = @transform_2, window_bounds = array<i64: 2048, 16>}, {pipeline_mode = #tpu.pipeline_mode<synchronous>, transform_indices = @transform_3, window_bounds = array<i64: 128, 128>}, {pipeline_mode = #tpu.pipeline_mode<synchronous>, transform_indices = @transform_4, window_bounds = array<i64: 1, 128>}, {transform_indices = @transform_5, window_bounds = array<i64: 2048, 128>}]} {
    %get3A = arith.constant 0 : index
    %get3A_0 = arith.constant 0 : index
    %get3A_1 = vector.load %arg3[%get3A, %get3A_0] : memref<2048x16xf32, #tpu.memory_space<vmem>>, vector<2048x1xf32>
    %get3A_2 = arith.constant 0 : index
    %get3A_3 = arith.constant 0 : index
    %get3A_4 = arith.constant 0 : index
    %get3A_5 = vector.load %arg1[%get3A_2, %get3A_3, %get3A_4] : memref<2x2048x128xf32, #tpu.memory_space<vmem>>, vector<1x2048x128xf32>
    %get3A_6 = vector.shape_cast %get3A_5 : vector<1x2048x128xf32> to vector<2048x128xf32>
    %get3A_7 = arith.constant 1 : index
    %get3A_8 = arith.constant 0 : index
    %get3A_9 = arith.constant 0 : index
    %get3A_10 = vector.load %arg1[%get3A_7, %get3A_8, %get3A_9] : memref<2x2048x128xf32, #tpu.memory_space<vmem>>, vector<1x2048x128xf32>
    %get3A_11 = vector.shape_cast %get3A_10 : vector<1x2048x128xf32> to vector<2048x128xf32>
    %add3A = arith.addf %get3A_6, %get3A_11 : vector<2048x128xf32>
    %get3A_12 = arith.constant 0 : index
    %get3A_13 = arith.constant 0 : index
    %get3A_14 = vector.load %arg2[%get3A_12, %get3A_13] : memref<2048x128xf32, #tpu.memory_space<vmem>>, vector<2048x128xf32>
    %add3A_15 = arith.addf %add3A, %get3A_14 : vector<2048x128xf32>
    %mul3A = vector.broadcast %get3A_1 : vector<2048x1xf32> to vector<2048x128xf32>
    %mul3A_16 = arith.mulf %add3A_15, %mul3A : vector<2048x128xf32>
    %get3A_17 = arith.constant 0 : index
    %get3A_18 = arith.constant 0 : index
    %get3A_19 = vector.load %arg5[%get3A_17, %get3A_18] : memref<1x128xf32, #tpu.memory_space<vmem>>, vector<1x128xf32>
    %add3A_20 = vector.broadcast %get3A_19 : vector<1x128xf32> to vector<2048x128xf32>
    %add3A_21 = arith.addf %mul3A_16, %add3A_20 : vector<2048x128xf32>
    %max3A = arith.constant 0.000000e+00 : f32
    %max3A_22 = vector.broadcast %max3A : f32 to vector<2048x128xf32>
    %max3A_23 = arith.maximumf %add3A_21, %max3A_22 : vector<2048x128xf32>
    %get3A_24 = arith.constant 0 : index
    %get3A_25 = arith.constant 0 : index
    %get3A_26 = vector.load %arg4[%get3A_24, %get3A_25] : memref<128x128xf32, #tpu.memory_space<vmem>>, vector<128x128xf32>
    %dot_general3A = arith.constant dense<0.000000e+00> : vector<2048x128xf32>
    %dot_general3A_27 = tpu.matmul %max3A_23, %get3A_26, %dot_general3A {dimension_numbers = #tpu.dot_dimension_numbers<[1], [0], [0], [1], [0, 0, 1, 1], [], []>, transpose_lhs_hint = false} : vector<2048x128xf32>, vector<128x128xf32>, vector<2048x128xf32> -> vector<2048x128xf32>
    %mul3A_28 = vector.broadcast %get3A_1 : vector<2048x1xf32> to vector<2048x128xf32>
    %mul3A_29 = arith.mulf %dot_general3A_27, %mul3A_28 : vector<2048x128xf32>
    %swap3A = arith.constant 0 : index
    %swap3A_30 = arith.constant 0 : index
    %swap3A_31 = vector.load %arg6[%swap3A, %swap3A_30] : memref<2048x128xf32, #tpu.memory_space<vmem>>, vector<2048x128xf32>
    tpu.vector_store %arg6[%swap3A, %swap3A_30], %mul3A_29 {strides = array<i32>} : memref<2048x128xf32, #tpu.memory_space<vmem>>, vector<2048x128xf32>,
    return
  }
  func.func @transform_0(%arg0: i32) -> (i32, i32, i32) {
    %c0_i32 = arith.constant 0 : i32
    %c0_i32_0 = arith.constant 0 : i32
    %c0_i32_1 = arith.constant 0 : i32
    return %c0_i32, %arg0, %c0_i32_0 : i32, i32, i32
  }
  func.func @transform_1(%arg0: i32) -> (i32, i32) {
    %c0_i32 = arith.constant 0 : i32
    %c0_i32_0 = arith.constant 0 : i32
    return %arg0, %c0_i32 : i32, i32
  }
  func.func @transform_2(%arg0: i32) -> (i32, i32) {
    %c0_i32 = arith.constant 0 : i32
    %c0_i32_0 = arith.constant 0 : i32
    return %arg0, %c0_i32 : i32, i32
  }
  func.func @transform_3(%arg0: i32) -> (i32, i32) {
    %c0_i32 = arith.constant 0 : i32
    %c0_i32_0 = arith.constant 0 : i32
    %c0_i32_1 = arith.constant 0 : i32
    return %c0_i32, %c0_i32_0 : i32, i32
  }
  func.func @transform_4(%arg0: i32) -> (i32, i32) {
    %c0_i32 = arith.constant 0 : i32
    %c0_i32_0 = arith.constant 0 : i32
    %c0_i32_1 = arith.constant 0 : i32
    return %c0_i32, %c0_i32_0 : i32, i32
  }
  func.func @transform_5(%arg0: i32) -> (i32, i32) {
    %c0_i32 = arith.constant 0 : i32
    %c0_i32_0 = arith.constant 0 : i32
    return %arg0, %c0_i32 : i32, i32
  }
}

module attributes {stable_mosaic.version = 14 : i64} {
  func.func @_pool_body(%arg0: i32, %arg1: memref<2x2048x128xf32, #tpu.memory_space<vmem>>, %arg2: memref<2048x128xf32, #tpu.memory_space<vmem>>, %arg3: memref<2048x16xf32, #tpu.memory_space<vmem>>, %arg4: memref<2048xi32, #tpu.memory_space<vmem>>, %arg5: memref<1x128xf32, #tpu.memory_space<vmem>>, %arg6: memref<128x8xf32, #tpu.memory_space<vmem>>, %arg7: memref<1x8xf32, #tpu.memory_space<vmem>>, %arg8: memref<128x8xf32, #tpu.memory_space<vmem>>, %arg9: memref<128x128xf32, #tpu.memory_space<vmem>>, %arg10: memref<128x1xf32, #tpu.memory_space<vmem>>) attributes {dimension_semantics = [#tpu.dimension_semantics<arbitrary>], iteration_bounds = array<i64: 5>, scalar_prefetch = 0 : i64, scratch_operands = 2 : i64, tpu.core_type = #tpu.core_type<tc>, window_params = [{transform_indices = @transform_0, window_bounds = array<i64: 2, 2048, 128>}, {transform_indices = @transform_1, window_bounds = array<i64: 2048, 128>}, {transform_indices = @transform_2, window_bounds = array<i64: 2048, 16>}, {transform_indices = @transform_3, window_bounds = array<i64: 2048>}, {pipeline_mode = #tpu.pipeline_mode<synchronous>, transform_indices = @transform_4, window_bounds = array<i64: 1, 128>}, {pipeline_mode = #tpu.pipeline_mode<synchronous>, transform_indices = @transform_5, window_bounds = array<i64: 128, 8>}, {pipeline_mode = #tpu.pipeline_mode<synchronous>, transform_indices = @transform_6, window_bounds = array<i64: 1, 8>}, {pipeline_mode = #tpu.pipeline_mode<synchronous>, transform_indices = @transform_7, window_bounds = array<i64: 128, 8>}]} {
    %eq3A = arith.constant 0 : i32
    %eq3A_0 = arith.cmpi eq, %arg0, %eq3A : i32
    %convert_element_type3A = arith.extui %eq3A_0 : i1 to i32
    %cond3A = arith.constant 0 : i32
    %cond3A_1 = arith.cmpi ne, %convert_element_type3A, %cond3A : i32
    scf.if %cond3A_1 {
      %broadcast_in_dim3A_46 = arith.constant 0.000000e+00 : f32
      %broadcast_in_dim3A_47 = vector.broadcast %broadcast_in_dim3A_46 : f32 to vector<128x128xf32>
      %swap3A_48 = arith.constant 0 : index
      %swap3A_49 = arith.constant 0 : index
      %swap3A_50 = vector.load %arg9[%swap3A_48, %swap3A_49] : memref<128x128xf32, #tpu.memory_space<vmem>>, vector<128x128xf32>
      tpu.vector_store %arg9[%swap3A_48, %swap3A_49], %broadcast_in_dim3A_47 {strides = array<i32>} : memref<128x128xf32, #tpu.memory_space<vmem>>, vector<128x128xf32>,
      %broadcast_in_dim3A_51 = arith.constant 0.000000e+00 : f32
      %broadcast_in_dim3A_52 = vector.broadcast %broadcast_in_dim3A_51 : f32 to vector<128x1xf32>
      %swap3A_53 = arith.constant 0 : index
      %swap3A_54 = arith.constant 0 : index
      %swap3A_55 = vector.load %arg10[%swap3A_53, %swap3A_54] : memref<128x1xf32, #tpu.memory_space<vmem>>, vector<128x1xf32>
      tpu.vector_store %arg10[%swap3A_53, %swap3A_54], %broadcast_in_dim3A_52 {strides = array<i32>} : memref<128x1xf32, #tpu.memory_space<vmem>>, vector<128x1xf32>,
    } else {
    }
    %get3A = arith.constant 0 : index
    %get3A_2 = vector.load %arg4[%get3A] : memref<2048xi32, #tpu.memory_space<vmem>>, vector<2048xi32>
    %broadcast_in_dim3A = vector.shape_cast %get3A_2 : vector<2048xi32> to vector<1x2048xi32>
    %iota3A = tpu.iota {dimensions = array<i32: 0>} : vector<128x2048xi32>
    %eq3A_3 = vector.broadcast %broadcast_in_dim3A : vector<1x2048xi32> to vector<128x2048xi32>
    %eq3A_4 = arith.cmpi eq, %eq3A_3, %iota3A : vector<128x2048xi32>
    %convert_element_type3A_5 = arith.extui %eq3A_4 : vector<128x2048xi1> to vector<128x2048xi32>
    %convert_element_type3A_6 = arith.sitofp %convert_element_type3A_5 : vector<128x2048xi32> to vector<128x2048xf32>
    %get3A_7 = arith.constant 0 : index
    %get3A_8 = arith.constant 0 : index
    %get3A_9 = arith.constant 0 : index
    %get3A_10 = vector.load %arg1[%get3A_7, %get3A_8, %get3A_9] : memref<2x2048x128xf32, #tpu.memory_space<vmem>>, vector<1x2048x128xf32>
    %get3A_11 = vector.shape_cast %get3A_10 : vector<1x2048x128xf32> to vector<2048x128xf32>
    %get3A_12 = arith.constant 1 : index
    %get3A_13 = arith.constant 0 : index
    %get3A_14 = arith.constant 0 : index
    %get3A_15 = vector.load %arg1[%get3A_12, %get3A_13, %get3A_14] : memref<2x2048x128xf32, #tpu.memory_space<vmem>>, vector<1x2048x128xf32>
    %get3A_16 = vector.shape_cast %get3A_15 : vector<1x2048x128xf32> to vector<2048x128xf32>
    %add3A = arith.addf %get3A_11, %get3A_16 : vector<2048x128xf32>
    %get3A_17 = arith.constant 0 : index
    %get3A_18 = arith.constant 0 : index
    %get3A_19 = vector.load %arg2[%get3A_17, %get3A_18] : memref<2048x128xf32, #tpu.memory_space<vmem>>, vector<2048x128xf32>
    %add3A_20 = arith.addf %add3A, %get3A_19 : vector<2048x128xf32>
    %get3A_21 = arith.constant 0 : index
    %get3A_22 = arith.constant 0 : index
    %get3A_23 = vector.load %arg3[%get3A_21, %get3A_22] : memref<2048x16xf32, #tpu.memory_space<vmem>>, vector<2048x1xf32>
    %mul3A = vector.broadcast %get3A_23 : vector<2048x1xf32> to vector<2048x128xf32>
    %mul3A_24 = arith.mulf %add3A_20, %mul3A : vector<2048x128xf32>
    %get3A_25 = arith.constant 0 : index
    %get3A_26 = arith.constant 0 : index
    %get3A_27 = vector.load %arg9[%get3A_25, %get3A_26] : memref<128x128xf32, #tpu.memory_space<vmem>>, vector<128x128xf32>
    %dot_general3A = arith.constant dense<0.000000e+00> : vector<128x128xf32>
    %dot_general3A_28 = tpu.matmul %convert_element_type3A_6, %mul3A_24, %dot_general3A {dimension_numbers = #tpu.dot_dimension_numbers<[1], [0], [0], [1], [0, 0, 1, 1], [], []>, transpose_lhs_hint = false} : vector<128x2048xf32>, vector<2048x128xf32>, vector<128x128xf32> -> vector<128x128xf32>
    %add3A_29 = arith.addf %get3A_27, %dot_general3A_28 : vector<128x128xf32>
    %swap3A = arith.constant 0 : index
    %swap3A_30 = arith.constant 0 : index
    %swap3A_31 = vector.load %arg9[%swap3A, %swap3A_30] : memref<128x128xf32, #tpu.memory_space<vmem>>, vector<128x128xf32>
    tpu.vector_store %arg9[%swap3A, %swap3A_30], %add3A_29 {strides = array<i32>} : memref<128x128xf32, #tpu.memory_space<vmem>>, vector<128x128xf32>,
    %get3A_32 = arith.constant 0 : index
    %get3A_33 = arith.constant 0 : index
    %get3A_34 = vector.load %arg10[%get3A_32, %get3A_33] : memref<128x1xf32, #tpu.memory_space<vmem>>, vector<128x1xf32>
    %reduce_sum3A = arith.constant dense<0.000000e+00> : vector<128xf32>
    %reduce_sum3A_35 = vector.multi_reduction <add>, %convert_element_type3A_6, %reduce_sum3A [1] : vector<128x2048xf32> to vector<128xf32>
    %broadcast_in_dim3A_36 = vector.shape_cast %reduce_sum3A_35 : vector<128xf32> to vector<128x1xf32>
    %add3A_37 = arith.addf %get3A_34, %broadcast_in_dim3A_36 : vector<128x1xf32>
    %swap3A_38 = arith.constant 0 : index
    %swap3A_39 = arith.constant 0 : index
    %swap3A_40 = vector.load %arg10[%swap3A_38, %swap3A_39] : memref<128x1xf32, #tpu.memory_space<vmem>>, vector<128x1xf32>
    tpu.vector_store %arg10[%swap3A_38, %swap3A_39], %add3A_37 {strides = array<i32>} : memref<128x1xf32, #tpu.memory_space<vmem>>, vector<128x1xf32>,
    %eq3A_41 = arith.constant 4 : i32
    %eq3A_42 = arith.cmpi eq, %arg0, %eq3A_41 : i32
    %convert_element_type3A_43 = arith.extui %eq3A_42 : i1 to i32
    %cond3A_44 = arith.constant 0 : i32
    %cond3A_45 = arith.cmpi ne, %convert_element_type3A_43, %cond3A_44 : i32
    scf.if %cond3A_45 {
      %get3A_46 = arith.constant 0 : index
      %get3A_47 = arith.constant 0 : index
      %get3A_48 = vector.load %arg10[%get3A_46, %get3A_47] : memref<128x1xf32, #tpu.memory_space<vmem>>, vector<128x1xf32>
      %get3A_49 = arith.constant 0 : index
      %get3A_50 = arith.constant 0 : index
      %get3A_51 = vector.load %arg9[%get3A_49, %get3A_50] : memref<128x128xf32, #tpu.memory_space<vmem>>, vector<128x128xf32>
      %max3A = arith.constant 1.000000e+00 : f32
      %max3A_52 = vector.broadcast %max3A : f32 to vector<128x1xf32>
      %max3A_53 = arith.maximumf %get3A_48, %max3A_52 : vector<128x1xf32>
      %div3A = vector.broadcast %max3A_53 : vector<128x1xf32> to vector<128x128xf32>
      %div3A_54 = arith.divf %get3A_51, %div3A : vector<128x128xf32>
      %get3A_55 = arith.constant 0 : index
      %get3A_56 = arith.constant 0 : index
      %get3A_57 = vector.load %arg5[%get3A_55, %get3A_56] : memref<1x128xf32, #tpu.memory_space<vmem>>, vector<1x128xf32>
      %gt3A = arith.constant 0.000000e+00 : f32
      %gt3A_58 = vector.broadcast %gt3A : f32 to vector<128x1xf32>
      %gt3A_59 = arith.cmpf ogt, %get3A_48, %gt3A_58 : vector<128x1xf32>
      %convert_element_type3A_60 = arith.extui %gt3A_59 : vector<128x1xi1> to vector<128x1xi32>
      %convert_element_type3A_61 = arith.sitofp %convert_element_type3A_60 : vector<128x1xi32> to vector<128x1xf32>
      %mul3A_62 = vector.broadcast %get3A_57 : vector<1x128xf32> to vector<128x128xf32>
      %mul3A_63 = vector.broadcast %convert_element_type3A_61 : vector<128x1xf32> to vector<128x128xf32>
      %mul3A_64 = arith.mulf %mul3A_62, %mul3A_63 : vector<128x128xf32>
      %add3A_65 = arith.addf %div3A_54, %mul3A_64 : vector<128x128xf32>
      %get3A_66 = arith.constant 0 : index
      %get3A_67 = arith.constant 0 : index
      %get3A_68 = vector.load %arg6[%get3A_66, %get3A_67] : memref<128x8xf32, #tpu.memory_space<vmem>>, vector<128x8xf32>
      %dot_general3A_69 = arith.constant dense<0.000000e+00> : vector<128x8xf32>
      %dot_general3A_70 = tpu.matmul %add3A_65, %get3A_68, %dot_general3A_69 {dimension_numbers = #tpu.dot_dimension_numbers<[1], [0], [0], [1], [0, 0, 1, 1], [], []>, transpose_lhs_hint = false} : vector<128x128xf32>, vector<128x8xf32>, vector<128x8xf32> -> vector<128x8xf32>
      %get3A_71 = arith.constant 0 : index
      %get3A_72 = arith.constant 0 : index
      %get3A_73 = vector.load %arg7[%get3A_71, %get3A_72] : memref<1x8xf32, #tpu.memory_space<vmem>>, vector<1x8xf32>
      %add3A_74 = vector.broadcast %get3A_73 : vector<1x8xf32> to vector<128x8xf32>
      %add3A_75 = arith.addf %dot_general3A_70, %add3A_74 : vector<128x8xf32>
      %swap3A_76 = arith.constant 0 : index
      %swap3A_77 = arith.constant 0 : index
      %swap3A_78 = vector.load %arg8[%swap3A_76, %swap3A_77] : memref<128x8xf32, #tpu.memory_space<vmem>>, vector<128x8xf32>
      tpu.vector_store %arg8[%swap3A_76, %swap3A_77], %add3A_75 {strides = array<i32>} : memref<128x8xf32, #tpu.memory_space<vmem>>, vector<128x8xf32>,
    } else {
    }
    return
  }
  func.func @transform_0(%arg0: i32) -> (i32, i32, i32) {
    %c0_i32 = arith.constant 0 : i32
    %c0_i32_0 = arith.constant 0 : i32
    %c0_i32_1 = arith.constant 0 : i32
    return %c0_i32, %arg0, %c0_i32_0 : i32, i32, i32
  }
  func.func @transform_1(%arg0: i32) -> (i32, i32) {
    %c0_i32 = arith.constant 0 : i32
    %c0_i32_0 = arith.constant 0 : i32
    return %arg0, %c0_i32 : i32, i32
  }
  func.func @transform_2(%arg0: i32) -> (i32, i32) {
    %c0_i32 = arith.constant 0 : i32
    %c0_i32_0 = arith.constant 0 : i32
    return %arg0, %c0_i32 : i32, i32
  }
  func.func @transform_3(%arg0: i32) -> i32 {
    %c0_i32 = arith.constant 0 : i32
    return %arg0 : i32
  }
  func.func @transform_4(%arg0: i32) -> (i32, i32) {
    %c0_i32 = arith.constant 0 : i32
    %c0_i32_0 = arith.constant 0 : i32
    %c0_i32_1 = arith.constant 0 : i32
    return %c0_i32, %c0_i32_0 : i32, i32
  }
  func.func @transform_5(%arg0: i32) -> (i32, i32) {
    %c0_i32 = arith.constant 0 : i32
    %c0_i32_0 = arith.constant 0 : i32
    %c0_i32_1 = arith.constant 0 : i32
    return %c0_i32, %c0_i32_0 : i32, i32
  }
  func.func @transform_6(%arg0: i32) -> (i32, i32) {
    %c0_i32 = arith.constant 0 : i32
    %c0_i32_0 = arith.constant 0 : i32
    %c0_i32_1 = arith.constant 0 : i32
    return %c0_i32, %c0_i32_0 : i32, i32
  }
  func.func @transform_7(%arg0: i32) -> (i32, i32) {
    %c0_i32 = arith.constant 0 : i32
    %c0_i32_0 = arith.constant 0 : i32
    %c0_i32_1 = arith.constant 0 : i32
    return %c0_i32, %c0_i32_0 : i32, i32
  }
}

</mosaic_0001>

<sc_bundles>
// kernel: kernel.7.cloned.1.call-start
scs
__scs_entry_jumppad:
0x0: {  	(pc) =	sbr.rel $0x88, $3  }
0x1: {  	(tag) =	ssettag $0x0;
	lr =	simm.s32 $0x1  }
0x2: {  	[smem:$0x3F97] =	sst lr;
	_ =	strace $0xD0000000  }
0x3: {  	_ = 	snop  }
0x4: {  	_ = 	snop  }
0x5: {  	_ = 	snop  }
0x6: {  	_ = 	snop  }
0x7: {  	_ = 	snop  }
__scs_overlays_trampoline_lowered:
0x8: {  	[smem:$0x3FA6] =	sst s0  }
0x9: {  	[smem:$0x3FA7] =	sst s1  }
0xa: {  	[smem:$0x3FA8] =	sst s2  }
0xb: {  	[smem:$0x3FA9] =	sst s3  }
0xc: {  	[smem:$0x3FAA] =	sst s4  }
0xd: {  	[smem:$0x3FAB] =	sst s5  }
0xe: {  	[smem:$0x3FAC] =	sst s6  }
0xf: {  	[smem:$0x3FAD] =	sst s7  }
0x10: {  	[smem:$0x3FAE] =	sst s8  }
0x11: {  	[smem:$0x3FAF] =	sst s9;
	s0 =	simm.s32 @!p0 $0x0  }
0x12: {  	s1 =	sld [smem:$0x3F95];
	s0 =	simm.s32 @p0 $0x1  }
0x13: {  	[smem:$0x3FB0] =	sst s0;
	s0 =	simm.s32 @!p1 $0x0  }
0x14: {  	s2 =	sld [smem:$0x3F94];
	s0 =	simm.s32 @p1 $0x1  }
0x15: {  	[smem:$0x3FB1] =	sst s0;
	s0 =	simm.s32 @!p2 $0x0  }
0x16: {  	s3 =	sld [smem:$0x3FDB];
	s0 =	simm.s32 @p2 $0x1  }
0x17: {  	s4 =	simm.s32 $0x1BF5;
	[smem:$0x3FB3] =	sst s0  }
0x18: {  	s0 =	sld [smem:$0x3F96];
	_ =	swait.ge [sflag:s4], $0x0  }
0x19: {  	s7 =	sld [smem:$0x3F97]  }
0x1a: {  	s8 =	sadd.s32 $0xFFFFE003, lr  }
0x1b: {  	s9 =	sadd.s32 $0xFFFFFEF7, lr;
	s5 =	simm.s32 $0xFFFFFFFF;
	p2 =	slt.u32 s8, $0xFFFFF086  }
0x1c: {  	p1 =	slt.u32 s9, $0xF7A;
	s5 =	simm.s32 @!p2 $0x0  }
0x1d: {  	s5 =	simm.s32 @p1 $0x1;
	p0 =	seq.s32 s7, s2  }
0x1e: {  	s7 =	smul.u32 @!p0 $0xF7A, s2;
	p2 =	seq.s32 @!p0 s5, $0x0  }
0x1f: {  	s9 =	smul.u32 $0xF7A, s1;
	s8 =	simm.s32 @!p0 $0x1BF5;
	p2 =	por !p2, p0  }
0x20: {  	[sflag:s8] =	ssyncset.s32 @!p0 $0xFFFFF086;
	s6 =	sadd.s32 @!p0 s3, s7;
	s7 =	simm.s32 @!p0 $0x108  }
0x21: {  	s3 =	sadd.s32 s3, s9;
	s6 =	sadd.s32 @!p0 $0x88, s6;
	s7 =	simm.s32 @p2 $0x1082  }
0x22: {  	[simem:s7], [sflag:s8] =	dma.local @!p0 [hbm:s6], $0xF7A  }
0x23: {  	s9 =	sor.u32 $0xD0000000, s2;
	s6 =	simm.s32 $0x108;
	_ =	swait.ge @!p0 [sflag:s8], $0x0  }
0x24: {  	s3 =	sadd.s32 $0x88, s3;
	s6 =	simm.s32 @!p1 $0x1082;
	[sflag:s4] =	ssyncset.s32 $0xFFFFF086  }
0x25: {  	[simem:s6], [sflag:s4] =	dma.local [hbm:s3], $0xF7A  }
0x26: {  	[smem:$0x3F97] =	sst s1;
	(tag) =	ssettag s2;
	_ =	strace s9  }
0x27: {  	s1 =	sld [smem:$0x3FA7]  }
0x28: {  	s2 =	sld [smem:$0x3FA8]  }
0x29: {  	s4 =	sld [smem:$0x3FAA]  }
0x2a: {  	p0 =	seq.s32 s5, $0x0;
	s5 =	sld [smem:$0x3FAB]  }
0x2b: {  	s6 =	sld [smem:$0x3FAC]  }
0x2c: {  	s7 =	sld [smem:$0x3FAD]  }
0x2d: {  	s3 =	simm.s32 $0x108;
	s8 =	sld [smem:$0x3FAE]  }
0x2e: {  	s3 =	simm.s32 @!p0 $0x1082;
	s9 =	sld [smem:$0x3FAF]  }
0x2f: {  	lr =	sadd.s32 s0, s3;
	s0 =	sld [smem:$0x3FA6]  }
0x30: {  	s3 =	sld [smem:$0x3FA9]  }
0x31: {  	[smem:$0x3FB2] =	sst s10  }
0x32: {  	s10 =	sld [smem:$0x3FB0];
	_ =	sdelay $0x3  }
0x33: {  	p0 =	seq.s32 s10, $0x1;
	s10 =	sld [smem:$0x3FB2];
	_ =	sdelay $0x3  }
0x34: {  	[smem:$0x3FB2] =	sst s10  }
0x35: {  	s10 =	sld [smem:$0x3FB1];
	_ =	sdelay $0x3  }
0x36: {  	p1 =	seq.s32 s10, $0x1;
	s10 =	sld [smem:$0x3FB2];
	_ =	sdelay $0x3  }
0x37: {  	[smem:$0x3FB2] =	sst s10  }
0x38: {  	s10 =	sld [smem:$0x3FB3]  }
0x39: {  	_ = 	snop;
	(pc) =	sbr.ind lr, $3  }
0x3a: {  	_ = 	snop  }
0x3b: {  	_ = 	snop  }
0x3c: {  	p2 =	seq.s32 s10, $0x1;
	s10 =	sld [smem:$0x3FB2]  }
0x3d: {  	_ =	shalt  }
0x3e: {  	_ =	shalt  }
0x3f: {  	_ =	shalt  }
0x40: {  	_ =	shalt  }
0x41: {  	_ =	shalt  }
0x42: {  	_ =	shalt  }
0x43: {  	_ =	shalt  }
0x44: {  	_ =	shalt  }
0x45: {  	_ =	shalt  }
0x46: {  	_ =	shalt  }
0x47: {  	_ =	shalt  }
0x48: {  	_ =	shalt  }
0x49: {  	_ =	shalt  }
0x4a: {  	_ =	shalt  }
0x4b: {  	_ =	shalt  }
0x4c: {  	_ =	shalt  }
0x4d: {  	_ =	shalt  }
0x4e: {  	_ =	shalt  }
0x4f: {  	_ =	shalt  }
0x50: {  	_ =	shalt  }
0x51: {  	_ =	shalt  }
0x52: {  	_ =	shalt  }
0x53: {  	_ =	shalt  }
0x54: {  	_ =	shalt  }
0x55: {  	_ =	shalt  }
0x56: {  	_ =	shalt  }
0x57: {  	_ =	shalt  }
0x58: {  	_ =	shalt  }
0x59: {  	_ =	shalt  }
0x5a: {  	_ =	shalt  }
0x5b: {  	_ =	shalt  }
0x5c: {  	_ =	shalt  }
0x5d: {  	_ =	shalt  }
0x5e: {  	_ =	shalt  }
0x5f: {  	_ =	shalt  }
0x60: {  	_ =	shalt  }
0x61: {  	_ =	shalt  }
0x62: {  	_ =	shalt  }
0x63: {  	_ =	shalt  }
0x64: {  	_ =	shalt  }
0x65: {  	_ =	shalt  }
0x66: {  	_ =	shalt  }
0x67: {  	_ =	shalt  }
0x68: {  	_ =	shalt  }
0x69: {  	_ =	shalt  }
0x6a: {  	_ =	shalt  }
0x6b: {  	_ =	shalt  }
0x6c: {  	_ =	shalt  }
0x6d: {  	_ =	shalt  }
0x6e: {  	_ =	shalt  }
0x6f: {  	_ =	shalt  }
0x70: {  	_ =	shalt  }
0x71: {  	_ =	shalt  }
0x72: {  	_ =	shalt  }
0x73: {  	_ =	shalt  }
0x74: {  	_ =	shalt  }
0x75: {  	_ =	shalt  }
0x76: {  	_ =	shalt  }
0x77: {  	_ =	shalt  }
0x78: {  	_ =	shalt  }
0x79: {  	_ =	shalt  }
0x7a: {  	_ =	shalt  }
0x7b: {  	_ =	shalt  }
0x7c: {  	_ =	shalt  }
0x7d: {  	_ =	shalt  }
0x7e: {  	_ =	shalt  }
0x7f: {  	_ =	shalt  }
0x80: {  	_ =	shalt  }
0x81: {  	_ =	shalt  }
0x82: {  	_ =	shalt  }
0x83: {  	_ =	shalt  }
0x84: {  	_ =	shalt  }
0x85: {  	_ =	shalt  }
0x86: {  	_ =	shalt  }
0x87: {  	_ =	shalt  }
.Lfunc_end0:
.L_simem_size_0:
called_computation_lowered:
.L_overlay_start_0:
0x88: {  	s2 =	sld [smem:$0x3FD9]  }
0x89: {  	s3 =	sld [smem:$0x3FFE];
	_ =	sdelay $0x1  }
0x8a: {  	s1 =	srdreg.scid  }
0x8b: {  	s0 =	sand.u32 $0x1, s1  }
0x8c: {  	s16 =	sshll.u32 s0, $0xA;
	s2 =	sadd.s32 s3, s2  }
0x8d: {  	s2 =	sadd.s32 s2, s16  }
0x8e: {  	[smem:$0x3FBE] =	sst s2  }
0x8f: {  	_ = 	snop  }
0x90: {  	(tm) =	ssettm $0x1  }
0x91: {  	s17 =	sld [smem:$0x3FFB];
	_ =	sdelay $0x3  }
0x92: {  	_ =	strace s17  }
0x93: {  	s2 =	sld [smem:$0x3FFC];
	_ =	sdelay $0x3  }
0x94: {  	_ =	strace s2  }
0x95: {  	s2 =	sld [smem:$0x3FFD];
	_ =	sdelay $0x3  }
0x96: {  	_ =	strace s2  }
0x97: {  	_ =	strace $0x8FFFFFFF  }
0x98: {  	s18 =	sld [smem:$0x3FDB];
	_ =	sdelay $0x1  }
0x99: {  	s19 =	simm.s32 $_scs_section_size  }
0x9a: {  	s4 =	simm.s32 $_size__tile_overlayer_lowered;
	s5 =	simm.s32 $_tile_overlayer_lowered  }
0x9b: {  	s22 =	simm.s32 $0x1BFF;
	s21 =	sshll.u32 s5, $0x1;
	s2 =	sadd.s32 s19, s18  }
0x9c: {  	s6 =	simm.s32 $0x0;
	s20 =	sshll.u32 s4, $0x1;
	s4 =	sadd.s32 s21, s2  }
0x9d: {  	[timem:s6], [sflag:s22] =	dma.local [hbm:s4], s20  }
0x9e: {  	_ =	swait.ge [sflag:s22], s20  }
0x9f: {  	s3 =	ssub.s32 $0x0, s20;
	[sflag:s22] =	ssyncset.done $0x0  }
0xa0: {  	[sflag:s22] =	ssyncadd.s32 s3;
	_ =	sdelay $0x1  }
0xa1: {  	s23 =	simm.s32 $0x1B8B  }
0xa2: {  	_ =	swait.ge [sflag:s23], $0x1  }
0xa3: {  	[sflag:s23] =	ssyncset.done $0x0  }
0xa4: {  	s25 =	simm.s32 $0x1B8E;
	s24 =	sld [smem:$0x3FFE];
	[sflag:s23] =	ssyncadd.s32 $0xFFFFFFFF  }
0xa5: {  	s26 =	simm.s32 $execute0_lowered;
	[smem:$0x3FD2] =	sst s25  }
0xa6: {  	s4 =	sshll.u32 s26, $0x1;
	_ =	strace $0x80000046;
	[dreg:$0x1] =	wrdreg $0xFFFFFFFF  }
0xa7: {  	s28 =	simm.s32 $_size_execute0_lowered;
	s2 =	sadd.s32 s2, s4;
	[dreg:$0x0] =	wrdreg $0x0  }
0xa8: {  	s4 =	sshll.u32 s28, $0x1;
	[dreg:$0x2] =	wrdreg s2  }
0xa9: {  	[dreg:$0x3] =	wrdreg s4  }
0xaa: {  	[dreg:$0x4] =	wrdreg $0xC0  }
0xab: {  	_ =	task [dreg:s6], $0x5FFFF  }
0xac: {  	[dreg:$0x1] =	wrdreg $0xFFFFFFFF  }
0xad: {  	[dreg:$0x0] =	wrdreg $0x60  }
0xae: {  	[dreg:$0x2] =	wrdreg s24  }
0xaf: {  	[dreg:$0x3] =	wrdreg $0x5B900  }
0xb0: {  	[dreg:$0x4] =	wrdreg $0x9  }
0xb1: {  	_ =	task.clear_ibuf [dreg:s6], $0x5FFFF;
	_ =	strace $0x90000046  }
0xb2: {  	s29 =	simm.s32 $0x9;
	_ =	strace $0x80000048  }
0xb3: {  	_ =	swait.ge [sflag:s29], $0x1  }
0xb4: {  	[sflag:s29] =	ssyncadd.s32 $0xFFFFFFFF  }
0xb5: {  	_ =	strace $0x90000048  }
0xb6: {  	_ =	sfence  }
0xb7: {  	s30 =	sld [smem:$0x0];
	_ =	sdelay $0x2  }
0xb8: {  	s31 =	sshll.u32 s1, $0xD;
	s1 =	sshrl.u32 s1, $0x2  }
0xb9: {  	s3 =	sand.u32 $0x4000, s31;
	s1 =	sadd.s32 s1, s30  }
0xba: {  	s0 =	sor.u32 s3, s0;
	s1 =	sshll.u32 s1, $0x11  }
0xbb: {  	s0 =	sor.u32 s1, s0  }
0xbc: {  	s0 =	sadd.s32 $0x8F2B, s0  }
0xbd: {  	[sflag:s0] =	ssyncadd.remote.s32 $0x1  }
0xbe: {  	_ =	sfence.sel $0xFFFF  }
0xbf: {  	[dreg:$0x0] =	wrdreg $0xFFFFFFFF;
	(pc) =	sbr.abs _section_cstart, $3  }
0xc0: {  	[dreg:$0x1] =	wrdreg $0xFFFFFFFF  }
0xc1: {  	_ =	task.clear_ibuf [dreg:s6], $0x2FFFF;
	_ =	strace $0x9FFFFFFF  }
0xc2: {  	(tm) =	ssettm $0x7FFFFFFF  }
0xc3: {  	_ =	shalt  }
tec
execute0_lowered:
.L_overlay_start_1:
0x0: {  	(tag) =	ssettag $0x1  }
0x1: {  	s4 =	rddreg [dreg:$0x0]  }
0x2: {  	s2 =	rddreg [dreg:$0x1]  }
0x3: {  	s0 =	rddreg [dreg:$0x2];
	s3 =	srdreg.scid  }
0x4: {  	s1 =	stileid.u32;
	s10 =	simm.s32 $0xC8;
	s11 =	simm.s32 $0x2710  }
0x5: {  	s12 =	simm.s32 $0x1;
	s15 =	simm.s32 $0x0;
	s5 =	sand.u32 $0x1, s3  }
0x6: {  	s6 =	sshll.u32 s1, $0x1;
	s7 =	smul.u32 $0x2800, s1;
	s3 =	simm.s32 $0x0  }
0x7: {  	s13 =	sshll.u32 s1, $0x6;
	s6 =	sor.u32 s5, s6;
	s8 =	smul.u32 $0x28000, s5  }
0x8: {  	[smem:$0x7FF] =	sst s3;
	s5 =	ssub.s32 $0x2, s5;
	s13 =	sor.u32 $0x1C02, s13  }
0x9: {  	s6 =	smul.u32 $0x4E2, s6;
	_ =	strace $0x80000047;
	s9 =	sshrl.u32 s5, $0x1  }
0xa: {  	s8 =	sadd.s32 s7, s8;
	s9 =	ssub.s32 s5, s9;
	s5 =	sadd.s32 s7, s2  }
0xb: {  	s6 =	sadd.s32 s6, s4;
	s8 =	sshrl.u32 s8, $0x3;
	s7 =	smax.u32 s9, $0x1  }
0xc: {  	s9 =	simm.s32 $0x3390;
	s14 =	sshrl.u32 s5, $0x3;
	s8 =	sadd.s32 s8, s4  }
0xd: {  	v0 =	vimm.f32 $1.000000000e+00;
	v1 =	vimm.f32 $0.0e+00;
	s4 =	sadd.s32 $0x3400, s6;
	s6 =	sadd.s32 $0xD200, s8;
	s8 =	simm.s32 $0x2  }
.LBB2_1:
0xe: {  	[tilespmem:s3], [sflag:$0x2] =	stream.linear.gather [hbm4b:s4+s3], $0x2710, $0x38;
	[tilespmem:$0x8390] =	vst v63  }
0xf: {  	_ =	swait.ge [sflag:s8], $0x2710  }
0x10: {  	[sflag:s8] =	ssyncset.done $0x0  }
0x11: {  	s16 =	simm.s32 $0x0;
	[sflag:s8] =	ssyncadd.s32 $0xFFFFD8F0  }
.LBB2_2:
0x12: {  	p0 =	sne.s32 s16, $0x31C0  }
.Ltmp0:
0x13: {  	_ = 	snop;
	(pc) =	sbr.rel @p0 .LBB2_2-.Ltmp0, $3  }
0x14: {  	_ =	sdelay $0x1  }
0x15: {  	s17 =	sshra.s32 s16, $0x2  }
0x16: {  	s16 =	sadd.s32 $0x40, s16;
	[tilespmem:s17+$0x2710] =	vst v0  }
0x17: {  	s16 =	simm.s32 $0x40;
	s17 =	simm.s32 $0x0  }
.LBB2_4:
0x18: {  	p0 =	sne.s32 s16, $0x9FC0;
	[tilespmem:s17+$0x3390] =	vst v1;
	s17 =	smov.u32 s16;
	s16 =	sadd.s32 $0x40, s16  }
.Ltmp1:
0x19: {  	(pc) =	sbr.rel @p0 .LBB2_4-.Ltmp1, $2  }
0x1a: {  	_ =	sdelay $0x2  }
0x1b: {  	s17 =	sshra.s32 s17, $0x2  }
0x1c: {  	[tilespmem:s17+$0x3390] =	vst v1  }
0x1d: {  	[spmem:s5] =	stream.linear.scatter [tilespmem:s9], [sflag:$0x2], $0x2800, $0x38;
	[tilespmem:$0x8390] =	vst v63  }
0x1e: {  	_ =	swait.ge [sflag:s8], $0x2800  }
0x1f: {  	[sflag:s8] =	ssyncset.done $0x0  }
0x20: {  	[sflag:s8] =	ssyncadd.s32 $0xFFFFD800  }
0x21: {  	s16 =	simm.s32 $0x0;
	[bflag:$0x0] =	sbarrier.arrive $0xFFFF  }
.LBB2_6:
0x22: {  	p0 =	sne.s32 s16, $0x9920  }
.Ltmp2:
0x23: {  	_ = 	snop;
	(pc) =	sbr.rel @p0 .LBB2_6-.Ltmp2, $3  }
0x24: {  	_ =	sdelay $0x1  }
0x25: {  	s17 =	sshra.s32 s16, $0x2;
	s16 =	sadd.s32 $0x320, s16  }
0x26: {  	[spmem:s2] =	stream.indirect.scatter.add.f32 [tilespmem:s11], [sflag:$0x1], $0x10, s17, s10, $0xb8;
	[tilespmem:$0x8390] =	vst v63  }
0x27: {  	_ =	swait.ge [sflag:s12], $0xC80  }
0x28: {  	s16 =	simm.s32 $0x31;
	[sflag:s12] =	ssyncset.done $0x0  }
.LBB2_8:
0x29: {  	p0 =	sne.s32 s16, $0x1;
	s16 =	sadd.s32 $0xFFFFFFFF, s16;
	[sflag:s12] =	ssyncadd.s32 $0xFFFFF380  }
.Ltmp3:
0x2a: {  	(pc) =	sbr.rel @p0 .LBB2_8-.Ltmp3, $3  }
0x2b: {  	_ =	sdelay $0x1  }
0x2c: {  	_ =	swait.ge [sflag:s12], $0xC80  }
0x2d: {  	[sflag:s12] =	ssyncset.done $0x0  }
0x2e: {  	s15 =	sadd.s32 $0x1, s15  }
0x2f: {  	[sflag:s12] =	ssyncadd.s32 $0xFFFFF380;
	p0 =	sne.s32 s15, s7  }
.Ltmp4:
0x30: {  	[bflag:$0x0] =	sbarrier.arrive $0xFFFF;
	(pc) =	sbr.rel @p0 .LBB2_1-.Ltmp4, $4  }
0x31: {  	[hbm:s6], [sflag:s13] =	dma.local [spmem:s14], $0x500  }
0x32: {  	_ =	swait.ge [sflag:s8], $0x500  }
0x33: {  	[sflag:s8] =	ssyncset.done $0x0  }
0x34: {  	[sflag:s8] =	ssyncadd.s32 $0xFFFFFB00  }
0x35: {  	_ =	sfence.sel $0x180000  }
0x36: {  	[bflag:$0x0] =	sbarrier.arrive $0xFFFF  }
0x37: {  	p0 =	sne.s32 s1, $0x0;
	_ =	strace $0x90000047  }
0x38: {  	s0 =	sadd.s32 @!p0 $0x100000, s0;
	[bflag:$0x2] =	sbarrier.arrive $0xFFFF  }
0x39: {  	[sflag:s0] =	ssyncadd.tile.s32 @!p0 $0x1;
	_ =	shalt  }
.Lfunc_end2:
_tile_overlayer_lowered:
.L_overlay_start_2:
0x3a: {  	(tag) =	ssettag $0x2  }
0x3b: {  	s0 =	rddreg [dreg:$0x0];
	s2 =	stileid.u32  }
0x3c: {  	s1 =	rddreg [dreg:$0x1];
	p0 =	sne.s32 s2, $0x0  }
0x3d: {  	s3 =	rddreg [dreg:$0x2];
	[bflag:$0x3] =	sbarrier.arrive $0xFFFF;
	s2 =	simm.s32 @!p0 $0x1C02  }
0x3e: {  	[timem:s3], [sflag:s2] =	dma.local @!p0 [hbm:s0], s1  }
0x3f: {  	s0 =	simm.s32 @!p0 $0x2  }
0x40: {  	_ =	swait.ge @!p0 [sflag:s0], s1  }
0x41: {  	s1 =	ssub.s32 @!p0 $0x0, s1;
	[sflag:s0] =	ssyncset.done @!p0 $0x0  }
0x42: {  	[sflag:s0] =	ssyncadd.s32 @!p0 s1  }
0x43: {  	[bflag:$0x3] =	sbarrier.arrive $0xFFFF  }
0x44: {  	_ =	shalt  }

// kernel: sc_msg_scatter.4.cloned.1.call-start
scs
__scs_entry_jumppad:
0x0: {  	(pc) =	sbr.rel $0x88, $3  }
0x1: {  	(tag) =	ssettag $0x0;
	lr =	simm.s32 $0x1  }
0x2: {  	[smem:$0x3F97] =	sst lr;
	_ =	strace $0xD0000000  }
0x3: {  	_ = 	snop  }
0x4: {  	_ = 	snop  }
0x5: {  	_ = 	snop  }
0x6: {  	_ = 	snop  }
0x7: {  	_ = 	snop  }
__scs_overlays_trampoline_lowered:
0x8: {  	[smem:$0x3FA6] =	sst s0  }
0x9: {  	[smem:$0x3FA7] =	sst s1  }
0xa: {  	[smem:$0x3FA8] =	sst s2  }
0xb: {  	[smem:$0x3FA9] =	sst s3  }
0xc: {  	[smem:$0x3FAA] =	sst s4  }
0xd: {  	[smem:$0x3FAB] =	sst s5  }
0xe: {  	[smem:$0x3FAC] =	sst s6  }
0xf: {  	[smem:$0x3FAD] =	sst s7  }
0x10: {  	[smem:$0x3FAE] =	sst s8  }
0x11: {  	[smem:$0x3FAF] =	sst s9;
	s0 =	simm.s32 @!p0 $0x0  }
0x12: {  	s1 =	sld [smem:$0x3F95];
	s0 =	simm.s32 @p0 $0x1  }
0x13: {  	[smem:$0x3FB0] =	sst s0;
	s0 =	simm.s32 @!p1 $0x0  }
0x14: {  	s2 =	sld [smem:$0x3F94];
	s0 =	simm.s32 @p1 $0x1  }
0x15: {  	[smem:$0x3FB1] =	sst s0;
	s0 =	simm.s32 @!p2 $0x0  }
0x16: {  	s3 =	sld [smem:$0x3FDB];
	s0 =	simm.s32 @p2 $0x1  }
0x17: {  	s4 =	simm.s32 $0x1BF5;
	[smem:$0x3FB3] =	sst s0  }
0x18: {  	s0 =	sld [smem:$0x3F96];
	_ =	swait.ge [sflag:s4], $0x0  }
0x19: {  	s7 =	sld [smem:$0x3F97]  }
0x1a: {  	s8 =	sadd.s32 $0xFFFFE003, lr  }
0x1b: {  	s9 =	sadd.s32 $0xFFFFFEF7, lr;
	s5 =	simm.s32 $0xFFFFFFFF;
	p2 =	slt.u32 s8, $0xFFFFF086  }
0x1c: {  	p1 =	slt.u32 s9, $0xF7A;
	s5 =	simm.s32 @!p2 $0x0  }
0x1d: {  	s5 =	simm.s32 @p1 $0x1;
	p0 =	seq.s32 s7, s2  }
0x1e: {  	s7 =	smul.u32 @!p0 $0xF7A, s2;
	p2 =	seq.s32 @!p0 s5, $0x0  }
0x1f: {  	s9 =	smul.u32 $0xF7A, s1;
	s8 =	simm.s32 @!p0 $0x1BF5;
	p2 =	por !p2, p0  }
0x20: {  	[sflag:s8] =	ssyncset.s32 @!p0 $0xFFFFF086;
	s6 =	sadd.s32 @!p0 s3, s7;
	s7 =	simm.s32 @!p0 $0x108  }
0x21: {  	s3 =	sadd.s32 s3, s9;
	s6 =	sadd.s32 @!p0 $0x88, s6;
	s7 =	simm.s32 @p2 $0x1082  }
0x22: {  	[simem:s7], [sflag:s8] =	dma.local @!p0 [hbm:s6], $0xF7A  }
0x23: {  	s9 =	sor.u32 $0xD0000000, s2;
	s6 =	simm.s32 $0x108;
	_ =	swait.ge @!p0 [sflag:s8], $0x0  }
0x24: {  	s3 =	sadd.s32 $0x88, s3;
	s6 =	simm.s32 @!p1 $0x1082;
	[sflag:s4] =	ssyncset.s32 $0xFFFFF086  }
0x25: {  	[simem:s6], [sflag:s4] =	dma.local [hbm:s3], $0xF7A  }
0x26: {  	[smem:$0x3F97] =	sst s1;
	(tag) =	ssettag s2;
	_ =	strace s9  }
0x27: {  	s1 =	sld [smem:$0x3FA7]  }
0x28: {  	s2 =	sld [smem:$0x3FA8]  }
0x29: {  	s4 =	sld [smem:$0x3FAA]  }
0x2a: {  	p0 =	seq.s32 s5, $0x0;
	s5 =	sld [smem:$0x3FAB]  }
0x2b: {  	s6 =	sld [smem:$0x3FAC]  }
0x2c: {  	s7 =	sld [smem:$0x3FAD]  }
0x2d: {  	s3 =	simm.s32 $0x108;
	s8 =	sld [smem:$0x3FAE]  }
0x2e: {  	s3 =	simm.s32 @!p0 $0x1082;
	s9 =	sld [smem:$0x3FAF]  }
0x2f: {  	lr =	sadd.s32 s0, s3;
	s0 =	sld [smem:$0x3FA6]  }
0x30: {  	s3 =	sld [smem:$0x3FA9]  }
0x31: {  	[smem:$0x3FB2] =	sst s10  }
0x32: {  	s10 =	sld [smem:$0x3FB0];
	_ =	sdelay $0x3  }
0x33: {  	p0 =	seq.s32 s10, $0x1;
	s10 =	sld [smem:$0x3FB2];
	_ =	sdelay $0x3  }
0x34: {  	[smem:$0x3FB2] =	sst s10  }
0x35: {  	s10 =	sld [smem:$0x3FB1];
	_ =	sdelay $0x3  }
0x36: {  	p1 =	seq.s32 s10, $0x1;
	s10 =	sld [smem:$0x3FB2];
	_ =	sdelay $0x3  }
0x37: {  	[smem:$0x3FB2] =	sst s10  }
0x38: {  	s10 =	sld [smem:$0x3FB3]  }
0x39: {  	_ = 	snop;
	(pc) =	sbr.ind lr, $3  }
0x3a: {  	_ = 	snop  }
0x3b: {  	_ = 	snop  }
0x3c: {  	p2 =	seq.s32 s10, $0x1;
	s10 =	sld [smem:$0x3FB2]  }
0x3d: {  	_ =	shalt  }
0x3e: {  	_ =	shalt  }
0x3f: {  	_ =	shalt  }
0x40: {  	_ =	shalt  }
0x41: {  	_ =	shalt  }
0x42: {  	_ =	shalt  }
0x43: {  	_ =	shalt  }
0x44: {  	_ =	shalt  }
0x45: {  	_ =	shalt  }
0x46: {  	_ =	shalt  }
0x47: {  	_ =	shalt  }
0x48: {  	_ =	shalt  }
0x49: {  	_ =	shalt  }
0x4a: {  	_ =	shalt  }
0x4b: {  	_ =	shalt  }
0x4c: {  	_ =	shalt  }
0x4d: {  	_ =	shalt  }
0x4e: {  	_ =	shalt  }
0x4f: {  	_ =	shalt  }
0x50: {  	_ =	shalt  }
0x51: {  	_ =	shalt  }
0x52: {  	_ =	shalt  }
0x53: {  	_ =	shalt  }
0x54: {  	_ =	shalt  }
0x55: {  	_ =	shalt  }
0x56: {  	_ =	shalt  }
0x57: {  	_ =	shalt  }
0x58: {  	_ =	shalt  }
0x59: {  	_ =	shalt  }
0x5a: {  	_ =	shalt  }
0x5b: {  	_ =	shalt  }
0x5c: {  	_ =	shalt  }
0x5d: {  	_ =	shalt  }
0x5e: {  	_ =	shalt  }
0x5f: {  	_ =	shalt  }
0x60: {  	_ =	shalt  }
0x61: {  	_ =	shalt  }
0x62: {  	_ =	shalt  }
0x63: {  	_ =	shalt  }
0x64: {  	_ =	shalt  }
0x65: {  	_ =	shalt  }
0x66: {  	_ =	shalt  }
0x67: {  	_ =	shalt  }
0x68: {  	_ =	shalt  }
0x69: {  	_ =	shalt  }
0x6a: {  	_ =	shalt  }
0x6b: {  	_ =	shalt  }
0x6c: {  	_ =	shalt  }
0x6d: {  	_ =	shalt  }
0x6e: {  	_ =	shalt  }
0x6f: {  	_ =	shalt  }
0x70: {  	_ =	shalt  }
0x71: {  	_ =	shalt  }
0x72: {  	_ =	shalt  }
0x73: {  	_ =	shalt  }
0x74: {  	_ =	shalt  }
0x75: {  	_ =	shalt  }
0x76: {  	_ =	shalt  }
0x77: {  	_ =	shalt  }
0x78: {  	_ =	shalt  }
0x79: {  	_ =	shalt  }
0x7a: {  	_ =	shalt  }
0x7b: {  	_ =	shalt  }
0x7c: {  	_ =	shalt  }
0x7d: {  	_ =	shalt  }
0x7e: {  	_ =	shalt  }
0x7f: {  	_ =	shalt  }
0x80: {  	_ =	shalt  }
0x81: {  	_ =	shalt  }
0x82: {  	_ =	shalt  }
0x83: {  	_ =	shalt  }
0x84: {  	_ =	shalt  }
0x85: {  	_ =	shalt  }
0x86: {  	_ =	shalt  }
0x87: {  	_ =	shalt  }
.Lfunc_end0:
.L_simem_size_0:
called_computation.2_lowered:
.L_overlay_start_0:
0x88: {  	s2 =	sld [smem:$0x3FD9]  }
0x89: {  	s3 =	sld [smem:$0x3FFE];
	_ =	sdelay $0x1  }
0x8a: {  	s1 =	srdreg.scid  }
0x8b: {  	s0 =	sand.u32 $0x1, s1  }
0x8c: {  	s16 =	sshll.u32 s0, $0xA;
	s2 =	sadd.s32 s3, s2  }
0x8d: {  	s2 =	sadd.s32 s2, s16  }
0x8e: {  	[smem:$0x3FBE] =	sst s2  }
0x8f: {  	_ = 	snop  }
0x90: {  	(tm) =	ssettm $0x1  }
0x91: {  	s17 =	sld [smem:$0x3FFB];
	_ =	sdelay $0x3  }
0x92: {  	_ =	strace s17  }
0x93: {  	s2 =	sld [smem:$0x3FFC];
	_ =	sdelay $0x3  }
0x94: {  	_ =	strace s2  }
0x95: {  	s2 =	sld [smem:$0x3FFD];
	_ =	sdelay $0x3  }
0x96: {  	_ =	strace s2  }
0x97: {  	_ =	strace $0x8FFFFFFF  }
0x98: {  	s18 =	sld [smem:$0x3FDB];
	_ =	sdelay $0x1  }
0x99: {  	s19 =	simm.s32 $_scs_section_size  }
0x9a: {  	s4 =	simm.s32 $_size__tile_overlayer_lowered;
	s5 =	simm.s32 $_tile_overlayer_lowered  }
0x9b: {  	s22 =	simm.s32 $0x1BFF;
	s21 =	sshll.u32 s5, $0x1;
	s2 =	sadd.s32 s19, s18  }
0x9c: {  	s6 =	simm.s32 $0x0;
	s20 =	sshll.u32 s4, $0x1;
	s4 =	sadd.s32 s21, s2  }
0x9d: {  	[timem:s6], [sflag:s22] =	dma.local [hbm:s4], s20  }
0x9e: {  	_ =	swait.ge [sflag:s22], s20  }
0x9f: {  	s3 =	ssub.s32 $0x0, s20;
	[sflag:s22] =	ssyncset.done $0x0  }
0xa0: {  	[sflag:s22] =	ssyncadd.s32 s3;
	_ =	sdelay $0x1  }
0xa1: {  	s23 =	simm.s32 $0x1B8B  }
0xa2: {  	_ =	swait.ge [sflag:s23], $0x1  }
0xa3: {  	[sflag:s23] =	ssyncset.done $0x0  }
0xa4: {  	s25 =	simm.s32 $0x1B8E;
	s24 =	sld [smem:$0x3FFE];
	[sflag:s23] =	ssyncadd.s32 $0xFFFFFFFF  }
0xa5: {  	s26 =	simm.s32 $execute0_lowered;
	[smem:$0x3FD2] =	sst s25  }
0xa6: {  	s4 =	sshll.u32 s26, $0x1;
	_ =	strace $0x8000004C;
	[dreg:$0x1] =	wrdreg $0xFFFFFFFF  }
0xa7: {  	s28 =	simm.s32 $_size_execute0_lowered;
	s2 =	sadd.s32 s2, s4;
	[dreg:$0x0] =	wrdreg $0x0  }
0xa8: {  	s4 =	sshll.u32 s28, $0x1;
	[dreg:$0x2] =	wrdreg s2  }
0xa9: {  	[dreg:$0x3] =	wrdreg s4  }
0xaa: {  	[dreg:$0x4] =	wrdreg $0xC0  }
0xab: {  	_ =	task [dreg:s6], $0x5FFFF  }
0xac: {  	[dreg:$0x1] =	wrdreg $0xFFFFFFFF  }
0xad: {  	[dreg:$0x0] =	wrdreg $0x60  }
0xae: {  	[dreg:$0x2] =	wrdreg s24  }
0xaf: {  	[dreg:$0x3] =	wrdreg $0xB5400  }
0xb0: {  	[dreg:$0x4] =	wrdreg $0x9  }
0xb1: {  	_ =	task.clear_ibuf [dreg:s6], $0x5FFFF;
	_ =	strace $0x9000004C  }
0xb2: {  	s29 =	simm.s32 $0x9;
	_ =	strace $0x8000004E  }
0xb3: {  	_ =	swait.ge [sflag:s29], $0x1  }
0xb4: {  	[sflag:s29] =	ssyncadd.s32 $0xFFFFFFFF  }
0xb5: {  	_ =	strace $0x9000004E  }
0xb6: {  	_ =	sfence  }
0xb7: {  	s30 =	sld [smem:$0x0];
	_ =	sdelay $0x2  }
0xb8: {  	s31 =	sshll.u32 s1, $0xD;
	s1 =	sshrl.u32 s1, $0x2  }
0xb9: {  	s3 =	sand.u32 $0x4000, s31;
	s1 =	sadd.s32 s1, s30  }
0xba: {  	s0 =	sor.u32 s3, s0;
	s1 =	sshll.u32 s1, $0x11  }
0xbb: {  	s0 =	sor.u32 s1, s0  }
0xbc: {  	s0 =	sadd.s32 $0x8F2B, s0  }
0xbd: {  	[sflag:s0] =	ssyncadd.remote.s32 $0x1  }
0xbe: {  	_ =	sfence.sel $0xFFFF  }
0xbf: {  	[dreg:$0x0] =	wrdreg $0xFFFFFFFF;
	(pc) =	sbr.abs _section_cstart, $3  }
0xc0: {  	[dreg:$0x1] =	wrdreg $0xFFFFFFFF  }
0xc1: {  	_ =	task.clear_ibuf [dreg:s6], $0x2FFFF;
	_ =	strace $0x9FFFFFFF  }
0xc2: {  	(tm) =	ssettm $0x7FFFFFFF  }
0xc3: {  	_ =	shalt  }
tec
execute0_lowered:
.L_overlay_start_1:
0x0: {  	(tag) =	ssettag $0x1  }
0x1: {  	s5 =	rddreg [dreg:$0x0]  }
0x2: {  	s2 =	rddreg [dreg:$0x1]  }
0x3: {  	s0 =	rddreg [dreg:$0x2];
	s3 =	simm.s32 $0x0;
	s4 =	srdreg.scid  }
0x4: {  	s1 =	stileid.u32;
	s16 =	simm.s32 $0x3;
	s17 =	simm.s32 $0x28A0  }
0x5: {  	s18 =	simm.s32 $0x5140;
	s19 =	simm.s32 $0x64;
	s20 =	simm.s32 $0x68  }
0x6: {  	s21 =	simm.s32 $0x8340;
	s22 =	simm.s32 $0x1;
	s23 =	simm.s32 $0x2  }
0x7: {  	s24 =	simm.s32 $0x5070;
	s25 =	simm.s32 $0x50D8;
	s26 =	simm.s32 $0x0  }
0x8: {  	s6 =	sand.u32 $0x1, s4;
	s29 =	sshll.u32 s1, $0x1;
	s7 =	smul.u32 $0x14000, s1  }
0x9: {  	[smem:$0x7FF] =	sst s3;
	s10 =	smul.u32 $0x50000, s1;
	s4 =	sor.u32 s6, s29  }
0xa: {  	s8 =	smul.u32 $0x140000, s6;
	_ =	strace $0x8000004D;
	s6 =	ssub.s32 $0x2, s6  }
0xb: {  	s9 =	smul.u32 $0x514, s4;
	s4 =	sadd.s32 $0x3400, s5;
	s30 =	sshrl.u32 s6, $0x1  }
0xc: {  	s31 =	sshrl.u32 s10, $0x2;
	s8 =	sadd.s32 s7, s8;
	s15 =	ssub.s32 s6, s30  }
0xd: {  	s13 =	sadd.s32 s31, s2;
	s7 =	sadd.s32 s7, s2;
	s9 =	sadd.s32 s9, s5  }
0xe: {  	s8 =	sshrl.u32 s8, $0x3;
	s10 =	sadd.s32 $0x9600, s13;
	s11 =	sadd.s32 $0xC800, s13  }
0xf: {  	s12 =	sadd.s32 $0xFA00, s13;
	s15 =	smax.u32 s15, $0x1;
	s14 =	sadd.s32 s8, s5  }
0x10: {  	s5 =	sadd.s32 $0xEDA00, s9;
	s6 =	sadd.s32 $0xE3600, s9;
	s8 =	sadd.s32 $0x3200, s13  }
0x11: {  	v0 =	vimm.f32 $0.0e+00;
	s9 =	sadd.s32 $0x6400, s13;
	s13 =	sadd.s32 $0x12C00, s13;
	s14 =	sadd.s32 $0x2B400, s14  }
.LBB2_1:
0x12: {  	[tilespmem:s3], [sflag:$0x3] =	stream.linear.gather [hbm4b:s5+s3], $0x28A0, $0x38;
	[tilespmem:$0x1F540] =	vst v63  }
0x13: {  	_ =	swait.ge [sflag:s16], $0x28A0  }
0x14: {  	[sflag:s16] =	ssyncset.done $0x0  }
0x15: {  	[sflag:s16] =	ssyncadd.s32 $0xFFFFD760  }
0x16: {  	[tilespmem:s17], [sflag:$0x3] =	stream.linear.gather [hbm4b:s6+s3], $0x28A0, $0x38;
	[tilespmem:$0x1F540] =	vst v63  }
0x17: {  	_ =	swait.ge [sflag:s16], $0x28A0  }
0x18: {  	[sflag:s16] =	ssyncset.done $0x0  }
0x19: {  	s28 =	simm.s32 $0x0;
	s29 =	simm.s32 $0x200;
	[sflag:s16] =	ssyncadd.s32 $0xFFFFD760  }
.LBB2_2:
0x1a: {  	p0 =	sne.s32 s29, $0xC600;
	[tilespmem:s28+$0x51B0] =	vst v0  }
0x1b: {  	[tilespmem:s28+$0x5140] =	vst v0  }
0x1c: {  	[tilespmem:s28+$0x5150] =	vst v0  }
.Ltmp0:
0x1d: {  	[tilespmem:s28+$0x5160] =	vst v0;
	(pc) =	sbr.rel @p0 .LBB2_2-.Ltmp0, $4  }
0x1e: {  	[tilespmem:s28+$0x5170] =	vst v0  }
0x1f: {  	[tilespmem:s28+$0x5180] =	vst v0  }
0x20: {  	[tilespmem:s28+$0x5190] =	vst v0  }
0x21: {  	[tilespmem:s28+$0x51A0] =	vst v0;
	s28 =	sshra.s32 s29, $0x2;
	s29 =	sadd.s32 $0x200, s29  }
0x22: {  	[tilespmem:s28+$0x51B0] =	vst v0  }
0x23: {  	[tilespmem:s28+$0x5140] =	vst v0  }
0x24: {  	[tilespmem:s28+$0x5150] =	vst v0  }
0x25: {  	[tilespmem:s28+$0x5160] =	vst v0  }
0x26: {  	[tilespmem:s28+$0x5170] =	vst v0  }
0x27: {  	[tilespmem:s28+$0x5180] =	vst v0  }
0x28: {  	[tilespmem:s28+$0x5190] =	vst v0  }
0x29: {  	[tilespmem:s28+$0x51A0] =	vst v0  }
0x2a: {  	[spmem:s7] =	stream.linear.scatter [tilespmem:s18], [sflag:$0x3], $0x3200, $0x38;
	[tilespmem:$0x1F540] =	vst v63  }
0x2b: {  	_ =	swait.ge [sflag:s16], $0x3200  }
0x2c: {  	[sflag:s16] =	ssyncset.done $0x0  }
0x2d: {  	[sflag:s16] =	ssyncadd.s32 $0xFFFFCE00  }
0x2e: {  	[spmem:s8] =	stream.linear.scatter [tilespmem:s18], [sflag:$0x3], $0x3200, $0x38;
	[tilespmem:$0x1F540] =	vst v63  }
0x2f: {  	_ =	swait.ge [sflag:s16], $0x3200  }
0x30: {  	[sflag:s16] =	ssyncset.done $0x0  }
0x31: {  	[sflag:s16] =	ssyncadd.s32 $0xFFFFCE00  }
0x32: {  	[spmem:s9] =	stream.linear.scatter [tilespmem:s18], [sflag:$0x3], $0x3200, $0x38;
	[tilespmem:$0x1F540] =	vst v63  }
0x33: {  	_ =	swait.ge [sflag:s16], $0x3200  }
0x34: {  	[sflag:s16] =	ssyncset.done $0x0  }
0x35: {  	[sflag:s16] =	ssyncadd.s32 $0xFFFFCE00  }
0x36: {  	[spmem:s10] =	stream.linear.scatter [tilespmem:s18], [sflag:$0x3], $0x3200, $0x38;
	[tilespmem:$0x1F540] =	vst v63  }
0x37: {  	_ =	swait.ge [sflag:s16], $0x3200  }
0x38: {  	[sflag:s16] =	ssyncset.done $0x0  }
0x39: {  	[sflag:s16] =	ssyncadd.s32 $0xFFFFCE00  }
0x3a: {  	[spmem:s11] =	stream.linear.scatter [tilespmem:s18], [sflag:$0x3], $0x3200, $0x38;
	[tilespmem:$0x1F540] =	vst v63  }
0x3b: {  	_ =	swait.ge [sflag:s16], $0x3200  }
0x3c: {  	[sflag:s16] =	ssyncset.done $0x0  }
0x3d: {  	[sflag:s16] =	ssyncadd.s32 $0xFFFFCE00  }
0x3e: {  	[spmem:s12] =	stream.linear.scatter [tilespmem:s18], [sflag:$0x3], $0x3200, $0x38;
	[tilespmem:$0x1F540] =	vst v63  }
0x3f: {  	_ =	swait.ge [sflag:s16], $0x3200  }
0x40: {  	[sflag:s16] =	ssyncset.done $0x0  }
0x41: {  	[sflag:s16] =	ssyncadd.s32 $0xFFFFCE00  }
0x42: {  	[spmem:s13] =	stream.linear.scatter [tilespmem:s18], [sflag:$0x3], $0x1400, $0x38;
	[tilespmem:$0x1F540] =	vst v63  }
0x43: {  	_ =	swait.ge [sflag:s16], $0x1400  }
0x44: {  	[sflag:s16] =	ssyncset.done $0x0  }
0x45: {  	[sflag:s16] =	ssyncadd.s32 $0xFFFFEC00  }
0x46: {  	s28 =	simm.s32 $0x0;
	[bflag:$0x0] =	sbarrier.arrive $0xFFFF  }
0x47: {  	[tilespmem:s18], [sflag:$0x1] =	stream.indirect.gather [hbm4b:s4+s19], $0x80, s28, s19, $0xb8;
	[tilespmem:$0x1F540] =	vst v63  }
0x48: {  	_ = 	snop  }
0x49: {  	[tilespmem:s21], [sflag:$0x2] =	stream.indirect.gather [hbm4b:s4+s19], $0x80, s20, s19, $0xb8;
	[tilespmem:$0x1F540] =	vst v63  }
0x4a: {  	_ =	swait.ge [sflag:s22], $0x3200  }
0x4b: {  	[sflag:s22] =	ssyncset.done $0x0  }
0x4c: {  	s28 =	simm.s32 $0x28A0;
	[sflag:s22] =	ssyncadd.s32 $0xFFFFCE00  }
0x4d: {  	[spmem:s2] =	stream.indirect.scatter.add.f32 [tilespmem:s18], [sflag:$0x3], $0x80, s28, s19, $0xb8;
	[tilespmem:$0x1F540] =	vst v63  }
0x4e: {  	_ =	swait.ge [sflag:s16], $0x3200  }
0x4f: {  	[sflag:s16] =	ssyncset.done $0x0  }
0x50: {  	s28 =	simm.s32 $0xD0;
	[sflag:s16] =	ssyncadd.s32 $0xFFFFCE00  }
0x51: {  	[tilespmem:s18], [sflag:$0x1] =	stream.indirect.gather [hbm4b:s4+s19], $0x80, s28, s19, $0xb8;
	[tilespmem:$0x1F540] =	vst v63  }
0x52: {  	_ =	swait.ge [sflag:s23], $0x3200  }
0x53: {  	[sflag:s23] =	ssyncset.done $0x0  }
0x54: {  	s28 =	simm.s32 $0x2908;
	[sflag:s23] =	ssyncadd.s32 $0xFFFFCE00  }
0x55: {  	[spmem:s2] =	stream.indirect.scatter.add.f32 [tilespmem:s21], [sflag:$0x3], $0x80, s28, s19, $0xb8;
	[tilespmem:$0x1F540] =	vst v63  }
0x56: {  	_ =	swait.ge [sflag:s16], $0x3200  }
0x57: {  	[sflag:s16] =	ssyncset.done $0x0  }
0x58: {  	s29 =	simm.s32 $0x138;
	s28 =	simm.s32 $0x340;
	[sflag:s16] =	ssyncadd.s32 $0xFFFFCE00  }
.LBB2_4:
0x59: {  	[tilespmem:s21], [sflag:$0x2] =	stream.indirect.gather [hbm4b:s4+s19], $0x80, s29, s19, $0xb8;
	[tilespmem:$0x1F540] =	vst v63  }
0x5a: {  	s29 =	smov.u32 s28  }
0x5b: {  	p0 =	sne.s32 s28, $0x9C00;
	s28 =	sadd.s32 $0x340, s28;
	_ =	swait.ge [sflag:s22], $0x3200  }
0x5c: {  	s29 =	sshra.s32 s29, $0x2;
	[sflag:s22] =	ssyncset.done $0x0  }
0x5d: {  	s30 =	sadd.s32 $0x28A0, s29;
	[sflag:s22] =	ssyncadd.s32 $0xFFFFCE00  }
0x5e: {  	[spmem:s2] =	stream.indirect.scatter.add.f32 [tilespmem:s18], [sflag:$0x3], $0x80, s30, s19, $0xb8;
	[tilespmem:$0x1F540] =	vst v63  }
0x5f: {  	_ =	swait.ge [sflag:s16], $0x3200  }
0x60: {  	[sflag:s16] =	ssyncset.done $0x0  }
0x61: {  	s30 =	sadd.s32 $0xD0, s29;
	[sflag:s16] =	ssyncadd.s32 $0xFFFFCE00  }
0x62: {  	[tilespmem:s18], [sflag:$0x1] =	stream.indirect.gather [hbm4b:s4+s19], $0x80, s30, s19, $0xb8;
	[tilespmem:$0x1F540] =	vst v63  }
0x63: {  	_ =	swait.ge [sflag:s23], $0x3200  }
0x64: {  	[sflag:s23] =	ssyncset.done $0x0  }
.Ltmp1:
0x65: {  	s30 =	sadd.s32 $0x2908, s29;
	[sflag:s23] =	ssyncadd.s32 $0xFFFFCE00;
	(pc) =	sbr.rel @p0 .LBB2_4-.Ltmp1, $4  }
0x66: {  	[spmem:s2] =	stream.indirect.scatter.add.f32 [tilespmem:s21], [sflag:$0x3], $0x80, s30, s19, $0xb8;
	[tilespmem:$0x1F540] =	vst v63  }
0x67: {  	_ =	swait.ge [sflag:s16], $0x3200  }
0x68: {  	[sflag:s16] =	ssyncset.done $0x0  }
0x69: {  	s29 =	sadd.s32 $0x138, s29;
	[sflag:s16] =	ssyncadd.s32 $0xFFFFCE00  }
0x6a: {  	[tilespmem:s21], [sflag:$0x2] =	stream.indirect.gather [hbm4b:s4+s19], $0x80, s29, s19, $0xb8;
	[tilespmem:$0x1F540] =	vst v63  }
0x6b: {  	_ =	swait.ge [sflag:s22], $0x3200  }
0x6c: {  	[sflag:s22] =	ssyncset.done $0x0  }
0x6d: {  	[sflag:s22] =	ssyncadd.s32 $0xFFFFCE00  }
0x6e: {  	[spmem:s2] =	stream.indirect.scatter.add.f32 [tilespmem:s18], [sflag:$0x3], $0x80, s24, s19, $0xb8;
	[tilespmem:$0x1F540] =	vst v63  }
0x6f: {  	_ =	swait.ge [sflag:s16], $0x3200  }
0x70: {  	[sflag:s16] =	ssyncset.done $0x0  }
0x71: {  	[sflag:s16] =	ssyncadd.s32 $0xFFFFCE00  }
0x72: {  	_ =	swait.ge [sflag:s23], $0x3200  }
0x73: {  	[sflag:s23] =	ssyncset.done $0x0  }
0x74: {  	[sflag:s23] =	ssyncadd.s32 $0xFFFFCE00  }
0x75: {  	[spmem:s2] =	stream.indirect.scatter.add.f32 [tilespmem:s21], [sflag:$0x3], $0x80, s25, s19, $0xb8;
	[tilespmem:$0x1F540] =	vst v63  }
0x76: {  	_ =	swait.ge [sflag:s16], $0x3200  }
0x77: {  	s28 =	sshll.u32 s1, $0x6;
	s26 =	sadd.s32 $0x1, s26;
	[sflag:s16] =	ssyncset.done $0x0  }
0x78: {  	s31 =	sshrl.u32 s7, $0x3;
	p0 =	sne.s32 s26, s15;
	[sflag:s16] =	ssyncadd.s32 $0xFFFFCE00  }
.Ltmp2:
0x79: {  	s28 =	sor.u32 $0x1C03, s28;
	[bflag:$0x0] =	sbarrier.arrive $0xFFFF;
	(pc) =	sbr.rel @p0 .LBB2_1-.Ltmp2, $4  }
0x7a: {  	[hbm:s14], [sflag:s28] =	dma.local [spmem:s31], $0x2800  }
0x7b: {  	_ =	swait.ge [sflag:s16], $0x2800  }
0x7c: {  	[sflag:s16] =	ssyncset.done $0x0  }
0x7d: {  	[sflag:s16] =	ssyncadd.s32 $0xFFFFD800  }
0x7e: {  	_ =	sfence.sel $0x180000  }
0x7f: {  	[bflag:$0x0] =	sbarrier.arrive $0xFFFF  }
0x80: {  	p0 =	sne.s32 s1, $0x0;
	_ =	strace $0x9000004D  }
0x81: {  	s0 =	sadd.s32 @!p0 $0x100000, s0;
	[bflag:$0x2] =	sbarrier.arrive $0xFFFF  }
0x82: {  	[sflag:s0] =	ssyncadd.tile.s32 @!p0 $0x1;
	_ =	shalt  }
.Lfunc_end2:
_tile_overlayer_lowered:
.L_overlay_start_2:
0x83: {  	(tag) =	ssettag $0x2  }
0x84: {  	s0 =	rddreg [dreg:$0x0];
	s2 =	stileid.u32  }
0x85: {  	s1 =	rddreg [dreg:$0x1];
	p0 =	sne.s32 s2, $0x0  }
0x86: {  	s3 =	rddreg [dreg:$0x2];
	[bflag:$0x3] =	sbarrier.arrive $0xFFFF;
	s2 =	simm.s32 @!p0 $0x1C03  }
0x87: {  	[timem:s3], [sflag:s2] =	dma.local @!p0 [hbm:s0], s1  }
0x88: {  	s0 =	simm.s32 @!p0 $0x3  }
0x89: {  	_ =	swait.ge @!p0 [sflag:s0], s1  }
0x8a: {  	s1 =	ssub.s32 @!p0 $0x0, s1;
	[sflag:s0] =	ssyncset.done @!p0 $0x0  }
0x8b: {  	[sflag:s0] =	ssyncadd.s32 @!p0 s1  }
0x8c: {  	[bflag:$0x3] =	sbarrier.arrive $0xFFFF  }
0x8d: {  	_ =	shalt  }

// kernel: sc_msg_scatter.7.cloned.1.call-start
scs
__scs_entry_jumppad:
0x0: {  	(pc) =	sbr.rel $0x88, $3  }
0x1: {  	(tag) =	ssettag $0x0;
	lr =	simm.s32 $0x1  }
0x2: {  	[smem:$0x3F97] =	sst lr;
	_ =	strace $0xD0000000  }
0x3: {  	_ = 	snop  }
0x4: {  	_ = 	snop  }
0x5: {  	_ = 	snop  }
0x6: {  	_ = 	snop  }
0x7: {  	_ = 	snop  }
__scs_overlays_trampoline_lowered:
0x8: {  	[smem:$0x3FA6] =	sst s0  }
0x9: {  	[smem:$0x3FA7] =	sst s1  }
0xa: {  	[smem:$0x3FA8] =	sst s2  }
0xb: {  	[smem:$0x3FA9] =	sst s3  }
0xc: {  	[smem:$0x3FAA] =	sst s4  }
0xd: {  	[smem:$0x3FAB] =	sst s5  }
0xe: {  	[smem:$0x3FAC] =	sst s6  }
0xf: {  	[smem:$0x3FAD] =	sst s7  }
0x10: {  	[smem:$0x3FAE] =	sst s8  }
0x11: {  	[smem:$0x3FAF] =	sst s9;
	s0 =	simm.s32 @!p0 $0x0  }
0x12: {  	s1 =	sld [smem:$0x3F95];
	s0 =	simm.s32 @p0 $0x1  }
0x13: {  	[smem:$0x3FB0] =	sst s0;
	s0 =	simm.s32 @!p1 $0x0  }
0x14: {  	s2 =	sld [smem:$0x3F94];
	s0 =	simm.s32 @p1 $0x1  }
0x15: {  	[smem:$0x3FB1] =	sst s0;
	s0 =	simm.s32 @!p2 $0x0  }
0x16: {  	s3 =	sld [smem:$0x3FDB];
	s0 =	simm.s32 @p2 $0x1  }
0x17: {  	s4 =	simm.s32 $0x1BF5;
	[smem:$0x3FB3] =	sst s0  }
0x18: {  	s0 =	sld [smem:$0x3F96];
	_ =	swait.ge [sflag:s4], $0x0  }
0x19: {  	s7 =	sld [smem:$0x3F97]  }
0x1a: {  	s8 =	sadd.s32 $0xFFFFE003, lr  }
0x1b: {  	s9 =	sadd.s32 $0xFFFFFEF7, lr;
	s5 =	simm.s32 $0xFFFFFFFF;
	p2 =	slt.u32 s8, $0xFFFFF086  }
0x1c: {  	p1 =	slt.u32 s9, $0xF7A;
	s5 =	simm.s32 @!p2 $0x0  }
0x1d: {  	s5 =	simm.s32 @p1 $0x1;
	p0 =	seq.s32 s7, s2  }
0x1e: {  	s7 =	smul.u32 @!p0 $0xF7A, s2;
	p2 =	seq.s32 @!p0 s5, $0x0  }
0x1f: {  	s9 =	smul.u32 $0xF7A, s1;
	s8 =	simm.s32 @!p0 $0x1BF5;
	p2 =	por !p2, p0  }
0x20: {  	[sflag:s8] =	ssyncset.s32 @!p0 $0xFFFFF086;
	s6 =	sadd.s32 @!p0 s3, s7;
	s7 =	simm.s32 @!p0 $0x108  }
0x21: {  	s3 =	sadd.s32 s3, s9;
	s6 =	sadd.s32 @!p0 $0x88, s6;
	s7 =	simm.s32 @p2 $0x1082  }
0x22: {  	[simem:s7], [sflag:s8] =	dma.local @!p0 [hbm:s6], $0xF7A  }
0x23: {  	s9 =	sor.u32 $0xD0000000, s2;
	s6 =	simm.s32 $0x108;
	_ =	swait.ge @!p0 [sflag:s8], $0x0  }
0x24: {  	s3 =	sadd.s32 $0x88, s3;
	s6 =	simm.s32 @!p1 $0x1082;
	[sflag:s4] =	ssyncset.s32 $0xFFFFF086  }
0x25: {  	[simem:s6], [sflag:s4] =	dma.local [hbm:s3], $0xF7A  }
0x26: {  	[smem:$0x3F97] =	sst s1;
	(tag) =	ssettag s2;
	_ =	strace s9  }
0x27: {  	s1 =	sld [smem:$0x3FA7]  }
0x28: {  	s2 =	sld [smem:$0x3FA8]  }
0x29: {  	s4 =	sld [smem:$0x3FAA]  }
0x2a: {  	p0 =	seq.s32 s5, $0x0;
	s5 =	sld [smem:$0x3FAB]  }
0x2b: {  	s6 =	sld [smem:$0x3FAC]  }
0x2c: {  	s7 =	sld [smem:$0x3FAD]  }
0x2d: {  	s3 =	simm.s32 $0x108;
	s8 =	sld [smem:$0x3FAE]  }
0x2e: {  	s3 =	simm.s32 @!p0 $0x1082;
	s9 =	sld [smem:$0x3FAF]  }
0x2f: {  	lr =	sadd.s32 s0, s3;
	s0 =	sld [smem:$0x3FA6]  }
0x30: {  	s3 =	sld [smem:$0x3FA9]  }
0x31: {  	[smem:$0x3FB2] =	sst s10  }
0x32: {  	s10 =	sld [smem:$0x3FB0];
	_ =	sdelay $0x3  }
0x33: {  	p0 =	seq.s32 s10, $0x1;
	s10 =	sld [smem:$0x3FB2];
	_ =	sdelay $0x3  }
0x34: {  	[smem:$0x3FB2] =	sst s10  }
0x35: {  	s10 =	sld [smem:$0x3FB1];
	_ =	sdelay $0x3  }
0x36: {  	p1 =	seq.s32 s10, $0x1;
	s10 =	sld [smem:$0x3FB2];
	_ =	sdelay $0x3  }
0x37: {  	[smem:$0x3FB2] =	sst s10  }
0x38: {  	s10 =	sld [smem:$0x3FB3]  }
0x39: {  	_ = 	snop;
	(pc) =	sbr.ind lr, $3  }
0x3a: {  	_ = 	snop  }
0x3b: {  	_ = 	snop  }
0x3c: {  	p2 =	seq.s32 s10, $0x1;
	s10 =	sld [smem:$0x3FB2]  }
0x3d: {  	_ =	shalt  }
0x3e: {  	_ =	shalt  }
0x3f: {  	_ =	shalt  }
0x40: {  	_ =	shalt  }
0x41: {  	_ =	shalt  }
0x42: {  	_ =	shalt  }
0x43: {  	_ =	shalt  }
0x44: {  	_ =	shalt  }
0x45: {  	_ =	shalt  }
0x46: {  	_ =	shalt  }
0x47: {  	_ =	shalt  }
0x48: {  	_ =	shalt  }
0x49: {  	_ =	shalt  }
0x4a: {  	_ =	shalt  }
0x4b: {  	_ =	shalt  }
0x4c: {  	_ =	shalt  }
0x4d: {  	_ =	shalt  }
0x4e: {  	_ =	shalt  }
0x4f: {  	_ =	shalt  }
0x50: {  	_ =	shalt  }
0x51: {  	_ =	shalt  }
0x52: {  	_ =	shalt  }
0x53: {  	_ =	shalt  }
0x54: {  	_ =	shalt  }
0x55: {  	_ =	shalt  }
0x56: {  	_ =	shalt  }
0x57: {  	_ =	shalt  }
0x58: {  	_ =	shalt  }
0x59: {  	_ =	shalt  }
0x5a: {  	_ =	shalt  }
0x5b: {  	_ =	shalt  }
0x5c: {  	_ =	shalt  }
0x5d: {  	_ =	shalt  }
0x5e: {  	_ =	shalt  }
0x5f: {  	_ =	shalt  }
0x60: {  	_ =	shalt  }
0x61: {  	_ =	shalt  }
0x62: {  	_ =	shalt  }
0x63: {  	_ =	shalt  }
0x64: {  	_ =	shalt  }
0x65: {  	_ =	shalt  }
0x66: {  	_ =	shalt  }
0x67: {  	_ =	shalt  }
0x68: {  	_ =	shalt  }
0x69: {  	_ =	shalt  }
0x6a: {  	_ =	shalt  }
0x6b: {  	_ =	shalt  }
0x6c: {  	_ =	shalt  }
0x6d: {  	_ =	shalt  }
0x6e: {  	_ =	shalt  }
0x6f: {  	_ =	shalt  }
0x70: {  	_ =	shalt  }
0x71: {  	_ =	shalt  }
0x72: {  	_ =	shalt  }
0x73: {  	_ =	shalt  }
0x74: {  	_ =	shalt  }
0x75: {  	_ =	shalt  }
0x76: {  	_ =	shalt  }
0x77: {  	_ =	shalt  }
0x78: {  	_ =	shalt  }
0x79: {  	_ =	shalt  }
0x7a: {  	_ =	shalt  }
0x7b: {  	_ =	shalt  }
0x7c: {  	_ =	shalt  }
0x7d: {  	_ =	shalt  }
0x7e: {  	_ =	shalt  }
0x7f: {  	_ =	shalt  }
0x80: {  	_ =	shalt  }
0x81: {  	_ =	shalt  }
0x82: {  	_ =	shalt  }
0x83: {  	_ =	shalt  }
0x84: {  	_ =	shalt  }
0x85: {  	_ =	shalt  }
0x86: {  	_ =	shalt  }
0x87: {  	_ =	shalt  }
.Lfunc_end0:
.L_simem_size_0:
called_computation.3_lowered:
.L_overlay_start_0:
0x88: {  	s2 =	sld [smem:$0x3FD9]  }
0x89: {  	s3 =	sld [smem:$0x3FFE];
	_ =	sdelay $0x1  }
0x8a: {  	s1 =	srdreg.scid  }
0x8b: {  	s0 =	sand.u32 $0x1, s1  }
0x8c: {  	s16 =	sshll.u32 s0, $0xA;
	s2 =	sadd.s32 s3, s2  }
0x8d: {  	s2 =	sadd.s32 s2, s16  }
0x8e: {  	[smem:$0x3FBE] =	sst s2  }
0x8f: {  	_ = 	snop  }
0x90: {  	(tm) =	ssettm $0x1  }
0x91: {  	s17 =	sld [smem:$0x3FFB];
	_ =	sdelay $0x3  }
0x92: {  	_ =	strace s17  }
0x93: {  	s2 =	sld [smem:$0x3FFC];
	_ =	sdelay $0x3  }
0x94: {  	_ =	strace s2  }
0x95: {  	s2 =	sld [smem:$0x3FFD];
	_ =	sdelay $0x3  }
0x96: {  	_ =	strace s2  }
0x97: {  	_ =	strace $0x8FFFFFFF  }
0x98: {  	s18 =	sld [smem:$0x3FDB];
	_ =	sdelay $0x1  }
0x99: {  	s19 =	simm.s32 $_scs_section_size  }
0x9a: {  	s4 =	simm.s32 $_size__tile_overlayer_lowered;
	s5 =	simm.s32 $_tile_overlayer_lowered  }
0x9b: {  	s22 =	simm.s32 $0x1BFF;
	s21 =	sshll.u32 s5, $0x1;
	s2 =	sadd.s32 s19, s18  }
0x9c: {  	s6 =	simm.s32 $0x0;
	s20 =	sshll.u32 s4, $0x1;
	s4 =	sadd.s32 s21, s2  }
0x9d: {  	[timem:s6], [sflag:s22] =	dma.local [hbm:s4], s20  }
0x9e: {  	_ =	swait.ge [sflag:s22], s20  }
0x9f: {  	s3 =	ssub.s32 $0x0, s20;
	[sflag:s22] =	ssyncset.done $0x0  }
0xa0: {  	[sflag:s22] =	ssyncadd.s32 s3;
	_ =	sdelay $0x1  }
0xa1: {  	s23 =	simm.s32 $0x1B8B  }
0xa2: {  	_ =	swait.ge [sflag:s23], $0x1  }
0xa3: {  	[sflag:s23] =	ssyncset.done $0x0  }
0xa4: {  	s25 =	simm.s32 $0x1B8E;
	s24 =	sld [smem:$0x3FFE];
	[sflag:s23] =	ssyncadd.s32 $0xFFFFFFFF  }
0xa5: {  	s26 =	simm.s32 $execute0_lowered;
	[smem:$0x3FD2] =	sst s25  }
0xa6: {  	s4 =	sshll.u32 s26, $0x1;
	_ =	strace $0x8000004F;
	[dreg:$0x1] =	wrdreg $0xFFFFFFFF  }
0xa7: {  	s28 =	simm.s32 $_size_execute0_lowered;
	s2 =	sadd.s32 s2, s4;
	[dreg:$0x0] =	wrdreg $0x0  }
0xa8: {  	s4 =	sshll.u32 s28, $0x1;
	[dreg:$0x2] =	wrdreg s2  }
0xa9: {  	[dreg:$0x3] =	wrdreg s4  }
0xaa: {  	[dreg:$0x4] =	wrdreg $0xC0  }
0xab: {  	_ =	task [dreg:s6], $0x5FFFF  }
0xac: {  	[dreg:$0x1] =	wrdreg $0xFFFFFFFF  }
0xad: {  	[dreg:$0x0] =	wrdreg $0x60  }
0xae: {  	[dreg:$0x2] =	wrdreg s24  }
0xaf: {  	[dreg:$0x3] =	wrdreg $0xB5400  }
0xb0: {  	[dreg:$0x4] =	wrdreg $0x9  }
0xb1: {  	_ =	task.clear_ibuf [dreg:s6], $0x5FFFF;
	_ =	strace $0x9000004F  }
0xb2: {  	s29 =	simm.s32 $0x9;
	_ =	strace $0x80000051  }
0xb3: {  	_ =	swait.ge [sflag:s29], $0x1  }
0xb4: {  	[sflag:s29] =	ssyncadd.s32 $0xFFFFFFFF  }
0xb5: {  	_ =	strace $0x90000051  }
0xb6: {  	_ =	sfence  }
0xb7: {  	s30 =	sld [smem:$0x0];
	_ =	sdelay $0x2  }
0xb8: {  	s31 =	sshll.u32 s1, $0xD;
	s1 =	sshrl.u32 s1, $0x2  }
0xb9: {  	s3 =	sand.u32 $0x4000, s31;
	s1 =	sadd.s32 s1, s30  }
0xba: {  	s0 =	sor.u32 s3, s0;
	s1 =	sshll.u32 s1, $0x11  }
0xbb: {  	s0 =	sor.u32 s1, s0  }
0xbc: {  	s0 =	sadd.s32 $0x8F2B, s0  }
0xbd: {  	[sflag:s0] =	ssyncadd.remote.s32 $0x1  }
0xbe: {  	_ =	sfence.sel $0xFFFF  }
0xbf: {  	[dreg:$0x0] =	wrdreg $0xFFFFFFFF;
	(pc) =	sbr.abs _section_cstart, $3  }
0xc0: {  	[dreg:$0x1] =	wrdreg $0xFFFFFFFF  }
0xc1: {  	_ =	task.clear_ibuf [dreg:s6], $0x2FFFF;
	_ =	strace $0x9FFFFFFF  }
0xc2: {  	(tm) =	ssettm $0x7FFFFFFF  }
0xc3: {  	_ =	shalt  }
tec
execute0_lowered:
.L_overlay_start_1:
0x0: {  	(tag) =	ssettag $0x1  }
0x1: {  	s5 =	rddreg [dreg:$0x0]  }
0x2: {  	s2 =	rddreg [dreg:$0x1]  }
0x3: {  	s0 =	rddreg [dreg:$0x2];
	s3 =	simm.s32 $0x0;
	s4 =	srdreg.scid  }
0x4: {  	s1 =	stileid.u32;
	s16 =	simm.s32 $0x3;
	s17 =	simm.s32 $0x28A0  }
0x5: {  	s18 =	simm.s32 $0x5140;
	s19 =	simm.s32 $0x64;
	s20 =	simm.s32 $0x68  }
0x6: {  	s21 =	simm.s32 $0x8340;
	s22 =	simm.s32 $0x1;
	s23 =	simm.s32 $0x2  }
0x7: {  	s24 =	simm.s32 $0x5070;
	s25 =	simm.s32 $0x50D8;
	s26 =	simm.s32 $0x0  }
0x8: {  	s6 =	sand.u32 $0x1, s4;
	s29 =	sshll.u32 s1, $0x1;
	s7 =	smul.u32 $0x14000, s1  }
0x9: {  	[smem:$0x7FF] =	sst s3;
	s10 =	smul.u32 $0x50000, s1;
	s4 =	sor.u32 s6, s29  }
0xa: {  	s8 =	smul.u32 $0x140000, s6;
	_ =	strace $0x80000050;
	s6 =	ssub.s32 $0x2, s6  }
0xb: {  	s9 =	smul.u32 $0x514, s4;
	s4 =	sadd.s32 $0x3400, s5;
	s30 =	sshrl.u32 s6, $0x1  }
0xc: {  	s31 =	sshrl.u32 s10, $0x2;
	s8 =	sadd.s32 s7, s8;
	s15 =	ssub.s32 s6, s30  }
0xd: {  	s13 =	sadd.s32 s31, s2;
	s7 =	sadd.s32 s7, s2;
	s9 =	sadd.s32 s9, s5  }
0xe: {  	s8 =	sshrl.u32 s8, $0x3;
	s10 =	sadd.s32 $0x9600, s13;
	s11 =	sadd.s32 $0xC800, s13  }
0xf: {  	s12 =	sadd.s32 $0xFA00, s13;
	s15 =	smax.u32 s15, $0x1;
	s14 =	sadd.s32 s8, s5  }
0x10: {  	s5 =	sadd.s32 $0xEDA00, s9;
	s6 =	sadd.s32 $0xE3600, s9;
	s8 =	sadd.s32 $0x3200, s13  }
0x11: {  	v0 =	vimm.f32 $0.0e+00;
	s9 =	sadd.s32 $0x6400, s13;
	s13 =	sadd.s32 $0x12C00, s13;
	s14 =	sadd.s32 $0x2B400, s14  }
.LBB2_1:
0x12: {  	[tilespmem:s3], [sflag:$0x3] =	stream.linear.gather [hbm4b:s5+s3], $0x28A0, $0x38;
	[tilespmem:$0x1F540] =	vst v63  }
0x13: {  	_ =	swait.ge [sflag:s16], $0x28A0  }
0x14: {  	[sflag:s16] =	ssyncset.done $0x0  }
0x15: {  	[sflag:s16] =	ssyncadd.s32 $0xFFFFD760  }
0x16: {  	[tilespmem:s17], [sflag:$0x3] =	stream.linear.gather [hbm4b:s6+s3], $0x28A0, $0x38;
	[tilespmem:$0x1F540] =	vst v63  }
0x17: {  	_ =	swait.ge [sflag:s16], $0x28A0  }
0x18: {  	[sflag:s16] =	ssyncset.done $0x0  }
0x19: {  	s28 =	simm.s32 $0x0;
	s29 =	simm.s32 $0x200;
	[sflag:s16] =	ssyncadd.s32 $0xFFFFD760  }
.LBB2_2:
0x1a: {  	p0 =	sne.s32 s29, $0xC600;
	[tilespmem:s28+$0x51B0] =	vst v0  }
0x1b: {  	[tilespmem:s28+$0x5140] =	vst v0  }
0x1c: {  	[tilespmem:s28+$0x5150] =	vst v0  }
.Ltmp0:
0x1d: {  	[tilespmem:s28+$0x5160] =	vst v0;
	(pc) =	sbr.rel @p0 .LBB2_2-.Ltmp0, $4  }
0x1e: {  	[tilespmem:s28+$0x5170] =	vst v0  }
0x1f: {  	[tilespmem:s28+$0x5180] =	vst v0  }
0x20: {  	[tilespmem:s28+$0x5190] =	vst v0  }
0x21: {  	[tilespmem:s28+$0x51A0] =	vst v0;
	s28 =	sshra.s32 s29, $0x2;
	s29 =	sadd.s32 $0x200, s29  }
0x22: {  	[tilespmem:s28+$0x51B0] =	vst v0  }
0x23: {  	[tilespmem:s28+$0x5140] =	vst v0  }
0x24: {  	[tilespmem:s28+$0x5150] =	vst v0  }
0x25: {  	[tilespmem:s28+$0x5160] =	vst v0  }
0x26: {  	[tilespmem:s28+$0x5170] =	vst v0  }
0x27: {  	[tilespmem:s28+$0x5180] =	vst v0  }
0x28: {  	[tilespmem:s28+$0x5190] =	vst v0  }
0x29: {  	[tilespmem:s28+$0x51A0] =	vst v0  }
0x2a: {  	[spmem:s7] =	stream.linear.scatter [tilespmem:s18], [sflag:$0x3], $0x3200, $0x38;
	[tilespmem:$0x1F540] =	vst v63  }
0x2b: {  	_ =	swait.ge [sflag:s16], $0x3200  }
0x2c: {  	[sflag:s16] =	ssyncset.done $0x0  }
0x2d: {  	[sflag:s16] =	ssyncadd.s32 $0xFFFFCE00  }
0x2e: {  	[spmem:s8] =	stream.linear.scatter [tilespmem:s18], [sflag:$0x3], $0x3200, $0x38;
	[tilespmem:$0x1F540] =	vst v63  }
0x2f: {  	_ =	swait.ge [sflag:s16], $0x3200  }
0x30: {  	[sflag:s16] =	ssyncset.done $0x0  }
0x31: {  	[sflag:s16] =	ssyncadd.s32 $0xFFFFCE00  }
0x32: {  	[spmem:s9] =	stream.linear.scatter [tilespmem:s18], [sflag:$0x3], $0x3200, $0x38;
	[tilespmem:$0x1F540] =	vst v63  }
0x33: {  	_ =	swait.ge [sflag:s16], $0x3200  }
0x34: {  	[sflag:s16] =	ssyncset.done $0x0  }
0x35: {  	[sflag:s16] =	ssyncadd.s32 $0xFFFFCE00  }
0x36: {  	[spmem:s10] =	stream.linear.scatter [tilespmem:s18], [sflag:$0x3], $0x3200, $0x38;
	[tilespmem:$0x1F540] =	vst v63  }
0x37: {  	_ =	swait.ge [sflag:s16], $0x3200  }
0x38: {  	[sflag:s16] =	ssyncset.done $0x0  }
0x39: {  	[sflag:s16] =	ssyncadd.s32 $0xFFFFCE00  }
0x3a: {  	[spmem:s11] =	stream.linear.scatter [tilespmem:s18], [sflag:$0x3], $0x3200, $0x38;
	[tilespmem:$0x1F540] =	vst v63  }
0x3b: {  	_ =	swait.ge [sflag:s16], $0x3200  }
0x3c: {  	[sflag:s16] =	ssyncset.done $0x0  }
0x3d: {  	[sflag:s16] =	ssyncadd.s32 $0xFFFFCE00  }
0x3e: {  	[spmem:s12] =	stream.linear.scatter [tilespmem:s18], [sflag:$0x3], $0x3200, $0x38;
	[tilespmem:$0x1F540] =	vst v63  }
0x3f: {  	_ =	swait.ge [sflag:s16], $0x3200  }
0x40: {  	[sflag:s16] =	ssyncset.done $0x0  }
0x41: {  	[sflag:s16] =	ssyncadd.s32 $0xFFFFCE00  }
0x42: {  	[spmem:s13] =	stream.linear.scatter [tilespmem:s18], [sflag:$0x3], $0x1400, $0x38;
	[tilespmem:$0x1F540] =	vst v63  }
0x43: {  	_ =	swait.ge [sflag:s16], $0x1400  }
0x44: {  	[sflag:s16] =	ssyncset.done $0x0  }
0x45: {  	[sflag:s16] =	ssyncadd.s32 $0xFFFFEC00  }
0x46: {  	s28 =	simm.s32 $0x0;
	[bflag:$0x0] =	sbarrier.arrive $0xFFFF  }
0x47: {  	[tilespmem:s18], [sflag:$0x1] =	stream.indirect.gather [hbm4b:s4+s19], $0x80, s28, s19, $0xb8;
	[tilespmem:$0x1F540] =	vst v63  }
0x48: {  	_ = 	snop  }
0x49: {  	[tilespmem:s21], [sflag:$0x2] =	stream.indirect.gather [hbm4b:s4+s19], $0x80, s20, s19, $0xb8;
	[tilespmem:$0x1F540] =	vst v63  }
0x4a: {  	_ =	swait.ge [sflag:s22], $0x3200  }
0x4b: {  	[sflag:s22] =	ssyncset.done $0x0  }
0x4c: {  	s28 =	simm.s32 $0x28A0;
	[sflag:s22] =	ssyncadd.s32 $0xFFFFCE00  }
0x4d: {  	[spmem:s2] =	stream.indirect.scatter.add.f32 [tilespmem:s18], [sflag:$0x3], $0x80, s28, s19, $0xb8;
	[tilespmem:$0x1F540] =	vst v63  }
0x4e: {  	_ =	swait.ge [sflag:s16], $0x3200  }
0x4f: {  	[sflag:s16] =	ssyncset.done $0x0  }
0x50: {  	s28 =	simm.s32 $0xD0;
	[sflag:s16] =	ssyncadd.s32 $0xFFFFCE00  }
0x51: {  	[tilespmem:s18], [sflag:$0x1] =	stream.indirect.gather [hbm4b:s4+s19], $0x80, s28, s19, $0xb8;
	[tilespmem:$0x1F540] =	vst v63  }
0x52: {  	_ =	swait.ge [sflag:s23], $0x3200  }
0x53: {  	[sflag:s23] =	ssyncset.done $0x0  }
0x54: {  	s28 =	simm.s32 $0x2908;
	[sflag:s23] =	ssyncadd.s32 $0xFFFFCE00  }
0x55: {  	[spmem:s2] =	stream.indirect.scatter.add.f32 [tilespmem:s21], [sflag:$0x3], $0x80, s28, s19, $0xb8;
	[tilespmem:$0x1F540] =	vst v63  }
0x56: {  	_ =	swait.ge [sflag:s16], $0x3200  }
0x57: {  	[sflag:s16] =	ssyncset.done $0x0  }
0x58: {  	s29 =	simm.s32 $0x138;
	s28 =	simm.s32 $0x340;
	[sflag:s16] =	ssyncadd.s32 $0xFFFFCE00  }
.LBB2_4:
0x59: {  	[tilespmem:s21], [sflag:$0x2] =	stream.indirect.gather [hbm4b:s4+s19], $0x80, s29, s19, $0xb8;
	[tilespmem:$0x1F540] =	vst v63  }
0x5a: {  	s29 =	smov.u32 s28  }
0x5b: {  	p0 =	sne.s32 s28, $0x9C00;
	s28 =	sadd.s32 $0x340, s28;
	_ =	swait.ge [sflag:s22], $0x3200  }
0x5c: {  	s29 =	sshra.s32 s29, $0x2;
	[sflag:s22] =	ssyncset.done $0x0  }
0x5d: {  	s30 =	sadd.s32 $0x28A0, s29;
	[sflag:s22] =	ssyncadd.s32 $0xFFFFCE00  }
0x5e: {  	[spmem:s2] =	stream.indirect.scatter.add.f32 [tilespmem:s18], [sflag:$0x3], $0x80, s30, s19, $0xb8;
	[tilespmem:$0x1F540] =	vst v63  }
0x5f: {  	_ =	swait.ge [sflag:s16], $0x3200  }
0x60: {  	[sflag:s16] =	ssyncset.done $0x0  }
0x61: {  	s30 =	sadd.s32 $0xD0, s29;
	[sflag:s16] =	ssyncadd.s32 $0xFFFFCE00  }
0x62: {  	[tilespmem:s18], [sflag:$0x1] =	stream.indirect.gather [hbm4b:s4+s19], $0x80, s30, s19, $0xb8;
	[tilespmem:$0x1F540] =	vst v63  }
0x63: {  	_ =	swait.ge [sflag:s23], $0x3200  }
0x64: {  	[sflag:s23] =	ssyncset.done $0x0  }
.Ltmp1:
0x65: {  	s30 =	sadd.s32 $0x2908, s29;
	[sflag:s23] =	ssyncadd.s32 $0xFFFFCE00;
	(pc) =	sbr.rel @p0 .LBB2_4-.Ltmp1, $4  }
0x66: {  	[spmem:s2] =	stream.indirect.scatter.add.f32 [tilespmem:s21], [sflag:$0x3], $0x80, s30, s19, $0xb8;
	[tilespmem:$0x1F540] =	vst v63  }
0x67: {  	_ =	swait.ge [sflag:s16], $0x3200  }
0x68: {  	[sflag:s16] =	ssyncset.done $0x0  }
0x69: {  	s29 =	sadd.s32 $0x138, s29;
	[sflag:s16] =	ssyncadd.s32 $0xFFFFCE00  }
0x6a: {  	[tilespmem:s21], [sflag:$0x2] =	stream.indirect.gather [hbm4b:s4+s19], $0x80, s29, s19, $0xb8;
	[tilespmem:$0x1F540] =	vst v63  }
0x6b: {  	_ =	swait.ge [sflag:s22], $0x3200  }
0x6c: {  	[sflag:s22] =	ssyncset.done $0x0  }
0x6d: {  	[sflag:s22] =	ssyncadd.s32 $0xFFFFCE00  }
0x6e: {  	[spmem:s2] =	stream.indirect.scatter.add.f32 [tilespmem:s18], [sflag:$0x3], $0x80, s24, s19, $0xb8;
	[tilespmem:$0x1F540] =	vst v63  }
0x6f: {  	_ =	swait.ge [sflag:s16], $0x3200  }
0x70: {  	[sflag:s16] =	ssyncset.done $0x0  }
0x71: {  	[sflag:s16] =	ssyncadd.s32 $0xFFFFCE00  }
0x72: {  	_ =	swait.ge [sflag:s23], $0x3200  }
0x73: {  	[sflag:s23] =	ssyncset.done $0x0  }
0x74: {  	[sflag:s23] =	ssyncadd.s32 $0xFFFFCE00  }
0x75: {  	[spmem:s2] =	stream.indirect.scatter.add.f32 [tilespmem:s21], [sflag:$0x3], $0x80, s25, s19, $0xb8;
	[tilespmem:$0x1F540] =	vst v63  }
0x76: {  	_ =	swait.ge [sflag:s16], $0x3200  }
0x77: {  	s28 =	sshll.u32 s1, $0x6;
	s26 =	sadd.s32 $0x1, s26;
	[sflag:s16] =	ssyncset.done $0x0  }
0x78: {  	s31 =	sshrl.u32 s7, $0x3;
	p0 =	sne.s32 s26, s15;
	[sflag:s16] =	ssyncadd.s32 $0xFFFFCE00  }
.Ltmp2:
0x79: {  	s28 =	sor.u32 $0x1C03, s28;
	[bflag:$0x0] =	sbarrier.arrive $0xFFFF;
	(pc) =	sbr.rel @p0 .LBB2_1-.Ltmp2, $4  }
0x7a: {  	[hbm:s14], [sflag:s28] =	dma.local [spmem:s31], $0x2800  }
0x7b: {  	_ =	swait.ge [sflag:s16], $0x2800  }
0x7c: {  	[sflag:s16] =	ssyncset.done $0x0  }
0x7d: {  	[sflag:s16] =	ssyncadd.s32 $0xFFFFD800  }
0x7e: {  	_ =	sfence.sel $0x180000  }
0x7f: {  	[bflag:$0x0] =	sbarrier.arrive $0xFFFF  }
0x80: {  	p0 =	sne.s32 s1, $0x0;
	_ =	strace $0x90000050  }
0x81: {  	s0 =	sadd.s32 @!p0 $0x100000, s0;
	[bflag:$0x2] =	sbarrier.arrive $0xFFFF  }
0x82: {  	[sflag:s0] =	ssyncadd.tile.s32 @!p0 $0x1;
	_ =	shalt  }
.Lfunc_end2:
_tile_overlayer_lowered:
.L_overlay_start_2:
0x83: {  	(tag) =	ssettag $0x2  }
0x84: {  	s0 =	rddreg [dreg:$0x0];
	s2 =	stileid.u32  }
0x85: {  	s1 =	rddreg [dreg:$0x1];
	p0 =	sne.s32 s2, $0x0  }
0x86: {  	s3 =	rddreg [dreg:$0x2];
	[bflag:$0x3] =	sbarrier.arrive $0xFFFF;
	s2 =	simm.s32 @!p0 $0x1C03  }
0x87: {  	[timem:s3], [sflag:s2] =	dma.local @!p0 [hbm:s0], s1  }
0x88: {  	s0 =	simm.s32 @!p0 $0x3  }
0x89: {  	_ =	swait.ge @!p0 [sflag:s0], s1  }
0x8a: {  	s1 =	ssub.s32 @!p0 $0x0, s1;
	[sflag:s0] =	ssyncset.done @!p0 $0x0  }
0x8b: {  	[sflag:s0] =	ssyncadd.s32 @!p0 s1  }
0x8c: {  	[bflag:$0x3] =	sbarrier.arrive $0xFFFF  }
0x8d: {  	_ =	shalt  }

// kernel: sc_tok_scatter.3.cloned.1.call-start
scs
__scs_entry_jumppad:
0x0: {  	(pc) =	sbr.rel $0x88, $3  }
0x1: {  	(tag) =	ssettag $0x0;
	lr =	simm.s32 $0x1  }
0x2: {  	[smem:$0x3F97] =	sst lr;
	_ =	strace $0xD0000000  }
0x3: {  	_ = 	snop  }
0x4: {  	_ = 	snop  }
0x5: {  	_ = 	snop  }
0x6: {  	_ = 	snop  }
0x7: {  	_ = 	snop  }
__scs_overlays_trampoline_lowered:
0x8: {  	[smem:$0x3FA6] =	sst s0  }
0x9: {  	[smem:$0x3FA7] =	sst s1  }
0xa: {  	[smem:$0x3FA8] =	sst s2  }
0xb: {  	[smem:$0x3FA9] =	sst s3  }
0xc: {  	[smem:$0x3FAA] =	sst s4  }
0xd: {  	[smem:$0x3FAB] =	sst s5  }
0xe: {  	[smem:$0x3FAC] =	sst s6  }
0xf: {  	[smem:$0x3FAD] =	sst s7  }
0x10: {  	[smem:$0x3FAE] =	sst s8  }
0x11: {  	[smem:$0x3FAF] =	sst s9;
	s0 =	simm.s32 @!p0 $0x0  }
0x12: {  	s1 =	sld [smem:$0x3F95];
	s0 =	simm.s32 @p0 $0x1  }
0x13: {  	[smem:$0x3FB0] =	sst s0;
	s0 =	simm.s32 @!p1 $0x0  }
0x14: {  	s2 =	sld [smem:$0x3F94];
	s0 =	simm.s32 @p1 $0x1  }
0x15: {  	[smem:$0x3FB1] =	sst s0;
	s0 =	simm.s32 @!p2 $0x0  }
0x16: {  	s3 =	sld [smem:$0x3FDB];
	s0 =	simm.s32 @p2 $0x1  }
0x17: {  	s4 =	simm.s32 $0x1BF5;
	[smem:$0x3FB3] =	sst s0  }
0x18: {  	s0 =	sld [smem:$0x3F96];
	_ =	swait.ge [sflag:s4], $0x0  }
0x19: {  	s7 =	sld [smem:$0x3F97]  }
0x1a: {  	s8 =	sadd.s32 $0xFFFFE003, lr  }
0x1b: {  	s9 =	sadd.s32 $0xFFFFFEF7, lr;
	s5 =	simm.s32 $0xFFFFFFFF;
	p2 =	slt.u32 s8, $0xFFFFF086  }
0x1c: {  	p1 =	slt.u32 s9, $0xF7A;
	s5 =	simm.s32 @!p2 $0x0  }
0x1d: {  	s5 =	simm.s32 @p1 $0x1;
	p0 =	seq.s32 s7, s2  }
0x1e: {  	s7 =	smul.u32 @!p0 $0xF7A, s2;
	p2 =	seq.s32 @!p0 s5, $0x0  }
0x1f: {  	s9 =	smul.u32 $0xF7A, s1;
	s8 =	simm.s32 @!p0 $0x1BF5;
	p2 =	por !p2, p0  }
0x20: {  	[sflag:s8] =	ssyncset.s32 @!p0 $0xFFFFF086;
	s6 =	sadd.s32 @!p0 s3, s7;
	s7 =	simm.s32 @!p0 $0x108  }
0x21: {  	s3 =	sadd.s32 s3, s9;
	s6 =	sadd.s32 @!p0 $0x88, s6;
	s7 =	simm.s32 @p2 $0x1082  }
0x22: {  	[simem:s7], [sflag:s8] =	dma.local @!p0 [hbm:s6], $0xF7A  }
0x23: {  	s9 =	sor.u32 $0xD0000000, s2;
	s6 =	simm.s32 $0x108;
	_ =	swait.ge @!p0 [sflag:s8], $0x0  }
0x24: {  	s3 =	sadd.s32 $0x88, s3;
	s6 =	simm.s32 @!p1 $0x1082;
	[sflag:s4] =	ssyncset.s32 $0xFFFFF086  }
0x25: {  	[simem:s6], [sflag:s4] =	dma.local [hbm:s3], $0xF7A  }
0x26: {  	[smem:$0x3F97] =	sst s1;
	(tag) =	ssettag s2;
	_ =	strace s9  }
0x27: {  	s1 =	sld [smem:$0x3FA7]  }
0x28: {  	s2 =	sld [smem:$0x3FA8]  }
0x29: {  	s4 =	sld [smem:$0x3FAA]  }
0x2a: {  	p0 =	seq.s32 s5, $0x0;
	s5 =	sld [smem:$0x3FAB]  }
0x2b: {  	s6 =	sld [smem:$0x3FAC]  }
0x2c: {  	s7 =	sld [smem:$0x3FAD]  }
0x2d: {  	s3 =	simm.s32 $0x108;
	s8 =	sld [smem:$0x3FAE]  }
0x2e: {  	s3 =	simm.s32 @!p0 $0x1082;
	s9 =	sld [smem:$0x3FAF]  }
0x2f: {  	lr =	sadd.s32 s0, s3;
	s0 =	sld [smem:$0x3FA6]  }
0x30: {  	s3 =	sld [smem:$0x3FA9]  }
0x31: {  	[smem:$0x3FB2] =	sst s10  }
0x32: {  	s10 =	sld [smem:$0x3FB0];
	_ =	sdelay $0x3  }
0x33: {  	p0 =	seq.s32 s10, $0x1;
	s10 =	sld [smem:$0x3FB2];
	_ =	sdelay $0x3  }
0x34: {  	[smem:$0x3FB2] =	sst s10  }
0x35: {  	s10 =	sld [smem:$0x3FB1];
	_ =	sdelay $0x3  }
0x36: {  	p1 =	seq.s32 s10, $0x1;
	s10 =	sld [smem:$0x3FB2];
	_ =	sdelay $0x3  }
0x37: {  	[smem:$0x3FB2] =	sst s10  }
0x38: {  	s10 =	sld [smem:$0x3FB3]  }
0x39: {  	_ = 	snop;
	(pc) =	sbr.ind lr, $3  }
0x3a: {  	_ = 	snop  }
0x3b: {  	_ = 	snop  }
0x3c: {  	p2 =	seq.s32 s10, $0x1;
	s10 =	sld [smem:$0x3FB2]  }
0x3d: {  	_ =	shalt  }
0x3e: {  	_ =	shalt  }
0x3f: {  	_ =	shalt  }
0x40: {  	_ =	shalt  }
0x41: {  	_ =	shalt  }
0x42: {  	_ =	shalt  }
0x43: {  	_ =	shalt  }
0x44: {  	_ =	shalt  }
0x45: {  	_ =	shalt  }
0x46: {  	_ =	shalt  }
0x47: {  	_ =	shalt  }
0x48: {  	_ =	shalt  }
0x49: {  	_ =	shalt  }
0x4a: {  	_ =	shalt  }
0x4b: {  	_ =	shalt  }
0x4c: {  	_ =	shalt  }
0x4d: {  	_ =	shalt  }
0x4e: {  	_ =	shalt  }
0x4f: {  	_ =	shalt  }
0x50: {  	_ =	shalt  }
0x51: {  	_ =	shalt  }
0x52: {  	_ =	shalt  }
0x53: {  	_ =	shalt  }
0x54: {  	_ =	shalt  }
0x55: {  	_ =	shalt  }
0x56: {  	_ =	shalt  }
0x57: {  	_ =	shalt  }
0x58: {  	_ =	shalt  }
0x59: {  	_ =	shalt  }
0x5a: {  	_ =	shalt  }
0x5b: {  	_ =	shalt  }
0x5c: {  	_ =	shalt  }
0x5d: {  	_ =	shalt  }
0x5e: {  	_ =	shalt  }
0x5f: {  	_ =	shalt  }
0x60: {  	_ =	shalt  }
0x61: {  	_ =	shalt  }
0x62: {  	_ =	shalt  }
0x63: {  	_ =	shalt  }
0x64: {  	_ =	shalt  }
0x65: {  	_ =	shalt  }
0x66: {  	_ =	shalt  }
0x67: {  	_ =	shalt  }
0x68: {  	_ =	shalt  }
0x69: {  	_ =	shalt  }
0x6a: {  	_ =	shalt  }
0x6b: {  	_ =	shalt  }
0x6c: {  	_ =	shalt  }
0x6d: {  	_ =	shalt  }
0x6e: {  	_ =	shalt  }
0x6f: {  	_ =	shalt  }
0x70: {  	_ =	shalt  }
0x71: {  	_ =	shalt  }
0x72: {  	_ =	shalt  }
0x73: {  	_ =	shalt  }
0x74: {  	_ =	shalt  }
0x75: {  	_ =	shalt  }
0x76: {  	_ =	shalt  }
0x77: {  	_ =	shalt  }
0x78: {  	_ =	shalt  }
0x79: {  	_ =	shalt  }
0x7a: {  	_ =	shalt  }
0x7b: {  	_ =	shalt  }
0x7c: {  	_ =	shalt  }
0x7d: {  	_ =	shalt  }
0x7e: {  	_ =	shalt  }
0x7f: {  	_ =	shalt  }
0x80: {  	_ =	shalt  }
0x81: {  	_ =	shalt  }
0x82: {  	_ =	shalt  }
0x83: {  	_ =	shalt  }
0x84: {  	_ =	shalt  }
0x85: {  	_ =	shalt  }
0x86: {  	_ =	shalt  }
0x87: {  	_ =	shalt  }
.Lfunc_end0:
.L_simem_size_0:
called_computation.1_lowered:
.L_overlay_start_0:
0x88: {  	s2 =	sld [smem:$0x3FD9]  }
0x89: {  	s3 =	sld [smem:$0x3FFE];
	_ =	sdelay $0x1  }
0x8a: {  	s1 =	srdreg.scid  }
0x8b: {  	s0 =	sand.u32 $0x1, s1  }
0x8c: {  	s17 =	sshll.u32 s0, $0xA;
	s2 =	sadd.s32 s3, s2  }
0x8d: {  	s2 =	sadd.s32 s2, s17  }
0x8e: {  	[smem:$0x3FBE] =	sst s2  }
0x8f: {  	_ = 	snop  }
0x90: {  	(tm) =	ssettm $0x1  }
0x91: {  	s18 =	sld [smem:$0x3FFB];
	_ =	sdelay $0x3  }
0x92: {  	_ =	strace s18  }
0x93: {  	s2 =	sld [smem:$0x3FFC];
	_ =	sdelay $0x3  }
0x94: {  	_ =	strace s2  }
0x95: {  	s2 =	sld [smem:$0x3FFD];
	_ =	sdelay $0x3  }
0x96: {  	_ =	strace s2  }
0x97: {  	_ =	strace $0x8FFFFFFF  }
0x98: {  	s19 =	sld [smem:$0x3FDB];
	_ =	sdelay $0x1  }
0x99: {  	s20 =	simm.s32 $_scs_section_size  }
0x9a: {  	s4 =	simm.s32 $_size__tile_overlayer_lowered;
	s5 =	simm.s32 $_tile_overlayer_lowered  }
0x9b: {  	s6 =	simm.s32 $0x1BFF;
	s21 =	sshll.u32 s5, $0x1;
	s3 =	sadd.s32 s20, s19  }
0x9c: {  	s22 =	simm.s32 $0x0;
	s4 =	sshll.u32 s4, $0x1;
	s5 =	sadd.s32 s21, s3  }
0x9d: {  	[timem:s22], [sflag:s6] =	dma.local [hbm:s5], s4  }
0x9e: {  	_ =	swait.ge [sflag:s6], s4  }
0x9f: {  	s4 =	ssub.s32 $0x0, s4;
	[sflag:s6] =	ssyncset.done $0x0  }
0xa0: {  	[sflag:s6] =	ssyncadd.s32 s4;
	_ =	sdelay $0x1  }
0xa1: {  	s23 =	simm.s32 $0x1B8B  }
0xa2: {  	_ =	swait.ge [sflag:s23], $0x1  }
0xa3: {  	[sflag:s23] =	ssyncset.done $0x0  }
0xa4: {  	[sflag:s23] =	ssyncadd.s32 $0xFFFFFFFF  }
0xa5: {  	s4 =	sld [smem:$0x0]  }
0xa6: {  	s5 =	sand.u32 $0xFFFFFFFE, s1  }
0xa7: {  	p0 =	sne.s32 s1, s5  }
0xa8: {  	s5 =	sshll.u32 @p0 s5, $0xE  }
0xa9: {  	s5 =	sadd.s32 @p0 $0x11B8D, s5;
	s6 =	sshll.u32 @p0 s4, $0x11  }
0xaa: {  	s5 =	sor.u32 @p0 s6, s5  }
0xab: {  	[sflag:s5] =	ssyncadd.remote.s32 @p0 $0x1;
	_ =	sdelay $0x1  }
0xac: {  	s5 =	simm.s32 @p0 $0x1B8D  }
0xad: {  	_ =	swait.eq @p0 [sflag:s5], $0x1  }
0xae: {  	[sflag:s5] =	ssyncadd.s32 @p0 $0xFFFFFFFF  }
0xaf: {  	s6 =	sshll.u32 @!p0 s1, $0xE  }
0xb0: {  	s6 =	sor.u32 @!p0 $0x4000, s6;
	s5 =	simm.s32 @!p0 $0x1B8D  }
0xb1: {  	s4 =	sshll.u32 @!p0 s4, $0x11;
	s6 =	sadd.s32 @!p0 $0x11B8D, s6;
	_ =	swait.eq @!p0 [sflag:s5], $0x1  }
0xb2: {  	s4 =	sor.u32 @!p0 s4, s6;
	[sflag:s5] =	ssyncadd.s32 @!p0 $0xFFFFFFFF  }
0xb3: {  	s25 =	simm.s32 $0x1B8E;
	s24 =	sld [smem:$0x3FFE];
	[sflag:s4] =	ssyncadd.remote.s32 @!p0 $0x1  }
0xb4: {  	s26 =	simm.s32 $execute0_lowered;
	[smem:$0x3FD2] =	sst s25  }
0xb5: {  	s5 =	sshll.u32 s26, $0x1;
	_ =	strace $0x80000049;
	[dreg:$0x1] =	wrdreg $0xFFFFFFFF  }
0xb6: {  	s28 =	simm.s32 $_size_execute0_lowered;
	s3 =	sadd.s32 s3, s5;
	[dreg:$0x0] =	wrdreg $0x0  }
0xb7: {  	s5 =	sshll.u32 s28, $0x1;
	[dreg:$0x2] =	wrdreg s3  }
0xb8: {  	[dreg:$0x3] =	wrdreg s5  }
0xb9: {  	[dreg:$0x4] =	wrdreg $0xC0  }
0xba: {  	_ =	task [dreg:s22], $0x5FFFF  }
0xbb: {  	[dreg:$0x1] =	wrdreg $0xFFFFFFFF  }
0xbc: {  	[dreg:$0x0] =	wrdreg $0x60  }
0xbd: {  	[dreg:$0x2] =	wrdreg s24  }
0xbe: {  	[dreg:$0x3] =	wrdreg $0x94000  }
0xbf: {  	[dreg:$0x4] =	wrdreg $0xA  }
0xc0: {  	_ =	task.clear_ibuf [dreg:s22], $0x5FFFF;
	_ =	strace $0x90000049  }
0xc1: {  	s29 =	simm.s32 $0xA;
	_ =	strace $0x8000004B  }
0xc2: {  	_ =	swait.ge [sflag:s29], $0x1  }
0xc3: {  	[sflag:s29] =	ssyncadd.s32 $0xFFFFFFFF  }
0xc4: {  	_ =	strace $0x9000004B  }
0xc5: {  	_ =	sfence  }
0xc6: {  	s30 =	sld [smem:$0x0];
	_ =	sdelay $0x2  }
0xc7: {  	s31 =	sshll.u32 s1, $0xD;
	s1 =	sshrl.u32 s1, $0x2  }
0xc8: {  	s4 =	sand.u32 $0x4000, s31;
	s1 =	sadd.s32 s1, s30  }
0xc9: {  	s0 =	sor.u32 s4, s0;
	s1 =	sshll.u32 s1, $0x11  }
0xca: {  	s0 =	sor.u32 s1, s0  }
0xcb: {  	s0 =	sadd.s32 $0x8F2B, s0  }
0xcc: {  	[sflag:s0] =	ssyncadd.remote.s32 $0x1  }
0xcd: {  	_ =	sfence.sel $0xFFFF  }
0xce: {  	[dreg:$0x0] =	wrdreg $0xFFFFFFFF;
	(pc) =	sbr.abs _section_cstart, $3  }
0xcf: {  	[dreg:$0x1] =	wrdreg $0xFFFFFFFF  }
0xd0: {  	_ =	task.clear_ibuf [dreg:s22], $0x2FFFF;
	_ =	strace $0x9FFFFFFF  }
0xd1: {  	(tm) =	ssettm $0x7FFFFFFF  }
tec
execute0_lowered:
.L_overlay_start_1:
0x0: {  	(tag) =	ssettag $0x1  }
0x1: {  	s0 =	rddreg [dreg:$0x0]  }
0x2: {  	s2 =	rddreg [dreg:$0x1]  }
0x3: {  	s1 =	srdreg.scid;
	s8 =	stileid.u32;
	s3 =	simm.s32 $0x0  }
0x4: {  	s14 =	simm.s32 $0x3;
	s15 =	simm.s32 $0xA00;
	s16 =	simm.s32 $0x1400  }
0x5: {  	s17 =	simm.s32 $0x80;
	s18 =	simm.s32 $0x5400;
	s19 =	simm.s32 $0x1  }
0x6: {  	s21 =	simm.s32 $0x2;
	s25 =	simm.s32 $0x800;
	s28 =	simm.s32 $0x880  }
0x7: {  	s29 =	simm.s32 $0x1200;
	s30 =	simm.s32 $0x900;
	s31 =	simm.s32 $0x1280  }
0x8: {  	s20 =	simm.s32 $0x1380;
	s1 =	sand.u32 $0x1, s1;
	s7 =	smul.u32 $0x14000, s8  }
0x9: {  	[smem:$0x7FF] =	sst s3;
	s4 =	sshll.u32 s8, $0x1;
	s8 =	smul.u32 $0x50000, s8  }
0xa: {  	s22 =	simm.s32 $0x0;
	s5 =	smul.u32 $0x140000, s1;
	_ =	strace $0x8000004A  }
0xb: {  	s6 =	sor.u32 s1, s4;
	s4 =	sadd.s32 $0x19A00, s0;
	s1 =	ssub.s32 $0x2, s1  }
0xc: {  	s6 =	smul.u32 $0x140, s6;
	s26 =	sshrl.u32 s1, $0x1;
	s8 =	sshrl.u32 s8, $0x2  }
0xd: {  	s5 =	sadd.s32 s7, s5;
	s1 =	ssub.s32 s1, s26;
	s7 =	sadd.s32 s7, s2  }
0xe: {  	s11 =	sadd.s32 s8, s2;
	s26 =	simm.s32 $0x1180;
	s5 =	sshrl.u32 s5, $0x3  }
0xf: {  	s6 =	sadd.s32 s6, s0;
	s8 =	sadd.s32 $0x4000, s11;
	s9 =	sadd.s32 $0x8000, s11  }
0x10: {  	s10 =	sadd.s32 $0xC000, s11;
	s11 =	sadd.s32 $0x10000, s11;
	s13 =	smax.u32 s1, $0x1  }
0x11: {  	s1 =	simm.s32 $0x1300;
	s0 =	sadd.s32 s5, s0;
	s5 =	sadd.s32 $0x17200, s6  }
0x12: {  	v0 =	vimm.f32 $0.0e+00;
	s6 =	sadd.s32 $0x90E00, s6;
	s12 =	sadd.s32 $0x93600, s0;
	s0 =	simm.s32 $0x980  }
.LBB2_1:
0x13: {  	[tilespmem:s3], [sflag:$0x3] =	stream.linear.gather [hbm4b:s5+s3], $0xA00, $0x38;
	[tilespmem:$0x1D400] =	vst v63  }
0x14: {  	_ =	swait.ge [sflag:s14], $0xA00  }
0x15: {  	[sflag:s14] =	ssyncset.done $0x0  }
0x16: {  	[sflag:s14] =	ssyncadd.s32 $0xFFFFF600  }
0x17: {  	[tilespmem:s15], [sflag:$0x3] =	stream.linear.gather [hbm4b:s6+s3], $0xA00, $0x38;
	[tilespmem:$0x1D400] =	vst v63  }
0x18: {  	_ =	swait.ge [sflag:s14], $0xA00  }
0x19: {  	[sflag:s14] =	ssyncset.done $0x0  }
0x1a: {  	s23 =	simm.s32 $0x0;
	s24 =	simm.s32 $0x200;
	[sflag:s14] =	ssyncadd.s32 $0xFFFFF600  }
.LBB2_2:
0x1b: {  	p0 =	sne.s32 s24, $0xFE00;
	[tilespmem:s23+$0x1470] =	vst v0  }
0x1c: {  	[tilespmem:s23+$0x1400] =	vst v0  }
0x1d: {  	[tilespmem:s23+$0x1410] =	vst v0  }
.Ltmp0:
0x1e: {  	[tilespmem:s23+$0x1420] =	vst v0;
	(pc) =	sbr.rel @p0 .LBB2_2-.Ltmp0, $4  }
0x1f: {  	[tilespmem:s23+$0x1430] =	vst v0  }
0x20: {  	[tilespmem:s23+$0x1440] =	vst v0  }
0x21: {  	[tilespmem:s23+$0x1450] =	vst v0  }
0x22: {  	[tilespmem:s23+$0x1460] =	vst v0;
	s23 =	sshra.s32 s24, $0x2;
	s24 =	sadd.s32 $0x200, s24  }
0x23: {  	[tilespmem:s23+$0x1470] =	vst v0  }
0x24: {  	[tilespmem:s23+$0x1400] =	vst v0  }
0x25: {  	[tilespmem:s23+$0x1410] =	vst v0  }
0x26: {  	[tilespmem:s23+$0x1420] =	vst v0  }
0x27: {  	[tilespmem:s23+$0x1430] =	vst v0  }
0x28: {  	[tilespmem:s23+$0x1440] =	vst v0  }
0x29: {  	[tilespmem:s23+$0x1450] =	vst v0  }
0x2a: {  	[tilespmem:s23+$0x1460] =	vst v0  }
0x2b: {  	[spmem:s7] =	stream.linear.scatter [tilespmem:s16], [sflag:$0x3], $0x4000, $0x38;
	[tilespmem:$0x1D400] =	vst v63  }
0x2c: {  	_ =	swait.ge [sflag:s14], $0x4000  }
0x2d: {  	[sflag:s14] =	ssyncset.done $0x0  }
0x2e: {  	[sflag:s14] =	ssyncadd.s32 $0xFFFFC000  }
0x2f: {  	[spmem:s8] =	stream.linear.scatter [tilespmem:s16], [sflag:$0x3], $0x4000, $0x38;
	[tilespmem:$0x1D400] =	vst v63  }
0x30: {  	_ =	swait.ge [sflag:s14], $0x4000  }
0x31: {  	[sflag:s14] =	ssyncset.done $0x0  }
0x32: {  	[sflag:s14] =	ssyncadd.s32 $0xFFFFC000  }
0x33: {  	[spmem:s9] =	stream.linear.scatter [tilespmem:s16], [sflag:$0x3], $0x4000, $0x38;
	[tilespmem:$0x1D400] =	vst v63  }
0x34: {  	_ =	swait.ge [sflag:s14], $0x4000  }
0x35: {  	[sflag:s14] =	ssyncset.done $0x0  }
0x36: {  	[sflag:s14] =	ssyncadd.s32 $0xFFFFC000  }
0x37: {  	[spmem:s10] =	stream.linear.scatter [tilespmem:s16], [sflag:$0x3], $0x4000, $0x38;
	[tilespmem:$0x1D400] =	vst v63  }
0x38: {  	_ =	swait.ge [sflag:s14], $0x4000  }
0x39: {  	[sflag:s14] =	ssyncset.done $0x0  }
0x3a: {  	[sflag:s14] =	ssyncadd.s32 $0xFFFFC000  }
0x3b: {  	[spmem:s11] =	stream.linear.scatter [tilespmem:s16], [sflag:$0x3], $0x4000, $0x38;
	[tilespmem:$0x1D400] =	vst v63  }
0x3c: {  	_ =	swait.ge [sflag:s14], $0x4000  }
0x3d: {  	[sflag:s14] =	ssyncset.done $0x0  }
0x3e: {  	[sflag:s14] =	ssyncadd.s32 $0xFFFFC000  }
0x3f: {  	[bflag:$0x0] =	sbarrier.arrive $0xFFFF  }
0x40: {  	[tilespmem:s16], [sflag:$0x1] =	stream.indirect.gather [hbm4b:s4+s17], $0x80, s3, s17, $0xb8;
	[tilespmem:$0x1D400] =	vst v63  }
0x41: {  	_ = 	snop  }
0x42: {  	[tilespmem:s18], [sflag:$0x2] =	stream.indirect.gather [hbm4b:s4+s17], $0x80, s17, s17, $0xb8;
	[tilespmem:$0x1D400] =	vst v63  }
0x43: {  	_ =	swait.ge [sflag:s19], $0x4000  }
0x44: {  	[sflag:s19] =	ssyncset.done $0x0  }
0x45: {  	[sflag:s19] =	ssyncadd.s32 $0xFFFFC000  }
0x46: {  	[spmem:s2] =	stream.indirect.scatter.add.f32 [tilespmem:s16], [sflag:$0x3], $0x80, s15, s17, $0xb8;
	[tilespmem:$0x1D400] =	vst v63  }
0x47: {  	_ =	swait.ge [sflag:s14], $0x4000  }
0x48: {  	[sflag:s14] =	ssyncset.done $0x0  }
0x49: {  	s24 =	simm.s32 $0x100;
	[sflag:s14] =	ssyncadd.s32 $0xFFFFC000  }
0x4a: {  	[tilespmem:s16], [sflag:$0x1] =	stream.indirect.gather [hbm4b:s4+s17], $0x80, s24, s17, $0xb8;
	[tilespmem:$0x1D400] =	vst v63  }
0x4b: {  	_ =	swait.ge [sflag:s21], $0x4000  }
0x4c: {  	[sflag:s21] =	ssyncset.done $0x0  }
0x4d: {  	s24 =	simm.s32 $0xA80;
	[sflag:s21] =	ssyncadd.s32 $0xFFFFC000  }
0x4e: {  	[spmem:s2] =	stream.indirect.scatter.add.f32 [tilespmem:s18], [sflag:$0x3], $0x80, s24, s17, $0xb8;
	[tilespmem:$0x1D400] =	vst v63  }
0x4f: {  	_ =	swait.ge [sflag:s14], $0x4000  }
0x50: {  	[sflag:s14] =	ssyncset.done $0x0  }
0x51: {  	s24 =	simm.s32 $0x180;
	[sflag:s14] =	ssyncadd.s32 $0xFFFFC000  }
0x52: {  	[tilespmem:s18], [sflag:$0x2] =	stream.indirect.gather [hbm4b:s4+s17], $0x80, s24, s17, $0xb8;
	[tilespmem:$0x1D400] =	vst v63  }
0x53: {  	_ =	swait.ge [sflag:s19], $0x4000  }
0x54: {  	[sflag:s19] =	ssyncset.done $0x0  }
0x55: {  	s24 =	simm.s32 $0xB00;
	[sflag:s19] =	ssyncadd.s32 $0xFFFFC000  }
0x56: {  	[spmem:s2] =	stream.indirect.scatter.add.f32 [tilespmem:s16], [sflag:$0x3], $0x80, s24, s17, $0xb8;
	[tilespmem:$0x1D400] =	vst v63  }
0x57: {  	_ =	swait.ge [sflag:s14], $0x4000  }
0x58: {  	[sflag:s14] =	ssyncset.done $0x0  }
0x59: {  	s24 =	simm.s32 $0x200;
	[sflag:s14] =	ssyncadd.s32 $0xFFFFC000  }
0x5a: {  	[tilespmem:s16], [sflag:$0x1] =	stream.indirect.gather [hbm4b:s4+s17], $0x80, s24, s17, $0xb8;
	[tilespmem:$0x1D400] =	vst v63  }
0x5b: {  	_ =	swait.ge [sflag:s21], $0x4000  }
0x5c: {  	[sflag:s21] =	ssyncset.done $0x0  }
0x5d: {  	s24 =	simm.s32 $0xB80;
	[sflag:s21] =	ssyncadd.s32 $0xFFFFC000  }
0x5e: {  	[spmem:s2] =	stream.indirect.scatter.add.f32 [tilespmem:s18], [sflag:$0x3], $0x80, s24, s17, $0xb8;
	[tilespmem:$0x1D400] =	vst v63  }
0x5f: {  	_ =	swait.ge [sflag:s14], $0x4000  }
0x60: {  	[sflag:s14] =	ssyncset.done $0x0  }
0x61: {  	s24 =	simm.s32 $0x280;
	[sflag:s14] =	ssyncadd.s32 $0xFFFFC000  }
0x62: {  	[tilespmem:s18], [sflag:$0x2] =	stream.indirect.gather [hbm4b:s4+s17], $0x80, s24, s17, $0xb8;
	[tilespmem:$0x1D400] =	vst v63  }
0x63: {  	_ =	swait.ge [sflag:s19], $0x4000  }
0x64: {  	[sflag:s19] =	ssyncset.done $0x0  }
0x65: {  	s24 =	simm.s32 $0xC00;
	[sflag:s19] =	ssyncadd.s32 $0xFFFFC000  }
0x66: {  	[spmem:s2] =	stream.indirect.scatter.add.f32 [tilespmem:s16], [sflag:$0x3], $0x80, s24, s17, $0xb8;
	[tilespmem:$0x1D400] =	vst v63  }
0x67: {  	_ =	swait.ge [sflag:s14], $0x4000  }
0x68: {  	[sflag:s14] =	ssyncset.done $0x0  }
0x69: {  	s24 =	simm.s32 $0x300;
	[sflag:s14] =	ssyncadd.s32 $0xFFFFC000  }
0x6a: {  	[tilespmem:s16], [sflag:$0x1] =	stream.indirect.gather [hbm4b:s4+s17], $0x80, s24, s17, $0xb8;
	[tilespmem:$0x1D400] =	vst v63  }
0x6b: {  	_ =	swait.ge [sflag:s21], $0x4000  }
0x6c: {  	[sflag:s21] =	ssyncset.done $0x0  }
0x6d: {  	s24 =	simm.s32 $0xC80;
	[sflag:s21] =	ssyncadd.s32 $0xFFFFC000  }
0x6e: {  	[spmem:s2] =	stream.indirect.scatter.add.f32 [tilespmem:s18], [sflag:$0x3], $0x80, s24, s17, $0xb8;
	[tilespmem:$0x1D400] =	vst v63  }
0x6f: {  	_ =	swait.ge [sflag:s14], $0x4000  }
0x70: {  	[sflag:s14] =	ssyncset.done $0x0  }
0x71: {  	s24 =	simm.s32 $0x380;
	[sflag:s14] =	ssyncadd.s32 $0xFFFFC000  }
0x72: {  	[tilespmem:s18], [sflag:$0x2] =	stream.indirect.gather [hbm4b:s4+s17], $0x80, s24, s17, $0xb8;
	[tilespmem:$0x1D400] =	vst v63  }
0x73: {  	_ =	swait.ge [sflag:s19], $0x4000  }
0x74: {  	[sflag:s19] =	ssyncset.done $0x0  }
0x75: {  	s24 =	simm.s32 $0xD00;
	[sflag:s19] =	ssyncadd.s32 $0xFFFFC000  }
0x76: {  	[spmem:s2] =	stream.indirect.scatter.add.f32 [tilespmem:s16], [sflag:$0x3], $0x80, s24, s17, $0xb8;
	[tilespmem:$0x1D400] =	vst v63  }
0x77: {  	_ =	swait.ge [sflag:s14], $0x4000  }
0x78: {  	[sflag:s14] =	ssyncset.done $0x0  }
0x79: {  	s24 =	simm.s32 $0x400;
	[sflag:s14] =	ssyncadd.s32 $0xFFFFC000  }
0x7a: {  	[tilespmem:s16], [sflag:$0x1] =	stream.indirect.gather [hbm4b:s4+s17], $0x80, s24, s17, $0xb8;
	[tilespmem:$0x1D400] =	vst v63  }
0x7b: {  	_ =	swait.ge [sflag:s21], $0x4000  }
0x7c: {  	[sflag:s21] =	ssyncset.done $0x0  }
0x7d: {  	s24 =	simm.s32 $0xD80;
	[sflag:s21] =	ssyncadd.s32 $0xFFFFC000  }
0x7e: {  	[spmem:s2] =	stream.indirect.scatter.add.f32 [tilespmem:s18], [sflag:$0x3], $0x80, s24, s17, $0xb8;
	[tilespmem:$0x1D400] =	vst v63  }
0x7f: {  	_ =	swait.ge [sflag:s14], $0x4000  }
0x80: {  	[sflag:s14] =	ssyncset.done $0x0  }
0x81: {  	s24 =	simm.s32 $0x480;
	[sflag:s14] =	ssyncadd.s32 $0xFFFFC000  }
0x82: {  	[tilespmem:s18], [sflag:$0x2] =	stream.indirect.gather [hbm4b:s4+s17], $0x80, s24, s17, $0xb8;
	[tilespmem:$0x1D400] =	vst v63  }
0x83: {  	_ =	swait.ge [sflag:s19], $0x4000  }
0x84: {  	[sflag:s19] =	ssyncset.done $0x0  }
0x85: {  	s24 =	simm.s32 $0xE00;
	[sflag:s19] =	ssyncadd.s32 $0xFFFFC000  }
0x86: {  	[spmem:s2] =	stream.indirect.scatter.add.f32 [tilespmem:s16], [sflag:$0x3], $0x80, s24, s17, $0xb8;
	[tilespmem:$0x1D400] =	vst v63  }
0x87: {  	_ =	swait.ge [sflag:s14], $0x4000  }
0x88: {  	[sflag:s14] =	ssyncset.done $0x0  }
0x89: {  	s24 =	simm.s32 $0x500;
	[sflag:s14] =	ssyncadd.s32 $0xFFFFC000  }
0x8a: {  	[tilespmem:s16], [sflag:$0x1] =	stream.indirect.gather [hbm4b:s4+s17], $0x80, s24, s17, $0xb8;
	[tilespmem:$0x1D400] =	vst v63  }
0x8b: {  	_ =	swait.ge [sflag:s21], $0x4000  }
0x8c: {  	[sflag:s21] =	ssyncset.done $0x0  }
0x8d: {  	s24 =	simm.s32 $0xE80;
	[sflag:s21] =	ssyncadd.s32 $0xFFFFC000  }
0x8e: {  	[spmem:s2] =	stream.indirect.scatter.add.f32 [tilespmem:s18], [sflag:$0x3], $0x80, s24, s17, $0xb8;
	[tilespmem:$0x1D400] =	vst v63  }
0x8f: {  	_ =	swait.ge [sflag:s14], $0x4000  }
0x90: {  	[sflag:s14] =	ssyncset.done $0x0  }
0x91: {  	s24 =	simm.s32 $0x580;
	[sflag:s14] =	ssyncadd.s32 $0xFFFFC000  }
0x92: {  	[tilespmem:s18], [sflag:$0x2] =	stream.indirect.gather [hbm4b:s4+s17], $0x80, s24, s17, $0xb8;
	[tilespmem:$0x1D400] =	vst v63  }
0x93: {  	_ =	swait.ge [sflag:s19], $0x4000  }
0x94: {  	[sflag:s19] =	ssyncset.done $0x0  }
0x95: {  	s24 =	simm.s32 $0xF00;
	[sflag:s19] =	ssyncadd.s32 $0xFFFFC000  }
0x96: {  	[spmem:s2] =	stream.indirect.scatter.add.f32 [tilespmem:s16], [sflag:$0x3], $0x80, s24, s17, $0xb8;
	[tilespmem:$0x1D400] =	vst v63  }
0x97: {  	_ =	swait.ge [sflag:s14], $0x4000  }
0x98: {  	[sflag:s14] =	ssyncset.done $0x0  }
0x99: {  	s24 =	simm.s32 $0x600;
	[sflag:s14] =	ssyncadd.s32 $0xFFFFC000  }
0x9a: {  	[tilespmem:s16], [sflag:$0x1] =	stream.indirect.gather [hbm4b:s4+s17], $0x80, s24, s17, $0xb8;
	[tilespmem:$0x1D400] =	vst v63  }
0x9b: {  	_ =	swait.ge [sflag:s21], $0x4000  }
0x9c: {  	[sflag:s21] =	ssyncset.done $0x0  }
0x9d: {  	s24 =	simm.s32 $0xF80;
	[sflag:s21] =	ssyncadd.s32 $0xFFFFC000  }
0x9e: {  	[spmem:s2] =	stream.indirect.scatter.add.f32 [tilespmem:s18], [sflag:$0x3], $0x80, s24, s17, $0xb8;
	[tilespmem:$0x1D400] =	vst v63  }
0x9f: {  	_ =	swait.ge [sflag:s14], $0x4000  }
0xa0: {  	[sflag:s14] =	ssyncset.done $0x0  }
0xa1: {  	s24 =	simm.s32 $0x680;
	[sflag:s14] =	ssyncadd.s32 $0xFFFFC000  }
0xa2: {  	[tilespmem:s18], [sflag:$0x2] =	stream.indirect.gather [hbm4b:s4+s17], $0x80, s24, s17, $0xb8;
	[tilespmem:$0x1D400] =	vst v63  }
0xa3: {  	_ =	swait.ge [sflag:s19], $0x4000  }
0xa4: {  	[sflag:s19] =	ssyncset.done $0x0  }
0xa5: {  	s24 =	simm.s32 $0x1000;
	[sflag:s19] =	ssyncadd.s32 $0xFFFFC000  }
0xa6: {  	[spmem:s2] =	stream.indirect.scatter.add.f32 [tilespmem:s16], [sflag:$0x3], $0x80, s24, s17, $0xb8;
	[tilespmem:$0x1D400] =	vst v63  }
0xa7: {  	_ =	swait.ge [sflag:s14], $0x4000  }
0xa8: {  	[sflag:s14] =	ssyncset.done $0x0  }
0xa9: {  	s24 =	simm.s32 $0x700;
	[sflag:s14] =	ssyncadd.s32 $0xFFFFC000  }
0xaa: {  	[tilespmem:s16], [sflag:$0x1] =	stream.indirect.gather [hbm4b:s4+s17], $0x80, s24, s17, $0xb8;
	[tilespmem:$0x1D400] =	vst v63  }
0xab: {  	_ =	swait.ge [sflag:s21], $0x4000  }
0xac: {  	[sflag:s21] =	ssyncset.done $0x0  }
0xad: {  	s24 =	simm.s32 $0x1080;
	[sflag:s21] =	ssyncadd.s32 $0xFFFFC000  }
0xae: {  	[spmem:s2] =	stream.indirect.scatter.add.f32 [tilespmem:s18], [sflag:$0x3], $0x80, s24, s17, $0xb8;
	[tilespmem:$0x1D400] =	vst v63  }
0xaf: {  	_ =	swait.ge [sflag:s14], $0x4000  }
0xb0: {  	[sflag:s14] =	ssyncset.done $0x0  }
0xb1: {  	s24 =	simm.s32 $0x780;
	[sflag:s14] =	ssyncadd.s32 $0xFFFFC000  }
0xb2: {  	[tilespmem:s18], [sflag:$0x2] =	stream.indirect.gather [hbm4b:s4+s17], $0x80, s24, s17, $0xb8;
	[tilespmem:$0x1D400] =	vst v63  }
0xb3: {  	_ =	swait.ge [sflag:s19], $0x4000  }
0xb4: {  	[sflag:s19] =	ssyncset.done $0x0  }
0xb5: {  	s24 =	simm.s32 $0x1100;
	[sflag:s19] =	ssyncadd.s32 $0xFFFFC000  }
0xb6: {  	[spmem:s2] =	stream.indirect.scatter.add.f32 [tilespmem:s16], [sflag:$0x3], $0x80, s24, s17, $0xb8;
	[tilespmem:$0x1D400] =	vst v63  }
0xb7: {  	_ =	swait.ge [sflag:s14], $0x4000  }
0xb8: {  	[sflag:s14] =	ssyncset.done $0x0  }
0xb9: {  	[sflag:s14] =	ssyncadd.s32 $0xFFFFC000  }
0xba: {  	[tilespmem:s16], [sflag:$0x1] =	stream.indirect.gather [hbm4b:s4+s17], $0x80, s25, s17, $0xb8;
	[tilespmem:$0x1D400] =	vst v63  }
0xbb: {  	_ =	swait.ge [sflag:s21], $0x4000  }
0xbc: {  	[sflag:s21] =	ssyncset.done $0x0  }
0xbd: {  	[sflag:s21] =	ssyncadd.s32 $0xFFFFC000  }
0xbe: {  	[spmem:s2] =	stream.indirect.scatter.add.f32 [tilespmem:s18], [sflag:$0x3], $0x80, s26, s17, $0xb8;
	[tilespmem:$0x1D400] =	vst v63  }
0xbf: {  	_ =	swait.ge [sflag:s14], $0x4000  }
0xc0: {  	[sflag:s14] =	ssyncset.done $0x0  }
0xc1: {  	[sflag:s14] =	ssyncadd.s32 $0xFFFFC000  }
0xc2: {  	[tilespmem:s18], [sflag:$0x2] =	stream.indirect.gather [hbm4b:s4+s17], $0x80, s28, s17, $0xb8;
	[tilespmem:$0x1D400] =	vst v63  }
0xc3: {  	_ =	swait.ge [sflag:s19], $0x4000  }
0xc4: {  	[sflag:s19] =	ssyncset.done $0x0  }
0xc5: {  	[sflag:s19] =	ssyncadd.s32 $0xFFFFC000  }
0xc6: {  	[spmem:s2] =	stream.indirect.scatter.add.f32 [tilespmem:s16], [sflag:$0x3], $0x80, s29, s17, $0xb8;
	[tilespmem:$0x1D400] =	vst v63  }
0xc7: {  	_ =	swait.ge [sflag:s14], $0x4000  }
0xc8: {  	[sflag:s14] =	ssyncset.done $0x0  }
0xc9: {  	[sflag:s14] =	ssyncadd.s32 $0xFFFFC000  }
0xca: {  	[tilespmem:s16], [sflag:$0x1] =	stream.indirect.gather [hbm4b:s4+s17], $0x80, s30, s17, $0xb8;
	[tilespmem:$0x1D400] =	vst v63  }
0xcb: {  	_ =	swait.ge [sflag:s21], $0x4000  }
0xcc: {  	[sflag:s21] =	ssyncset.done $0x0  }
0xcd: {  	[sflag:s21] =	ssyncadd.s32 $0xFFFFC000  }
0xce: {  	[spmem:s2] =	stream.indirect.scatter.add.f32 [tilespmem:s18], [sflag:$0x3], $0x80, s31, s17, $0xb8;
	[tilespmem:$0x1D400] =	vst v63  }
0xcf: {  	_ =	swait.ge [sflag:s14], $0x4000  }
0xd0: {  	[sflag:s14] =	ssyncset.done $0x0  }
0xd1: {  	[sflag:s14] =	ssyncadd.s32 $0xFFFFC000  }
0xd2: {  	[tilespmem:s18], [sflag:$0x2] =	stream.indirect.gather [hbm4b:s4+s17], $0x80, s0, s17, $0xb8;
	[tilespmem:$0x1D400] =	vst v63  }
0xd3: {  	_ =	swait.ge [sflag:s19], $0x4000  }
0xd4: {  	[sflag:s19] =	ssyncset.done $0x0  }
0xd5: {  	[sflag:s19] =	ssyncadd.s32 $0xFFFFC000  }
0xd6: {  	[spmem:s2] =	stream.indirect.scatter.add.f32 [tilespmem:s16], [sflag:$0x3], $0x80, s1, s17, $0xb8;
	[tilespmem:$0x1D400] =	vst v63  }
0xd7: {  	_ =	swait.ge [sflag:s14], $0x4000  }
0xd8: {  	[sflag:s14] =	ssyncset.done $0x0  }
0xd9: {  	[sflag:s14] =	ssyncadd.s32 $0xFFFFC000  }
0xda: {  	_ =	swait.ge [sflag:s21], $0x4000  }
0xdb: {  	[sflag:s21] =	ssyncset.done $0x0  }
0xdc: {  	[sflag:s21] =	ssyncadd.s32 $0xFFFFC000  }
0xdd: {  	[spmem:s2] =	stream.indirect.scatter.add.f32 [tilespmem:s18], [sflag:$0x3], $0x80, s20, s17, $0xb8;
	[tilespmem:$0x1D400] =	vst v63  }
0xde: {  	s22 =	sadd.s32 $0x1, s22;
	_ =	swait.ge [sflag:s14], $0x4000  }
0xdf: {  	p0 =	sne.s32 s22, s13;
	s24 =	stileid.u32;
	[sflag:s14] =	ssyncset.done $0x0  }
0xe0: {  	s23 =	sshll.u32 s24, $0x6;
	s24 =	sshrl.u32 s7, $0x3;
	[sflag:s14] =	ssyncadd.s32 $0xFFFFC000  }
.Ltmp1:
0xe1: {  	s23 =	sor.u32 $0x1C03, s23;
	[bflag:$0x0] =	sbarrier.arrive $0xFFFF;
	(pc) =	sbr.rel @p0 .LBB2_1-.Ltmp1, $4  }
0xe2: {  	[hbm:s12], [sflag:s23] =	dma.local [spmem:s24], $0x2800  }
0xe3: {  	_ =	swait.ge [sflag:s14], $0x2800  }
0xe4: {  	[sflag:s14] =	ssyncset.done $0x0  }
0xe5: {  	[sflag:s14] =	ssyncadd.s32 $0xFFFFD800  }
0xe6: {  	_ =	sfence.sel $0x180000  }
0xe7: {  	[bflag:$0x0] =	sbarrier.arrive $0xFFFF  }
0xe8: {  	_ =	strace $0x9000004A  }
0xe9: {  	s0 =	stileid.u32;
	[bflag:$0x2] =	sbarrier.arrive $0xFFFF  }
0xea: {  	p0 =	sne.s32 s0, $0x0;
	s0 =	rddreg [dreg:$0x2]  }
0xeb: {  	s0 =	sadd.s32 @!p0 $0x100000, s0  }
0xec: {  	[sflag:s0] =	ssyncadd.tile.s32 @!p0 $0x1;
	_ =	shalt  }
.Lfunc_end2:
_tile_overlayer_lowered:
.L_overlay_start_2:
0xed: {  	(tag) =	ssettag $0x2  }
0xee: {  	s0 =	rddreg [dreg:$0x0];
	s2 =	stileid.u32  }
0xef: {  	s1 =	rddreg [dreg:$0x1];
	p0 =	sne.s32 s2, $0x0  }
0xf0: {  	s3 =	rddreg [dreg:$0x2];
	[bflag:$0x3] =	sbarrier.arrive $0xFFFF;
	s2 =	simm.s32 @!p0 $0x1C03  }
0xf1: {  	[timem:s3], [sflag:s2] =	dma.local @!p0 [hbm:s0], s1  }
0xf2: {  	s0 =	simm.s32 @!p0 $0x3  }
0xf3: {  	_ =	swait.ge @!p0 [sflag:s0], s1  }
0xf4: {  	s1 =	ssub.s32 @!p0 $0x0, s1;
	[sflag:s0] =	ssyncset.done @!p0 $0x0  }
0xf5: {  	[sflag:s0] =	ssyncadd.s32 @!p0 s1  }
0xf6: {  	[bflag:$0x3] =	sbarrier.arrive $0xFFFF  }
0xf7: {  	_ =	shalt  }

</sc_bundles>
